<compile_context>
chip_gen: v7x
topology: tpu7x:2x2x1
jax: 0.10.2.dev20260603
libtpu: 0.0.44.dev20260713+nightly
codegen_flags: <defaults>
</compile_context>

<pallas_src>
import jax
import jax.numpy as jnp
from jax import lax
from jax.experimental import pallas as pl
from jax.experimental.pallas import tpu as pltpu
from jax.experimental.pallas import tpu_sc as plsc

N_NODES = 10000
N_EDGES = 320000
NP = 10016
C = 128
NBUF = 5
NCH0 = 145
NCH1 = 15
STRIPE = NP // 16
NCHUNKS = 16 * (NCH0 + NCH1)
EP = NCHUNKS * C
NCPAD = NCHUNKS + (NCH0 - NCH1)


def _make_sc_seg(D, with_deg):
    mesh = plsc.VectorSubcoreMesh(core_axis_name="c", subcore_axis_name="s")
    outs = [jax.ShapeDtypeStruct((2, NP, D), jnp.float32)]
    scratch = [
        pltpu.VMEM((NCH0, C), jnp.int32),
        pltpu.VMEM((NCH0, C), jnp.int32),
        pltpu.VMEM_SHARED((NP, D), jnp.float32),
    ]
    scratch += [pltpu.VMEM((C, D), jnp.float32) for _ in range(NBUF)]
    scratch += [pltpu.SemaphoreType.DMA for _ in range(NBUF)]
    if with_deg:
        outs.append(jax.ShapeDtypeStruct((2, NP, 16), jnp.float32))
        scratch += [
            pltpu.VMEM((C, 16), jnp.float32),
            pltpu.VMEM_SHARED((NP, 16), jnp.float32),
        ]

    def body(*refs):
        if with_deg:
            (z, srcp, dstp, zacc, zdeg, ones, part, degpart,
             src_all, dst_all, acc_sh, *rest) = refs
            rows = rest[:NBUF]
            sems = rest[NBUF:2 * NBUF]
            ones_v, deg_sh = rest[2 * NBUF:]
        else:
            (z, srcp, dstp, zacc, part,
             src_all, dst_all, acc_sh, *rest) = refs
            rows = rest[:NBUF]
            sems = rest[NBUF:2 * NBUF]
        c = lax.axis_index("c")
        s = lax.axis_index("s")
        base_chunk = jnp.where(c == 0, s * NCH0, 16 * NCH0 + s * NCH1)
        nch = jnp.where(c == 0, NCH0, NCH1)

        row0 = s * STRIPE
        pltpu.sync_copy(zacc.at[pl.ds(row0, STRIPE)],
                        acc_sh.at[pl.ds(row0, STRIPE)])
        if with_deg:
            pltpu.sync_copy(zdeg.at[pl.ds(row0, STRIPE)],
                            deg_sh.at[pl.ds(row0, STRIPE)])
            pltpu.sync_copy(ones, ones_v)
        pltpu.sync_copy(srcp.at[pl.ds(base_chunk, NCH1)],
                        src_all.at[pl.ds(0, NCH1)])
        pltpu.sync_copy(dstp.at[pl.ds(base_chunk, NCH1)],
                        dst_all.at[pl.ds(0, NCH1)])

        @pl.when(c == 0)
        def _stage_rest():
            pltpu.sync_copy(srcp.at[pl.ds(base_chunk + NCH1, NCH0 - NCH1)],
                            src_all.at[pl.ds(NCH1, NCH0 - NCH1)])
            pltpu.sync_copy(dstp.at[pl.ds(base_chunk + NCH1, NCH0 - NCH1)],
                            dst_all.at[pl.ds(NCH1, NCH0 - NCH1)])

        plsc.subcore_barrier()

        for b in range(NBUF):
            pltpu.async_copy(z.at[src_all.at[b]], rows[b], sems[b])

        def group(g, carry2):
            for b in range(NBUF):
                i = g * NBUF + b
                pltpu.make_async_copy(z.at[src_all.at[i]], rows[b],
                                      sems[b]).wait()
                pltpu.sync_copy(rows[b], acc_sh.at[dst_all.at[i]],
                                add=True)
                if with_deg:
                    pltpu.sync_copy(ones_v, deg_sh.at[dst_all.at[i]],
                                    add=True)
                nxt = i + NBUF

                @pl.when(nxt < nch)
                def _prefetch():
                    pltpu.async_copy(z.at[src_all.at[nxt]], rows[b],
                                     sems[b])
            return carry2

        lax.fori_loop(0, nch // NBUF, group, 0)
        plsc.subcore_barrier()

        pltpu.sync_copy(acc_sh.at[pl.ds(row0, STRIPE)],
                        part.at[c, pl.ds(row0, STRIPE)])
        if with_deg:
            pltpu.sync_copy(deg_sh.at[pl.ds(row0, STRIPE)],
                            degpart.at[c, pl.ds(row0, STRIPE)])

    return pl.kernel(body, out_type=tuple(outs), mesh=mesh,
                     scratch_types=tuple(scratch),
                     compiler_params=pltpu.CompilerParams(
                         use_tc_tiling_on_sc=False,
                         needs_layout_passes=False))


_B = 2000


def _tc1(x, wl, wr, b):
    def body(x_ref, wl_ref, wr_ref, b_ref, z_ref, y_ref):
        xb = x_ref[...]
        z_ref[...] = jnp.dot(xb, wl_ref[...], preferred_element_type=jnp.float32)
        y_ref[...] = (jnp.dot(xb, wr_ref[...], preferred_element_type=jnp.float32)
                      + b_ref[0:1, :])
    full = lambda i: (0, 0)
    row = lambda i: (i, 0)
    return pl.pallas_call(
        body,
        grid=(N_NODES // _B,),
        in_specs=[pl.BlockSpec((_B, 128), row), pl.BlockSpec((128, 64), full),
                  pl.BlockSpec((128, 64), full), pl.BlockSpec((8, 64), full)],
        out_specs=[pl.BlockSpec((_B, 64), row), pl.BlockSpec((_B, 64), row)],
        out_shape=[jax.ShapeDtypeStruct((N_NODES, 64), jnp.float32)] * 2,
    )(x, wl, wr, b)


def _tc2(part1, degpart, y1, wl, wr, b):
    def body(p0_ref, p1_ref, d0_ref, d1_ref, y1_ref, wl_ref, wr_ref, b_ref,
             z_ref, y_ref):
        deg = d0_ref[0][:, 0:1] + d1_ref[0][:, 0:1]
        degc = jnp.maximum(deg, 1.0)
        h1 = jnp.maximum((p0_ref[0] + p1_ref[0]) / degc + y1_ref[...], 0.0)
        z_ref[...] = jnp.dot(h1, wl_ref[...], preferred_element_type=jnp.float32)
        y_ref[...] = (jnp.dot(h1, wr_ref[...], preferred_element_type=jnp.float32)
                      + b_ref[0:1, :])
    full = lambda i: (0, 0)
    row = lambda i: (i, 0)
    c0 = lambda i: (0, i, 0)
    c1 = lambda i: (1, i, 0)
    return pl.pallas_call(
        body,
        grid=(N_NODES // _B,),
        in_specs=[pl.BlockSpec((1, _B, 64), c0), pl.BlockSpec((1, _B, 64), c1),
                  pl.BlockSpec((1, _B, 16), c0), pl.BlockSpec((1, _B, 16), c1),
                  pl.BlockSpec((_B, 64), row), pl.BlockSpec((64, 32), full),
                  pl.BlockSpec((64, 32), full), pl.BlockSpec((8, 32), full)],
        out_specs=[pl.BlockSpec((_B, 32), row), pl.BlockSpec((_B, 32), row)],
        out_shape=[jax.ShapeDtypeStruct((N_NODES, 32), jnp.float32),
                   jax.ShapeDtypeStruct((N_NODES, 32), jnp.float32)],
    )(part1, part1, degpart, degpart, y1, wl, wr, b)


def _tc3(part2, degpart, y2, wc1, b1, wc2, b2):
    def body(q0_ref, q1_ref, d0_ref, d1_ref, y2_ref, wc1_ref, b1_ref,
             wc2_ref, b2_ref, out_ref):
        deg = d0_ref[0][:, 0:1] + d1_ref[0][:, 0:1]
        degc = jnp.maximum(deg, 1.0)
        h2 = jnp.maximum((q0_ref[0] + q1_ref[0]) / degc + y2_ref[...], 0.0)
        c1 = jnp.maximum(
            jnp.dot(h2, wc1_ref[...], preferred_element_type=jnp.float32)
            + b1_ref[0:1, :], 0.0)
        out_ref[...] = (jnp.dot(c1, wc2_ref[...], preferred_element_type=jnp.float32)
                        + b2_ref[0:1, :])
    full = lambda i: (0, 0)
    row = lambda i: (i, 0)
    c0 = lambda i: (0, i, 0)
    c1 = lambda i: (1, i, 0)
    return pl.pallas_call(
        body,
        grid=(N_NODES // _B,),
        in_specs=[pl.BlockSpec((1, _B, 32), c0), pl.BlockSpec((1, _B, 32), c1),
                  pl.BlockSpec((1, _B, 16), c0), pl.BlockSpec((1, _B, 16), c1),
                  pl.BlockSpec((_B, 32), row), pl.BlockSpec((32, 16), full),
                  pl.BlockSpec((8, 16), full), pl.BlockSpec((16, 2), full),
                  pl.BlockSpec((8, 2), full)],
        out_specs=pl.BlockSpec((_B, 2), row),
        out_shape=jax.ShapeDtypeStruct((N_NODES, 2), jnp.float32),
    )(part2, part2, degpart, degpart, y2, wc1, b1, wc2, b2)


def kernel(x, edge_index, W1l, W1r, b1, W2l, W2r, b2, Wc1, bc1, Wc2, bc2):
    f32 = jnp.float32
    src = edge_index[0].astype(jnp.int32)
    dst = edge_index[1].astype(jnp.int32)
    pad = NCPAD * C - N_EDGES
    srcp = jnp.concatenate([src, jnp.zeros((pad,), jnp.int32)]
                           ).reshape(NCPAD, C)
    dstp = jnp.concatenate([dst, jnp.full((pad,), N_NODES, jnp.int32)]
                           ).reshape(NCPAD, C)

    zacc64 = jnp.zeros((NP, 64), f32)
    zacc32 = jnp.zeros((NP, 32), f32)
    zdeg = jnp.zeros((NP, 16), f32)
    ones = jnp.ones((C, 16), f32)

    z1, y1 = _tc1(x, W1l.T, W1r.T, jnp.broadcast_to(b1, (8, 64)))

    part1, degpart = _make_sc_seg(64, True)(z1, srcp, dstp, zacc64, zdeg, ones)

    z2, y2 = _tc2(part1, degpart, y1, W2l.T, W2r.T,
                  jnp.broadcast_to(b2, (8, 32)))

    (part2,) = _make_sc_seg(32, False)(z2, srcp, dstp, zacc32)

    out = _tc3(part2, degpart, y2,
               Wc1.T, jnp.broadcast_to(bc1, (8, 16)),
               Wc2.T, jnp.broadcast_to(bc2, (8, 2)))
    return out

# --- scband reference (transcript-rebuilt; emitter-appended) ---
"""Pipeline reference for scband-hydra-gnn-7773890806311 (READ-ONLY COPY).

The authoritative reference and input builder live on the scoring server;
editing this copy changes nothing except your own understanding.
"""

import jax, jax.numpy as jnp
import numpy as np

N_NODES = 10000
N_EDGES = 320000
D_IN = 128
HID = 64


def setup_inputs(seed: int = 0) -> dict:
    key = jax.random.key(seed)
    ks = jax.random.split(key, 16)
    x = jax.random.normal(ks[0], (N_NODES, D_IN), dtype=jnp.float32)
    edge_index = jax.random.randint(ks[1], (2, N_EDGES), 0, N_NODES, dtype=jnp.int64)
    # SAGEConv layer 1: in=128 -> out=64 (lin_l has bias, lin_r no bias, PyG convention)
    W1l = jax.random.normal(ks[2], (HID, D_IN), dtype=jnp.float32) * (1.0 / np.sqrt(D_IN))
    W1r = jax.random.normal(ks[3], (HID, D_IN), dtype=jnp.float32) * (1.0 / np.sqrt(D_IN))
    b1 = jnp.zeros((HID,), dtype=jnp.float32)
    # SAGEConv layer 2: in=64 -> out=32 (hidden_channels // 2)
    W2l = jax.random.normal(ks[4], (HID // 2, HID), dtype=jnp.float32) * (1.0 / np.sqrt(HID))
    W2r = jax.random.normal(ks[5], (HID // 2, HID), dtype=jnp.float32) * (1.0 / np.sqrt(HID))
    b2 = jnp.zeros((HID // 2,), dtype=jnp.float32)
    # classifier: Linear(32, 16) -> ReLU -> Linear(16, 2)
    Wc1 = jax.random.normal(ks[6], (16, HID // 2), dtype=jnp.float32) * (1.0 / np.sqrt(HID // 2))
    bc1 = jnp.zeros((16,), dtype=jnp.float32)
    Wc2 = jax.random.normal(ks[7], (2, 16), dtype=jnp.float32) * (1.0 / np.sqrt(16))
    bc2 = jnp.zeros((2,), dtype=jnp.float32)
    return {"x": x, "edge_index": edge_index, "W1l": W1l, "W1r": W1r, "b1": b1,
            "W2l": W2l, "W2r": W2r, "b2": b2, "Wc1": Wc1, "bc1": bc1, "Wc2": Wc2, "bc2": bc2}


def _sage_conv(x, edge_index, Wl, Wr, b):
    # PyG SAGEConv with mean aggregation:
    #   out = lin_l(mean_{j in N(i)} x_j) + lin_r(x_i)
    src = edge_index[0]
    dst = edge_index[1]
    msgs = jnp.take(x, src, axis=0)  # gather source-node features per edge
    agg = jax.ops.segment_sum(msgs, dst, num_segments=x.shape[0])
    deg = jax.ops.segment_sum(jnp.ones((edge_index.shape[1],), dtype=x.dtype), dst,
                              num_segments=x.shape[0])
    agg = agg / jnp.clip(deg, 1.0, None)[:, None]
    return agg @ Wl.T + b + x @ Wr.T


def reference(x, edge_index, W1l, W1r, b1, W2l, W2r, b2, Wc1, bc1, Wc2, bc2):
    # dropout is identity in eval mode (training=False)
    h = _sage_conv(x, edge_index, W1l, W1r, b1)
    h = jax.nn.relu(h)
    h = _sage_conv(h, edge_index, W2l, W2r, b2)
    h = jax.nn.relu(h)
    h = h @ Wc1.T + bc1
    h = jax.nn.relu(h)
    out = h @ Wc2.T + bc2
    return out

if __name__ == "__main__":
    import jax
    _d = setup_inputs()
    print(jax.jit(kernel)(*tuple(_d.values())))

</pallas_src>

<mosaic_0001>
#map = affine_map<(d0, d1) -> (0, 0)>
#map1 = affine_map<(d0, d1) -> (0, 0, 0)>
module attributes {stable_mosaic.version = 14 : i64} {
  func.func @body(%arg0: i32, %arg1: i32, %arg2: memref<10000x64xf32, #tpu.memory_space<hbm>>, %arg3: memref<2690x128xi32, #tpu.memory_space<hbm>>, %arg4: memref<2690x128xi32, #tpu.memory_space<hbm>>, %arg5: memref<10016x64xf32, #tpu.memory_space<hbm>>, %arg6: memref<10016x16xf32, #tpu.memory_space<hbm>>, %arg7: memref<128x16xf32, #tpu.memory_space<hbm>>, %arg8: memref<2x10016x64xf32, #tpu.memory_space<hbm>>, %arg9: memref<2x10016x16xf32, #tpu.memory_space<hbm>>, %arg10: memref<145x128xi32, #tpu.memory_space<vmem>>, %arg11: memref<145x128xi32, #tpu.memory_space<vmem>>, %arg12: memref<10016x64xf32, #tpu.memory_space<vmem_shared>>, %arg13: memref<128x64xf32, #tpu.memory_space<vmem>>, %arg14: memref<128x64xf32, #tpu.memory_space<vmem>>, %arg15: memref<128x64xf32, #tpu.memory_space<vmem>>, %arg16: memref<128x64xf32, #tpu.memory_space<vmem>>, %arg17: memref<128x64xf32, #tpu.memory_space<vmem>>, %arg18: memref<!tpu.dma_semaphore, #tpu.memory_space<semaphore_mem>>, %arg19: memref<!tpu.dma_semaphore, #tpu.memory_space<semaphore_mem>>, %arg20: memref<!tpu.dma_semaphore, #tpu.memory_space<semaphore_mem>>, %arg21: memref<!tpu.dma_semaphore, #tpu.memory_space<semaphore_mem>>, %arg22: memref<!tpu.dma_semaphore, #tpu.memory_space<semaphore_mem>>, %arg23: memref<128x16xf32, #tpu.memory_space<vmem>>, %arg24: memref<10016x16xf32, #tpu.memory_space<vmem_shared>>) attributes {dimension_semantics = [#tpu.dimension_semantics<core_parallel>, #tpu.dimension_semantics<subcore_parallel>], iteration_bounds = array<i64: 2, 16>, scalar_prefetch = 0 : i64, scratch_operands = 15 : i64, tpu.core_type = #tpu.core_type<sc_vector_subcore>, window_params = [{transform_indices = #map}, {transform_indices = #map}, {transform_indices = #map}, {transform_indices = #map}, {transform_indices = #map}, {transform_indices = #map}, {transform_indices = #map1}, {transform_indices = #map1}]} {
    %eq3A = arith.constant 0 : i32
    %eq3A_0 = arith.cmpi eq, %arg0, %eq3A : i32
    %mul3A = arith.constant 145 : i32
    %mul3A_1 = arith.muli %arg1, %mul3A : i32
    %mul3A_2 = arith.constant 15 : i32
    %mul3A_3 = arith.muli %arg1, %mul3A_2 : i32
    %add3A = arith.constant 2320 : i32
    %add3A_4 = arith.addi %add3A, %mul3A_3 : i32
    %select_n3A = arith.select %eq3A_0, %mul3A_1, %add3A_4 : i32
    %eq3A_5 = arith.constant 0 : i32
    %eq3A_6 = arith.cmpi eq, %arg0, %eq3A_5 : i32
    %jit3A = arith.constant 145 : i32
    %jit3A_7 = arith.constant 15 : i32
    %select_n3A_8 = arith.select %eq3A_6, %jit3A, %jit3A_7 : i32
    %mul3A_9 = arith.constant 626 : i32
    %mul3A_10 = arith.muli %arg1, %mul3A_9 : i32
    "tpu.region"() ({
      %run_scoped3A = tpu.sem_alloc : memref<!tpu.dma_semaphore, #tpu.memory_space<semaphore_mem>>
      %dma_start3A_76 = arith.constant 0 : i32
      %dma_start3A_77 = tpu.memref_slice %arg12[%mul3A_10, %dma_start3A_76] : memref<10016x64xf32, #tpu.memory_space<vmem_shared>> -> memref<626x64xf32, #tpu.memory_space<vmem_shared>>
      %dma_start3A_78 = arith.constant 0 : i32
      %dma_start3A_79 = tpu.memref_slice %arg5[%mul3A_10, %dma_start3A_78] : memref<10016x64xf32, #tpu.memory_space<hbm>> -> memref<626x64xf32, #tpu.memory_space<hbm>>
      tpu.enqueue_dma source(%dma_start3A_79 : memref<626x64xf32, #tpu.memory_space<hbm>>) target(%dma_start3A_77 : memref<626x64xf32, #tpu.memory_space<vmem_shared>>) target_semaphore(%run_scoped3A : memref<!tpu.dma_semaphore, #tpu.memory_space<semaphore_mem>>)
      %dma_wait3A = arith.constant 0 : i32
      %dma_wait3A_80 = tpu.memref_slice %arg12[%mul3A_10, %dma_wait3A] : memref<10016x64xf32, #tpu.memory_space<vmem_shared>> -> memref<626x64xf32, #tpu.memory_space<vmem_shared>>
      %dma_wait3A_81 = arith.constant 0 : i32
      %dma_wait3A_82 = tpu.memref_slice %arg5[%mul3A_10, %dma_wait3A_81] : memref<10016x64xf32, #tpu.memory_space<hbm>> -> memref<626x64xf32, #tpu.memory_space<hbm>>
      tpu.wait_dma2 semaphore(%run_scoped3A : memref<!tpu.dma_semaphore, #tpu.memory_space<semaphore_mem>>) src(%dma_wait3A_82 : memref<626x64xf32, #tpu.memory_space<hbm>>) dst(%dma_wait3A_80 : memref<626x64xf32, #tpu.memory_space<vmem_shared>>)
      tpu.yield
    }) : () -> ()
    "tpu.region"() ({
      %run_scoped3A = tpu.sem_alloc : memref<!tpu.dma_semaphore, #tpu.memory_space<semaphore_mem>>
      %dma_start3A_76 = arith.constant 0 : i32
      %dma_start3A_77 = tpu.memref_slice %arg24[%mul3A_10, %dma_start3A_76] : memref<10016x16xf32, #tpu.memory_space<vmem_shared>> -> memref<626x16xf32, #tpu.memory_space<vmem_shared>>
      %dma_start3A_78 = arith.constant 0 : i32
      %dma_start3A_79 = tpu.memref_slice %arg6[%mul3A_10, %dma_start3A_78] : memref<10016x16xf32, #tpu.memory_space<hbm>> -> memref<626x16xf32, #tpu.memory_space<hbm>>
      tpu.enqueue_dma source(%dma_start3A_79 : memref<626x16xf32, #tpu.memory_space<hbm>>) target(%dma_start3A_77 : memref<626x16xf32, #tpu.memory_space<vmem_shared>>) target_semaphore(%run_scoped3A : memref<!tpu.dma_semaphore, #tpu.memory_space<semaphore_mem>>)
      %dma_wait3A = arith.constant 0 : i32
      %dma_wait3A_80 = tpu.memref_slice %arg24[%mul3A_10, %dma_wait3A] : memref<10016x16xf32, #tpu.memory_space<vmem_shared>> -> memref<626x16xf32, #tpu.memory_space<vmem_shared>>
      %dma_wait3A_81 = arith.constant 0 : i32
      %dma_wait3A_82 = tpu.memref_slice %arg6[%mul3A_10, %dma_wait3A_81] : memref<10016x16xf32, #tpu.memory_space<hbm>> -> memref<626x16xf32, #tpu.memory_space<hbm>>
      tpu.wait_dma2 semaphore(%run_scoped3A : memref<!tpu.dma_semaphore, #tpu.memory_space<semaphore_mem>>) src(%dma_wait3A_82 : memref<626x16xf32, #tpu.memory_space<hbm>>) dst(%dma_wait3A_80 : memref<626x16xf32, #tpu.memory_space<vmem_shared>>)
      tpu.yield
    }) : () -> ()
    "tpu.region"() ({
      %run_scoped3A = tpu.sem_alloc : memref<!tpu.dma_semaphore, #tpu.memory_space<semaphore_mem>>
      tpu.enqueue_dma source(%arg7 : memref<128x16xf32, #tpu.memory_space<hbm>>) target(%arg23 : memref<128x16xf32, #tpu.memory_space<vmem>>) target_semaphore(%run_scoped3A : memref<!tpu.dma_semaphore, #tpu.memory_space<semaphore_mem>>)
      tpu.wait_dma2 semaphore(%run_scoped3A : memref<!tpu.dma_semaphore, #tpu.memory_space<semaphore_mem>>) src(%arg7 : memref<128x16xf32, #tpu.memory_space<hbm>>) dst(%arg23 : memref<128x16xf32, #tpu.memory_space<vmem>>)
      tpu.yield
    }) : () -> ()
    "tpu.region"() ({
      %run_scoped3A = tpu.sem_alloc : memref<!tpu.dma_semaphore, #tpu.memory_space<semaphore_mem>>
      %dma_start3A_76 = arith.constant 0 : i32
      %dma_start3A_77 = arith.constant 0 : i32
      %dma_start3A_78 = tpu.memref_slice %arg10[%dma_start3A_76, %dma_start3A_77] : memref<145x128xi32, #tpu.memory_space<vmem>> -> memref<15x128xi32, #tpu.memory_space<vmem>>
      %dma_start3A_79 = arith.constant 0 : i32
      %dma_start3A_80 = tpu.memref_slice %arg3[%select_n3A, %dma_start3A_79] : memref<2690x128xi32, #tpu.memory_space<hbm>> -> memref<15x128xi32, #tpu.memory_space<hbm>>
      %dma_start3A_81 = arith.constant 0 : i32
      %dma_start3A_82 = arith.constant 0 : i32
      %dma_start3A_83 = tpu.memref_slice %arg10[%dma_start3A_81, %dma_start3A_82] : memref<145x128xi32, #tpu.memory_space<vmem>> -> memref<15x128xi32, #tpu.memory_space<vmem>>
      %dma_start3A_84 = arith.constant 0 : i32
      %dma_start3A_85 = tpu.memref_slice %arg3[%select_n3A, %dma_start3A_84] : memref<2690x128xi32, #tpu.memory_space<hbm>> -> memref<15x128xi32, #tpu.memory_space<hbm>>
      tpu.enqueue_dma source(%dma_start3A_85 : memref<15x128xi32, #tpu.memory_space<hbm>>) target(%dma_start3A_83 : memref<15x128xi32, #tpu.memory_space<vmem>>) target_semaphore(%run_scoped3A : memref<!tpu.dma_semaphore, #tpu.memory_space<semaphore_mem>>)
      %dma_wait3A = arith.constant 0 : i32
      %dma_wait3A_86 = arith.constant 0 : i32
      %dma_wait3A_87 = tpu.memref_slice %arg10[%dma_wait3A, %dma_wait3A_86] : memref<145x128xi32, #tpu.memory_space<vmem>> -> memref<15x128xi32, #tpu.memory_space<vmem>>
      %dma_wait3A_88 = arith.constant 0 : i32
      %dma_wait3A_89 = tpu.memref_slice %arg3[%select_n3A, %dma_wait3A_88] : memref<2690x128xi32, #tpu.memory_space<hbm>> -> memref<15x128xi32, #tpu.memory_space<hbm>>
      %dma_wait3A_90 = arith.constant 0 : i32
      %dma_wait3A_91 = arith.constant 0 : i32
      %dma_wait3A_92 = tpu.memref_slice %arg10[%dma_wait3A_90, %dma_wait3A_91] : memref<145x128xi32, #tpu.memory_space<vmem>> -> memref<15x128xi32, #tpu.memory_space<vmem>>
      %dma_wait3A_93 = arith.constant 0 : i32
      %dma_wait3A_94 = tpu.memref_slice %arg3[%select_n3A, %dma_wait3A_93] : memref<2690x128xi32, #tpu.memory_space<hbm>> -> memref<15x128xi32, #tpu.memory_space<hbm>>
      tpu.wait_dma2 semaphore(%run_scoped3A : memref<!tpu.dma_semaphore, #tpu.memory_space<semaphore_mem>>) src(%dma_wait3A_94 : memref<15x128xi32, #tpu.memory_space<hbm>>) dst(%dma_wait3A_92 : memref<15x128xi32, #tpu.memory_space<vmem>>)
      tpu.yield
    }) : () -> ()
    "tpu.region"() ({
      %run_scoped3A = tpu.sem_alloc : memref<!tpu.dma_semaphore, #tpu.memory_space<semaphore_mem>>
      %dma_start3A_76 = arith.constant 0 : i32
      %dma_start3A_77 = arith.constant 0 : i32
      %dma_start3A_78 = tpu.memref_slice %arg11[%dma_start3A_76, %dma_start3A_77] : memref<145x128xi32, #tpu.memory_space<vmem>> -> memref<15x128xi32, #tpu.memory_space<vmem>>
      %dma_start3A_79 = arith.constant 0 : i32
      %dma_start3A_80 = tpu.memref_slice %arg4[%select_n3A, %dma_start3A_79] : memref<2690x128xi32, #tpu.memory_space<hbm>> -> memref<15x128xi32, #tpu.memory_space<hbm>>
      %dma_start3A_81 = arith.constant 0 : i32
      %dma_start3A_82 = arith.constant 0 : i32
      %dma_start3A_83 = tpu.memref_slice %arg11[%dma_start3A_81, %dma_start3A_82] : memref<145x128xi32, #tpu.memory_space<vmem>> -> memref<15x128xi32, #tpu.memory_space<vmem>>
      %dma_start3A_84 = arith.constant 0 : i32
      %dma_start3A_85 = tpu.memref_slice %arg4[%select_n3A, %dma_start3A_84] : memref<2690x128xi32, #tpu.memory_space<hbm>> -> memref<15x128xi32, #tpu.memory_space<hbm>>
      tpu.enqueue_dma source(%dma_start3A_85 : memref<15x128xi32, #tpu.memory_space<hbm>>) target(%dma_start3A_83 : memref<15x128xi32, #tpu.memory_space<vmem>>) target_semaphore(%run_scoped3A : memref<!tpu.dma_semaphore, #tpu.memory_space<semaphore_mem>>)
      %dma_wait3A = arith.constant 0 : i32
      %dma_wait3A_86 = arith.constant 0 : i32
      %dma_wait3A_87 = tpu.memref_slice %arg11[%dma_wait3A, %dma_wait3A_86] : memref<145x128xi32, #tpu.memory_space<vmem>> -> memref<15x128xi32, #tpu.memory_space<vmem>>
      %dma_wait3A_88 = arith.constant 0 : i32
      %dma_wait3A_89 = tpu.memref_slice %arg4[%select_n3A, %dma_wait3A_88] : memref<2690x128xi32, #tpu.memory_space<hbm>> -> memref<15x128xi32, #tpu.memory_space<hbm>>
      %dma_wait3A_90 = arith.constant 0 : i32
      %dma_wait3A_91 = arith.constant 0 : i32
      %dma_wait3A_92 = tpu.memref_slice %arg11[%dma_wait3A_90, %dma_wait3A_91] : memref<145x128xi32, #tpu.memory_space<vmem>> -> memref<15x128xi32, #tpu.memory_space<vmem>>
      %dma_wait3A_93 = arith.constant 0 : i32
      %dma_wait3A_94 = tpu.memref_slice %arg4[%select_n3A, %dma_wait3A_93] : memref<2690x128xi32, #tpu.memory_space<hbm>> -> memref<15x128xi32, #tpu.memory_space<hbm>>
      tpu.wait_dma2 semaphore(%run_scoped3A : memref<!tpu.dma_semaphore, #tpu.memory_space<semaphore_mem>>) src(%dma_wait3A_94 : memref<15x128xi32, #tpu.memory_space<hbm>>) dst(%dma_wait3A_92 : memref<15x128xi32, #tpu.memory_space<vmem>>)
      tpu.yield
    }) : () -> ()
    %eq3A_11 = arith.constant 0 : i32
    %eq3A_12 = arith.cmpi eq, %arg0, %eq3A_11 : i32
    %convert_element_type3A = arith.extui %eq3A_12 : i1 to i32
    %cond3A = arith.constant 0 : i32
    %cond3A_13 = arith.cmpi ne, %convert_element_type3A, %cond3A : i32
    scf.if %cond3A_13 {
      %add3A_76 = arith.constant 15 : i32
      %add3A_77 = arith.addi %select_n3A, %add3A_76 : i32
      "tpu.region"() ({
        %run_scoped3A = tpu.sem_alloc : memref<!tpu.dma_semaphore, #tpu.memory_space<semaphore_mem>>
        %dma_start3A_80 = arith.constant 15 : i32
        %dma_start3A_81 = arith.constant 0 : i32
        %dma_start3A_82 = tpu.memref_slice %arg10[%dma_start3A_80, %dma_start3A_81] : memref<145x128xi32, #tpu.memory_space<vmem>> -> memref<130x128xi32, #tpu.memory_space<vmem>>
        %dma_start3A_83 = arith.constant 0 : i32
        %dma_start3A_84 = tpu.memref_slice %arg3[%add3A_77, %dma_start3A_83] : memref<2690x128xi32, #tpu.memory_space<hbm>> -> memref<130x128xi32, #tpu.memory_space<hbm>>
        %dma_start3A_85 = arith.constant 15 : i32
        %dma_start3A_86 = arith.constant 0 : i32
        %dma_start3A_87 = tpu.memref_slice %arg10[%dma_start3A_85, %dma_start3A_86] : memref<145x128xi32, #tpu.memory_space<vmem>> -> memref<130x128xi32, #tpu.memory_space<vmem>>
        %dma_start3A_88 = arith.constant 0 : i32
        %dma_start3A_89 = tpu.memref_slice %arg3[%add3A_77, %dma_start3A_88] : memref<2690x128xi32, #tpu.memory_space<hbm>> -> memref<130x128xi32, #tpu.memory_space<hbm>>
        tpu.enqueue_dma source(%dma_start3A_89 : memref<130x128xi32, #tpu.memory_space<hbm>>) target(%dma_start3A_87 : memref<130x128xi32, #tpu.memory_space<vmem>>) target_semaphore(%run_scoped3A : memref<!tpu.dma_semaphore, #tpu.memory_space<semaphore_mem>>)
        %dma_wait3A = arith.constant 15 : i32
        %dma_wait3A_90 = arith.constant 0 : i32
        %dma_wait3A_91 = tpu.memref_slice %arg10[%dma_wait3A, %dma_wait3A_90] : memref<145x128xi32, #tpu.memory_space<vmem>> -> memref<130x128xi32, #tpu.memory_space<vmem>>
        %dma_wait3A_92 = arith.constant 0 : i32
        %dma_wait3A_93 = tpu.memref_slice %arg3[%add3A_77, %dma_wait3A_92] : memref<2690x128xi32, #tpu.memory_space<hbm>> -> memref<130x128xi32, #tpu.memory_space<hbm>>
        %dma_wait3A_94 = arith.constant 15 : i32
        %dma_wait3A_95 = arith.constant 0 : i32
        %dma_wait3A_96 = tpu.memref_slice %arg10[%dma_wait3A_94, %dma_wait3A_95] : memref<145x128xi32, #tpu.memory_space<vmem>> -> memref<130x128xi32, #tpu.memory_space<vmem>>
        %dma_wait3A_97 = arith.constant 0 : i32
        %dma_wait3A_98 = tpu.memref_slice %arg3[%add3A_77, %dma_wait3A_97] : memref<2690x128xi32, #tpu.memory_space<hbm>> -> memref<130x128xi32, #tpu.memory_space<hbm>>
        tpu.wait_dma2 semaphore(%run_scoped3A : memref<!tpu.dma_semaphore, #tpu.memory_space<semaphore_mem>>) src(%dma_wait3A_98 : memref<130x128xi32, #tpu.memory_space<hbm>>) dst(%dma_wait3A_96 : memref<130x128xi32, #tpu.memory_space<vmem>>)
        tpu.yield
      }) : () -> ()
      %add3A_78 = arith.constant 15 : i32
      %add3A_79 = arith.addi %select_n3A, %add3A_78 : i32
      "tpu.region"() ({
        %run_scoped3A = tpu.sem_alloc : memref<!tpu.dma_semaphore, #tpu.memory_space<semaphore_mem>>
        %dma_start3A_80 = arith.constant 15 : i32
        %dma_start3A_81 = arith.constant 0 : i32
        %dma_start3A_82 = tpu.memref_slice %arg11[%dma_start3A_80, %dma_start3A_81] : memref<145x128xi32, #tpu.memory_space<vmem>> -> memref<130x128xi32, #tpu.memory_space<vmem>>
        %dma_start3A_83 = arith.constant 0 : i32
        %dma_start3A_84 = tpu.memref_slice %arg4[%add3A_79, %dma_start3A_83] : memref<2690x128xi32, #tpu.memory_space<hbm>> -> memref<130x128xi32, #tpu.memory_space<hbm>>
        %dma_start3A_85 = arith.constant 15 : i32
        %dma_start3A_86 = arith.constant 0 : i32
        %dma_start3A_87 = tpu.memref_slice %arg11[%dma_start3A_85, %dma_start3A_86] : memref<145x128xi32, #tpu.memory_space<vmem>> -> memref<130x128xi32, #tpu.memory_space<vmem>>
        %dma_start3A_88 = arith.constant 0 : i32
        %dma_start3A_89 = tpu.memref_slice %arg4[%add3A_79, %dma_start3A_88] : memref<2690x128xi32, #tpu.memory_space<hbm>> -> memref<130x128xi32, #tpu.memory_space<hbm>>
        tpu.enqueue_dma source(%dma_start3A_89 : memref<130x128xi32, #tpu.memory_space<hbm>>) target(%dma_start3A_87 : memref<130x128xi32, #tpu.memory_space<vmem>>) target_semaphore(%run_scoped3A : memref<!tpu.dma_semaphore, #tpu.memory_space<semaphore_mem>>)
        %dma_wait3A = arith.constant 15 : i32
        %dma_wait3A_90 = arith.constant 0 : i32
        %dma_wait3A_91 = tpu.memref_slice %arg11[%dma_wait3A, %dma_wait3A_90] : memref<145x128xi32, #tpu.memory_space<vmem>> -> memref<130x128xi32, #tpu.memory_space<vmem>>
        %dma_wait3A_92 = arith.constant 0 : i32
        %dma_wait3A_93 = tpu.memref_slice %arg4[%add3A_79, %dma_wait3A_92] : memref<2690x128xi32, #tpu.memory_space<hbm>> -> memref<130x128xi32, #tpu.memory_space<hbm>>
        %dma_wait3A_94 = arith.constant 15 : i32
        %dma_wait3A_95 = arith.constant 0 : i32
        %dma_wait3A_96 = tpu.memref_slice %arg11[%dma_wait3A_94, %dma_wait3A_95] : memref<145x128xi32, #tpu.memory_space<vmem>> -> memref<130x128xi32, #tpu.memory_space<vmem>>
        %dma_wait3A_97 = arith.constant 0 : i32
        %dma_wait3A_98 = tpu.memref_slice %arg4[%add3A_79, %dma_wait3A_97] : memref<2690x128xi32, #tpu.memory_space<hbm>> -> memref<130x128xi32, #tpu.memory_space<hbm>>
        tpu.wait_dma2 semaphore(%run_scoped3A : memref<!tpu.dma_semaphore, #tpu.memory_space<semaphore_mem>>) src(%dma_wait3A_98 : memref<130x128xi32, #tpu.memory_space<hbm>>) dst(%dma_wait3A_96 : memref<130x128xi32, #tpu.memory_space<vmem>>)
        tpu.yield
      }) : () -> ()
    } else {
    }
    %barrier3A = arith.constant 0 : index
    tpu.barrier barrier_id(%barrier3A)
    %dma_start3A = arith.constant 0 : i32
    %dma_start3A_14 = arith.constant 0 : i32
    %dma_start3A_15 = tpu.memref_slice %arg10[%dma_start3A, %dma_start3A_14] : memref<145x128xi32, #tpu.memory_space<vmem>> -> memref<1x128xi32, #tpu.memory_space<vmem>>
    %dma_start3A_16 = tpu.memref_squeeze %dma_start3A_15 : memref<1x128xi32, #tpu.memory_space<vmem>> -> memref<128xi32, #tpu.memory_space<vmem>>
    %dma_start3A_17 = arith.constant 0 : i32
    %dma_start3A_18 = arith.constant 0 : i32
    %dma_start3A_19 = tpu.memref_slice %arg2[%dma_start3A_17, %dma_start3A_18] : memref<10000x64xf32, #tpu.memory_space<hbm>> -> memref<10000x64xf32, #tpu.memory_space<hbm>>
    tpu.enqueue_indirect_dma source(%dma_start3A_19 : memref<10000x64xf32, #tpu.memory_space<hbm>>) target(%arg13 : memref<128x64xf32, #tpu.memory_space<vmem>>) offsets(%dma_start3A_16 : memref<128xi32, #tpu.memory_space<vmem>>) semaphore(%arg18 : memref<!tpu.dma_semaphore, #tpu.memory_space<semaphore_mem>>)
    %dma_start3A_20 = arith.constant 1 : i32
    %dma_start3A_21 = arith.constant 0 : i32
    %dma_start3A_22 = tpu.memref_slice %arg10[%dma_start3A_20, %dma_start3A_21] : memref<145x128xi32, #tpu.memory_space<vmem>> -> memref<1x128xi32, #tpu.memory_space<vmem>>
    %dma_start3A_23 = tpu.memref_squeeze %dma_start3A_22 : memref<1x128xi32, #tpu.memory_space<vmem>> -> memref<128xi32, #tpu.memory_space<vmem>>
    %dma_start3A_24 = arith.constant 0 : i32
    %dma_start3A_25 = arith.constant 0 : i32
    %dma_start3A_26 = tpu.memref_slice %arg2[%dma_start3A_24, %dma_start3A_25] : memref<10000x64xf32, #tpu.memory_space<hbm>> -> memref<10000x64xf32, #tpu.memory_space<hbm>>
    tpu.enqueue_indirect_dma source(%dma_start3A_26 : memref<10000x64xf32, #tpu.memory_space<hbm>>) target(%arg14 : memref<128x64xf32, #tpu.memory_space<vmem>>) offsets(%dma_start3A_23 : memref<128xi32, #tpu.memory_space<vmem>>) semaphore(%arg19 : memref<!tpu.dma_semaphore, #tpu.memory_space<semaphore_mem>>)
    %dma_start3A_27 = arith.constant 2 : i32
    %dma_start3A_28 = arith.constant 0 : i32
    %dma_start3A_29 = tpu.memref_slice %arg10[%dma_start3A_27, %dma_start3A_28] : memref<145x128xi32, #tpu.memory_space<vmem>> -> memref<1x128xi32, #tpu.memory_space<vmem>>
    %dma_start3A_30 = tpu.memref_squeeze %dma_start3A_29 : memref<1x128xi32, #tpu.memory_space<vmem>> -> memref<128xi32, #tpu.memory_space<vmem>>
    %dma_start3A_31 = arith.constant 0 : i32
    %dma_start3A_32 = arith.constant 0 : i32
    %dma_start3A_33 = tpu.memref_slice %arg2[%dma_start3A_31, %dma_start3A_32] : memref<10000x64xf32, #tpu.memory_space<hbm>> -> memref<10000x64xf32, #tpu.memory_space<hbm>>
    tpu.enqueue_indirect_dma source(%dma_start3A_33 : memref<10000x64xf32, #tpu.memory_space<hbm>>) target(%arg15 : memref<128x64xf32, #tpu.memory_space<vmem>>) offsets(%dma_start3A_30 : memref<128xi32, #tpu.memory_space<vmem>>) semaphore(%arg20 : memref<!tpu.dma_semaphore, #tpu.memory_space<semaphore_mem>>)
    %dma_start3A_34 = arith.constant 3 : i32
    %dma_start3A_35 = arith.constant 0 : i32
    %dma_start3A_36 = tpu.memref_slice %arg10[%dma_start3A_34, %dma_start3A_35] : memref<145x128xi32, #tpu.memory_space<vmem>> -> memref<1x128xi32, #tpu.memory_space<vmem>>
    %dma_start3A_37 = tpu.memref_squeeze %dma_start3A_36 : memref<1x128xi32, #tpu.memory_space<vmem>> -> memref<128xi32, #tpu.memory_space<vmem>>
    %dma_start3A_38 = arith.constant 0 : i32
    %dma_start3A_39 = arith.constant 0 : i32
    %dma_start3A_40 = tpu.memref_slice %arg2[%dma_start3A_38, %dma_start3A_39] : memref<10000x64xf32, #tpu.memory_space<hbm>> -> memref<10000x64xf32, #tpu.memory_space<hbm>>
    tpu.enqueue_indirect_dma source(%dma_start3A_40 : memref<10000x64xf32, #tpu.memory_space<hbm>>) target(%arg16 : memref<128x64xf32, #tpu.memory_space<vmem>>) offsets(%dma_start3A_37 : memref<128xi32, #tpu.memory_space<vmem>>) semaphore(%arg21 : memref<!tpu.dma_semaphore, #tpu.memory_space<semaphore_mem>>)
    %dma_start3A_41 = arith.constant 4 : i32
    %dma_start3A_42 = arith.constant 0 : i32
    %dma_start3A_43 = tpu.memref_slice %arg10[%dma_start3A_41, %dma_start3A_42] : memref<145x128xi32, #tpu.memory_space<vmem>> -> memref<1x128xi32, #tpu.memory_space<vmem>>
    %dma_start3A_44 = tpu.memref_squeeze %dma_start3A_43 : memref<1x128xi32, #tpu.memory_space<vmem>> -> memref<128xi32, #tpu.memory_space<vmem>>
    %dma_start3A_45 = arith.constant 0 : i32
    %dma_start3A_46 = arith.constant 0 : i32
    %dma_start3A_47 = tpu.memref_slice %arg2[%dma_start3A_45, %dma_start3A_46] : memref<10000x64xf32, #tpu.memory_space<hbm>> -> memref<10000x64xf32, #tpu.memory_space<hbm>>
    tpu.enqueue_indirect_dma source(%dma_start3A_47 : memref<10000x64xf32, #tpu.memory_space<hbm>>) target(%arg17 : memref<128x64xf32, #tpu.memory_space<vmem>>) offsets(%dma_start3A_44 : memref<128xi32, #tpu.memory_space<vmem>>) semaphore(%arg22 : memref<!tpu.dma_semaphore, #tpu.memory_space<semaphore_mem>>)
    %jit3A_48 = arith.constant 5 : i32
    %div3A = arith.divsi %select_n3A_8, %jit3A_48 : i32
    %sign3A = arith.constant 0 : i32
    %sign3A_49 = arith.cmpi sgt, %select_n3A_8, %sign3A : i32
    %sign3A_50 = arith.extui %sign3A_49 : i1 to i32
    %sign3A_51 = arith.constant 0 : i32
    %sign3A_52 = arith.cmpi slt, %select_n3A_8, %sign3A_51 : i32
    %sign3A_53 = arith.extui %sign3A_52 : i1 to i32
    %sign3A_54 = arith.subi %sign3A_50, %sign3A_53 : i32
    %sign3A_55 = arith.constant 0 : i32
    %sign3A_56 = arith.cmpi sgt, %jit3A_48, %sign3A_55 : i32
    %sign3A_57 = arith.extui %sign3A_56 : i1 to i32
    %sign3A_58 = arith.constant 0 : i32
    %sign3A_59 = arith.cmpi slt, %jit3A_48, %sign3A_58 : i32
    %sign3A_60 = arith.extui %sign3A_59 : i1 to i32
    %sign3A_61 = arith.subi %sign3A_57, %sign3A_60 : i32
    %ne3A = arith.cmpi ne, %sign3A_54, %sign3A_61 : i32
    %rem3A = arith.remsi %select_n3A_8, %jit3A_48 : i32
    %ne3A_62 = arith.constant 0 : i32
    %ne3A_63 = arith.cmpi ne, %rem3A, %ne3A_62 : i32
    %and3A = arith.andi %ne3A, %ne3A_63 : i1
    %sub3A = arith.constant 1 : i32
    %sub3A_64 = arith.subi %div3A, %sub3A : i32
    %select_n3A_65 = arith.select %and3A, %sub3A_64, %div3A : i32
    %while3A = arith.constant 0 : i32
    %while3A_66 = arith.constant 0 : i32
    %while3A_67 = arith.subi %select_n3A_65, %while3A_66 : i32
    %while3A_68 = arith.addi %while3A_66, %while3A_67 : i32
    %while3A_69 = arith.constant 1 : i32
    %while3A_70 = arith.divsi %while3A_67, %while3A_69 : i32
    %while3A_71 = arith.muli %while3A_70, %while3A_69 : i32
    %while3A_72 = arith.addi %while3A_66, %while3A_71 : i32
    %while3A_73 = arith.constant 1 : i32
    scf.for %while3A_76 = %while3A_66 to %while3A_72 step %while3A_73  : i32 {
      %mul3A_77 = arith.constant 5 : i32
      %mul3A_78 = arith.muli %while3A_76, %mul3A_77 : i32
      %add3A_79 = arith.constant 0 : i32
      %add3A_80 = arith.addi %mul3A_78, %add3A_79 : i32
      %dma_wait3A = arith.constant 0 : i32
      %dma_wait3A_81 = tpu.memref_slice %arg10[%add3A_80, %dma_wait3A] : memref<145x128xi32, #tpu.memory_space<vmem>> -> memref<1x128xi32, #tpu.memory_space<vmem>>
      %dma_wait3A_82 = tpu.memref_squeeze %dma_wait3A_81 : memref<1x128xi32, #tpu.memory_space<vmem>> -> memref<128xi32, #tpu.memory_space<vmem>>
      %dma_wait3A_83 = arith.constant 0 : i32
      %dma_wait3A_84 = arith.constant 0 : i32
      %dma_wait3A_85 = tpu.memref_slice %arg2[%dma_wait3A_83, %dma_wait3A_84] : memref<10000x64xf32, #tpu.memory_space<hbm>> -> memref<10000x64xf32, #tpu.memory_space<hbm>>
      tpu.wait_indirect_dma semaphore(%arg18 : memref<!tpu.dma_semaphore, #tpu.memory_space<semaphore_mem>>) src(%dma_wait3A_85 : memref<10000x64xf32, #tpu.memory_space<hbm>>) dst(%arg13 : memref<128x64xf32, #tpu.memory_space<vmem>>)
      "tpu.region"() ({
        %run_scoped3A = tpu.sem_alloc : memref<!tpu.dma_semaphore, #tpu.memory_space<semaphore_mem>>
        %dma_start3A_155 = arith.constant 0 : i32
        %dma_start3A_156 = tpu.memref_slice %arg11[%add3A_80, %dma_start3A_155] : memref<145x128xi32, #tpu.memory_space<vmem>> -> memref<1x128xi32, #tpu.memory_space<vmem>>
        %dma_start3A_157 = tpu.memref_squeeze %dma_start3A_156 : memref<1x128xi32, #tpu.memory_space<vmem>> -> memref<128xi32, #tpu.memory_space<vmem>>
        %dma_start3A_158 = arith.constant 0 : i32
        %dma_start3A_159 = arith.constant 0 : i32
        %dma_start3A_160 = tpu.memref_slice %arg12[%dma_start3A_158, %dma_start3A_159] : memref<10016x64xf32, #tpu.memory_space<vmem_shared>> -> memref<10016x64xf32, #tpu.memory_space<vmem_shared>>
        tpu.enqueue_indirect_dma source(%arg13 : memref<128x64xf32, #tpu.memory_space<vmem>>) target(%dma_start3A_160 : memref<10016x64xf32, #tpu.memory_space<vmem_shared>>) offsets(%dma_start3A_157 : memref<128xi32, #tpu.memory_space<vmem>>) semaphore(%run_scoped3A : memref<!tpu.dma_semaphore, #tpu.memory_space<semaphore_mem>>) {add = true}
        %dma_wait3A_161 = arith.constant 0 : i32
        %dma_wait3A_162 = tpu.memref_slice %arg11[%add3A_80, %dma_wait3A_161] : memref<145x128xi32, #tpu.memory_space<vmem>> -> memref<1x128xi32, #tpu.memory_space<vmem>>
        %dma_wait3A_163 = tpu.memref_squeeze %dma_wait3A_162 : memref<1x128xi32, #tpu.memory_space<vmem>> -> memref<128xi32, #tpu.memory_space<vmem>>
        %dma_wait3A_164 = arith.constant 0 : i32
        %dma_wait3A_165 = arith.constant 0 : i32
        %dma_wait3A_166 = tpu.memref_slice %arg12[%dma_wait3A_164, %dma_wait3A_165] : memref<10016x64xf32, #tpu.memory_space<vmem_shared>> -> memref<10016x64xf32, #tpu.memory_space<vmem_shared>>
        tpu.wait_indirect_dma semaphore(%run_scoped3A : memref<!tpu.dma_semaphore, #tpu.memory_space<semaphore_mem>>) src(%arg13 : memref<128x64xf32, #tpu.memory_space<vmem>>) dst(%dma_wait3A_166 : memref<10016x64xf32, #tpu.memory_space<vmem_shared>>)
        tpu.yield
      }) : () -> ()
      "tpu.region"() ({
        %run_scoped3A = tpu.sem_alloc : memref<!tpu.dma_semaphore, #tpu.memory_space<semaphore_mem>>
        %dma_start3A_155 = arith.constant 0 : i32
        %dma_start3A_156 = tpu.memref_slice %arg11[%add3A_80, %dma_start3A_155] : memref<145x128xi32, #tpu.memory_space<vmem>> -> memref<1x128xi32, #tpu.memory_space<vmem>>
        %dma_start3A_157 = tpu.memref_squeeze %dma_start3A_156 : memref<1x128xi32, #tpu.memory_space<vmem>> -> memref<128xi32, #tpu.memory_space<vmem>>
        %dma_start3A_158 = arith.constant 0 : i32
        %dma_start3A_159 = arith.constant 0 : i32
        %dma_start3A_160 = tpu.memref_slice %arg24[%dma_start3A_158, %dma_start3A_159] : memref<10016x16xf32, #tpu.memory_space<vmem_shared>> -> memref<10016x16xf32, #tpu.memory_space<vmem_shared>>
        tpu.enqueue_indirect_dma source(%arg23 : memref<128x16xf32, #tpu.memory_space<vmem>>) target(%dma_start3A_160 : memref<10016x16xf32, #tpu.memory_space<vmem_shared>>) offsets(%dma_start3A_157 : memref<128xi32, #tpu.memory_space<vmem>>) semaphore(%run_scoped3A : memref<!tpu.dma_semaphore, #tpu.memory_space<semaphore_mem>>) {add = true}
        %dma_wait3A_161 = arith.constant 0 : i32
        %dma_wait3A_162 = tpu.memref_slice %arg11[%add3A_80, %dma_wait3A_161] : memref<145x128xi32, #tpu.memory_space<vmem>> -> memref<1x128xi32, #tpu.memory_space<vmem>>
        %dma_wait3A_163 = tpu.memref_squeeze %dma_wait3A_162 : memref<1x128xi32, #tpu.memory_space<vmem>> -> memref<128xi32, #tpu.memory_space<vmem>>
        %dma_wait3A_164 = arith.constant 0 : i32
        %dma_wait3A_165 = arith.constant 0 : i32
        %dma_wait3A_166 = tpu.memref_slice %arg24[%dma_wait3A_164, %dma_wait3A_165] : memref<10016x16xf32, #tpu.memory_space<vmem_shared>> -> memref<10016x16xf32, #tpu.memory_space<vmem_shared>>
        tpu.wait_indirect_dma semaphore(%run_scoped3A : memref<!tpu.dma_semaphore, #tpu.memory_space<semaphore_mem>>) src(%arg23 : memref<128x16xf32, #tpu.memory_space<vmem>>) dst(%dma_wait3A_166 : memref<10016x16xf32, #tpu.memory_space<vmem_shared>>)
        tpu.yield
      }) : () -> ()
      %add3A_86 = arith.constant 5 : i32
      %add3A_87 = arith.addi %add3A_80, %add3A_86 : i32
      %lt3A = arith.cmpi slt, %add3A_87, %select_n3A_8 : i32
      %convert_element_type3A_88 = arith.extui %lt3A : i1 to i32
      %cond3A_89 = arith.constant 0 : i32
      %cond3A_90 = arith.cmpi ne, %convert_element_type3A_88, %cond3A_89 : i32
      scf.if %cond3A_90 {
        %dma_start3A_155 = arith.constant 0 : i32
        %dma_start3A_156 = tpu.memref_slice %arg10[%add3A_87, %dma_start3A_155] : memref<145x128xi32, #tpu.memory_space<vmem>> -> memref<1x128xi32, #tpu.memory_space<vmem>>
        %dma_start3A_157 = tpu.memref_squeeze %dma_start3A_156 : memref<1x128xi32, #tpu.memory_space<vmem>> -> memref<128xi32, #tpu.memory_space<vmem>>
        %dma_start3A_158 = arith.constant 0 : i32
        %dma_start3A_159 = arith.constant 0 : i32
        %dma_start3A_160 = tpu.memref_slice %arg2[%dma_start3A_158, %dma_start3A_159] : memref<10000x64xf32, #tpu.memory_space<hbm>> -> memref<10000x64xf32, #tpu.memory_space<hbm>>
        tpu.enqueue_indirect_dma source(%dma_start3A_160 : memref<10000x64xf32, #tpu.memory_space<hbm>>) target(%arg13 : memref<128x64xf32, #tpu.memory_space<vmem>>) offsets(%dma_start3A_157 : memref<128xi32, #tpu.memory_space<vmem>>) semaphore(%arg18 : memref<!tpu.dma_semaphore, #tpu.memory_space<semaphore_mem>>)
      } else {
      }
      %mul3A_91 = arith.constant 5 : i32
      %mul3A_92 = arith.muli %while3A_76, %mul3A_91 : i32
      %add3A_93 = arith.constant 1 : i32
      %add3A_94 = arith.addi %mul3A_92, %add3A_93 : i32
      %dma_wait3A_95 = arith.constant 0 : i32
      %dma_wait3A_96 = tpu.memref_slice %arg10[%add3A_94, %dma_wait3A_95] : memref<145x128xi32, #tpu.memory_space<vmem>> -> memref<1x128xi32, #tpu.memory_space<vmem>>
      %dma_wait3A_97 = tpu.memref_squeeze %dma_wait3A_96 : memref<1x128xi32, #tpu.memory_space<vmem>> -> memref<128xi32, #tpu.memory_space<vmem>>
      %dma_wait3A_98 = arith.constant 0 : i32
      %dma_wait3A_99 = arith.constant 0 : i32
      %dma_wait3A_100 = tpu.memref_slice %arg2[%dma_wait3A_98, %dma_wait3A_99] : memref<10000x64xf32, #tpu.memory_space<hbm>> -> memref<10000x64xf32, #tpu.memory_space<hbm>>
      tpu.wait_indirect_dma semaphore(%arg19 : memref<!tpu.dma_semaphore, #tpu.memory_space<semaphore_mem>>) src(%dma_wait3A_100 : memref<10000x64xf32, #tpu.memory_space<hbm>>) dst(%arg14 : memref<128x64xf32, #tpu.memory_space<vmem>>)
      "tpu.region"() ({
        %run_scoped3A = tpu.sem_alloc : memref<!tpu.dma_semaphore, #tpu.memory_space<semaphore_mem>>
        %dma_start3A_155 = arith.constant 0 : i32
        %dma_start3A_156 = tpu.memref_slice %arg11[%add3A_94, %dma_start3A_155] : memref<145x128xi32, #tpu.memory_space<vmem>> -> memref<1x128xi32, #tpu.memory_space<vmem>>
        %dma_start3A_157 = tpu.memref_squeeze %dma_start3A_156 : memref<1x128xi32, #tpu.memory_space<vmem>> -> memref<128xi32, #tpu.memory_space<vmem>>
        %dma_start3A_158 = arith.constant 0 : i32
        %dma_start3A_159 = arith.constant 0 : i32
        %dma_start3A_160 = tpu.memref_slice %arg12[%dma_start3A_158, %dma_start3A_159] : memref<10016x64xf32, #tpu.memory_space<vmem_shared>> -> memref<10016x64xf32, #tpu.memory_space<vmem_shared>>
        tpu.enqueue_indirect_dma source(%arg14 : memref<128x64xf32, #tpu.memory_space<vmem>>) target(%dma_start3A_160 : memref<10016x64xf32, #tpu.memory_space<vmem_shared>>) offsets(%dma_start3A_157 : memref<128xi32, #tpu.memory_space<vmem>>) semaphore(%run_scoped3A : memref<!tpu.dma_semaphore, #tpu.memory_space<semaphore_mem>>) {add = true}
        %dma_wait3A_161 = arith.constant 0 : i32
        %dma_wait3A_162 = tpu.memref_slice %arg11[%add3A_94, %dma_wait3A_161] : memref<145x128xi32, #tpu.memory_space<vmem>> -> memref<1x128xi32, #tpu.memory_space<vmem>>
        %dma_wait3A_163 = tpu.memref_squeeze %dma_wait3A_162 : memref<1x128xi32, #tpu.memory_space<vmem>> -> memref<128xi32, #tpu.memory_space<vmem>>
        %dma_wait3A_164 = arith.constant 0 : i32
        %dma_wait3A_165 = arith.constant 0 : i32
        %dma_wait3A_166 = tpu.memref_slice %arg12[%dma_wait3A_164, %dma_wait3A_165] : memref<10016x64xf32, #tpu.memory_space<vmem_shared>> -> memref<10016x64xf32, #tpu.memory_space<vmem_shared>>
        tpu.wait_indirect_dma semaphore(%run_scoped3A : memref<!tpu.dma_semaphore, #tpu.memory_space<semaphore_mem>>) src(%arg14 : memref<128x64xf32, #tpu.memory_space<vmem>>) dst(%dma_wait3A_166 : memref<10016x64xf32, #tpu.memory_space<vmem_shared>>)
        tpu.yield
      }) : () -> ()
      "tpu.region"() ({
        %run_scoped3A = tpu.sem_alloc : memref<!tpu.dma_semaphore, #tpu.memory_space<semaphore_mem>>
        %dma_start3A_155 = arith.constant 0 : i32
        %dma_start3A_156 = tpu.memref_slice %arg11[%add3A_94, %dma_start3A_155] : memref<145x128xi32, #tpu.memory_space<vmem>> -> memref<1x128xi32, #tpu.memory_space<vmem>>
        %dma_start3A_157 = tpu.memref_squeeze %dma_start3A_156 : memref<1x128xi32, #tpu.memory_space<vmem>> -> memref<128xi32, #tpu.memory_space<vmem>>
        %dma_start3A_158 = arith.constant 0 : i32
        %dma_start3A_159 = arith.constant 0 : i32
        %dma_start3A_160 = tpu.memref_slice %arg24[%dma_start3A_158, %dma_start3A_159] : memref<10016x16xf32, #tpu.memory_space<vmem_shared>> -> memref<10016x16xf32, #tpu.memory_space<vmem_shared>>
        tpu.enqueue_indirect_dma source(%arg23 : memref<128x16xf32, #tpu.memory_space<vmem>>) target(%dma_start3A_160 : memref<10016x16xf32, #tpu.memory_space<vmem_shared>>) offsets(%dma_start3A_157 : memref<128xi32, #tpu.memory_space<vmem>>) semaphore(%run_scoped3A : memref<!tpu.dma_semaphore, #tpu.memory_space<semaphore_mem>>) {add = true}
        %dma_wait3A_161 = arith.constant 0 : i32
        %dma_wait3A_162 = tpu.memref_slice %arg11[%add3A_94, %dma_wait3A_161] : memref<145x128xi32, #tpu.memory_space<vmem>> -> memref<1x128xi32, #tpu.memory_space<vmem>>
        %dma_wait3A_163 = tpu.memref_squeeze %dma_wait3A_162 : memref<1x128xi32, #tpu.memory_space<vmem>> -> memref<128xi32, #tpu.memory_space<vmem>>
        %dma_wait3A_164 = arith.constant 0 : i32
        %dma_wait3A_165 = arith.constant 0 : i32
        %dma_wait3A_166 = tpu.memref_slice %arg24[%dma_wait3A_164, %dma_wait3A_165] : memref<10016x16xf32, #tpu.memory_space<vmem_shared>> -> memref<10016x16xf32, #tpu.memory_space<vmem_shared>>
        tpu.wait_indirect_dma semaphore(%run_scoped3A : memref<!tpu.dma_semaphore, #tpu.memory_space<semaphore_mem>>) src(%arg23 : memref<128x16xf32, #tpu.memory_space<vmem>>) dst(%dma_wait3A_166 : memref<10016x16xf32, #tpu.memory_space<vmem_shared>>)
        tpu.yield
      }) : () -> ()
      %add3A_101 = arith.constant 5 : i32
      %add3A_102 = arith.addi %add3A_94, %add3A_101 : i32
      %lt3A_103 = arith.cmpi slt, %add3A_102, %select_n3A_8 : i32
      %convert_element_type3A_104 = arith.extui %lt3A_103 : i1 to i32
      %cond3A_105 = arith.constant 0 : i32
      %cond3A_106 = arith.cmpi ne, %convert_element_type3A_104, %cond3A_105 : i32
      scf.if %cond3A_106 {
        %dma_start3A_155 = arith.constant 0 : i32
        %dma_start3A_156 = tpu.memref_slice %arg10[%add3A_102, %dma_start3A_155] : memref<145x128xi32, #tpu.memory_space<vmem>> -> memref<1x128xi32, #tpu.memory_space<vmem>>
        %dma_start3A_157 = tpu.memref_squeeze %dma_start3A_156 : memref<1x128xi32, #tpu.memory_space<vmem>> -> memref<128xi32, #tpu.memory_space<vmem>>
        %dma_start3A_158 = arith.constant 0 : i32
        %dma_start3A_159 = arith.constant 0 : i32
        %dma_start3A_160 = tpu.memref_slice %arg2[%dma_start3A_158, %dma_start3A_159] : memref<10000x64xf32, #tpu.memory_space<hbm>> -> memref<10000x64xf32, #tpu.memory_space<hbm>>
        tpu.enqueue_indirect_dma source(%dma_start3A_160 : memref<10000x64xf32, #tpu.memory_space<hbm>>) target(%arg14 : memref<128x64xf32, #tpu.memory_space<vmem>>) offsets(%dma_start3A_157 : memref<128xi32, #tpu.memory_space<vmem>>) semaphore(%arg19 : memref<!tpu.dma_semaphore, #tpu.memory_space<semaphore_mem>>)
      } else {
      }
      %mul3A_107 = arith.constant 5 : i32
      %mul3A_108 = arith.muli %while3A_76, %mul3A_107 : i32
      %add3A_109 = arith.constant 2 : i32
      %add3A_110 = arith.addi %mul3A_108, %add3A_109 : i32
      %dma_wait3A_111 = arith.constant 0 : i32
      %dma_wait3A_112 = tpu.memref_slice %arg10[%add3A_110, %dma_wait3A_111] : memref<145x128xi32, #tpu.memory_space<vmem>> -> memref<1x128xi32, #tpu.memory_space<vmem>>
      %dma_wait3A_113 = tpu.memref_squeeze %dma_wait3A_112 : memref<1x128xi32, #tpu.memory_space<vmem>> -> memref<128xi32, #tpu.memory_space<vmem>>
      %dma_wait3A_114 = arith.constant 0 : i32
      %dma_wait3A_115 = arith.constant 0 : i32
      %dma_wait3A_116 = tpu.memref_slice %arg2[%dma_wait3A_114, %dma_wait3A_115] : memref<10000x64xf32, #tpu.memory_space<hbm>> -> memref<10000x64xf32, #tpu.memory_space<hbm>>
      tpu.wait_indirect_dma semaphore(%arg20 : memref<!tpu.dma_semaphore, #tpu.memory_space<semaphore_mem>>) src(%dma_wait3A_116 : memref<10000x64xf32, #tpu.memory_space<hbm>>) dst(%arg15 : memref<128x64xf32, #tpu.memory_space<vmem>>)
      "tpu.region"() ({
        %run_scoped3A = tpu.sem_alloc : memref<!tpu.dma_semaphore, #tpu.memory_space<semaphore_mem>>
        %dma_start3A_155 = arith.constant 0 : i32
        %dma_start3A_156 = tpu.memref_slice %arg11[%add3A_110, %dma_start3A_155] : memref<145x128xi32, #tpu.memory_space<vmem>> -> memref<1x128xi32, #tpu.memory_space<vmem>>
        %dma_start3A_157 = tpu.memref_squeeze %dma_start3A_156 : memref<1x128xi32, #tpu.memory_space<vmem>> -> memref<128xi32, #tpu.memory_space<vmem>>
        %dma_start3A_158 = arith.constant 0 : i32
        %dma_start3A_159 = arith.constant 0 : i32
        %dma_start3A_160 = tpu.memref_slice %arg12[%dma_start3A_158, %dma_start3A_159] : memref<10016x64xf32, #tpu.memory_space<vmem_shared>> -> memref<10016x64xf32, #tpu.memory_space<vmem_shared>>
        tpu.enqueue_indirect_dma source(%arg15 : memref<128x64xf32, #tpu.memory_space<vmem>>) target(%dma_start3A_160 : memref<10016x64xf32, #tpu.memory_space<vmem_shared>>) offsets(%dma_start3A_157 : memref<128xi32, #tpu.memory_space<vmem>>) semaphore(%run_scoped3A : memref<!tpu.dma_semaphore, #tpu.memory_space<semaphore_mem>>) {add = true}
        %dma_wait3A_161 = arith.constant 0 : i32
        %dma_wait3A_162 = tpu.memref_slice %arg11[%add3A_110, %dma_wait3A_161] : memref<145x128xi32, #tpu.memory_space<vmem>> -> memref<1x128xi32, #tpu.memory_space<vmem>>
        %dma_wait3A_163 = tpu.memref_squeeze %dma_wait3A_162 : memref<1x128xi32, #tpu.memory_space<vmem>> -> memref<128xi32, #tpu.memory_space<vmem>>
        %dma_wait3A_164 = arith.constant 0 : i32
        %dma_wait3A_165 = arith.constant 0 : i32
        %dma_wait3A_166 = tpu.memref_slice %arg12[%dma_wait3A_164, %dma_wait3A_165] : memref<10016x64xf32, #tpu.memory_space<vmem_shared>> -> memref<10016x64xf32, #tpu.memory_space<vmem_shared>>
        tpu.wait_indirect_dma semaphore(%run_scoped3A : memref<!tpu.dma_semaphore, #tpu.memory_space<semaphore_mem>>) src(%arg15 : memref<128x64xf32, #tpu.memory_space<vmem>>) dst(%dma_wait3A_166 : memref<10016x64xf32, #tpu.memory_space<vmem_shared>>)
        tpu.yield
      }) : () -> ()
      "tpu.region"() ({
        %run_scoped3A = tpu.sem_alloc : memref<!tpu.dma_semaphore, #tpu.memory_space<semaphore_mem>>
        %dma_start3A_155 = arith.constant 0 : i32
        %dma_start3A_156 = tpu.memref_slice %arg11[%add3A_110, %dma_start3A_155] : memref<145x128xi32, #tpu.memory_space<vmem>> -> memref<1x128xi32, #tpu.memory_space<vmem>>
        %dma_start3A_157 = tpu.memref_squeeze %dma_start3A_156 : memref<1x128xi32, #tpu.memory_space<vmem>> -> memref<128xi32, #tpu.memory_space<vmem>>
        %dma_start3A_158 = arith.constant 0 : i32
        %dma_start3A_159 = arith.constant 0 : i32
        %dma_start3A_160 = tpu.memref_slice %arg24[%dma_start3A_158, %dma_start3A_159] : memref<10016x16xf32, #tpu.memory_space<vmem_shared>> -> memref<10016x16xf32, #tpu.memory_space<vmem_shared>>
        tpu.enqueue_indirect_dma source(%arg23 : memref<128x16xf32, #tpu.memory_space<vmem>>) target(%dma_start3A_160 : memref<10016x16xf32, #tpu.memory_space<vmem_shared>>) offsets(%dma_start3A_157 : memref<128xi32, #tpu.memory_space<vmem>>) semaphore(%run_scoped3A : memref<!tpu.dma_semaphore, #tpu.memory_space<semaphore_mem>>) {add = true}
        %dma_wait3A_161 = arith.constant 0 : i32
        %dma_wait3A_162 = tpu.memref_slice %arg11[%add3A_110, %dma_wait3A_161] : memref<145x128xi32, #tpu.memory_space<vmem>> -> memref<1x128xi32, #tpu.memory_space<vmem>>
        %dma_wait3A_163 = tpu.memref_squeeze %dma_wait3A_162 : memref<1x128xi32, #tpu.memory_space<vmem>> -> memref<128xi32, #tpu.memory_space<vmem>>
        %dma_wait3A_164 = arith.constant 0 : i32
        %dma_wait3A_165 = arith.constant 0 : i32
        %dma_wait3A_166 = tpu.memref_slice %arg24[%dma_wait3A_164, %dma_wait3A_165] : memref<10016x16xf32, #tpu.memory_space<vmem_shared>> -> memref<10016x16xf32, #tpu.memory_space<vmem_shared>>
        tpu.wait_indirect_dma semaphore(%run_scoped3A : memref<!tpu.dma_semaphore, #tpu.memory_space<semaphore_mem>>) src(%arg23 : memref<128x16xf32, #tpu.memory_space<vmem>>) dst(%dma_wait3A_166 : memref<10016x16xf32, #tpu.memory_space<vmem_shared>>)
        tpu.yield
      }) : () -> ()
      %add3A_117 = arith.constant 5 : i32
      %add3A_118 = arith.addi %add3A_110, %add3A_117 : i32
      %lt3A_119 = arith.cmpi slt, %add3A_118, %select_n3A_8 : i32
      %convert_element_type3A_120 = arith.extui %lt3A_119 : i1 to i32
      %cond3A_121 = arith.constant 0 : i32
      %cond3A_122 = arith.cmpi ne, %convert_element_type3A_120, %cond3A_121 : i32
      scf.if %cond3A_122 {
        %dma_start3A_155 = arith.constant 0 : i32
        %dma_start3A_156 = tpu.memref_slice %arg10[%add3A_118, %dma_start3A_155] : memref<145x128xi32, #tpu.memory_space<vmem>> -> memref<1x128xi32, #tpu.memory_space<vmem>>
        %dma_start3A_157 = tpu.memref_squeeze %dma_start3A_156 : memref<1x128xi32, #tpu.memory_space<vmem>> -> memref<128xi32, #tpu.memory_space<vmem>>
        %dma_start3A_158 = arith.constant 0 : i32
        %dma_start3A_159 = arith.constant 0 : i32
        %dma_start3A_160 = tpu.memref_slice %arg2[%dma_start3A_158, %dma_start3A_159] : memref<10000x64xf32, #tpu.memory_space<hbm>> -> memref<10000x64xf32, #tpu.memory_space<hbm>>
        tpu.enqueue_indirect_dma source(%dma_start3A_160 : memref<10000x64xf32, #tpu.memory_space<hbm>>) target(%arg15 : memref<128x64xf32, #tpu.memory_space<vmem>>) offsets(%dma_start3A_157 : memref<128xi32, #tpu.memory_space<vmem>>) semaphore(%arg20 : memref<!tpu.dma_semaphore, #tpu.memory_space<semaphore_mem>>)
      } else {
      }
      %mul3A_123 = arith.constant 5 : i32
      %mul3A_124 = arith.muli %while3A_76, %mul3A_123 : i32
      %add3A_125 = arith.constant 3 : i32
      %add3A_126 = arith.addi %mul3A_124, %add3A_125 : i32
      %dma_wait3A_127 = arith.constant 0 : i32
      %dma_wait3A_128 = tpu.memref_slice %arg10[%add3A_126, %dma_wait3A_127] : memref<145x128xi32, #tpu.memory_space<vmem>> -> memref<1x128xi32, #tpu.memory_space<vmem>>
      %dma_wait3A_129 = tpu.memref_squeeze %dma_wait3A_128 : memref<1x128xi32, #tpu.memory_space<vmem>> -> memref<128xi32, #tpu.memory_space<vmem>>
      %dma_wait3A_130 = arith.constant 0 : i32
      %dma_wait3A_131 = arith.constant 0 : i32
      %dma_wait3A_132 = tpu.memref_slice %arg2[%dma_wait3A_130, %dma_wait3A_131] : memref<10000x64xf32, #tpu.memory_space<hbm>> -> memref<10000x64xf32, #tpu.memory_space<hbm>>
      tpu.wait_indirect_dma semaphore(%arg21 : memref<!tpu.dma_semaphore, #tpu.memory_space<semaphore_mem>>) src(%dma_wait3A_132 : memref<10000x64xf32, #tpu.memory_space<hbm>>) dst(%arg16 : memref<128x64xf32, #tpu.memory_space<vmem>>)
      "tpu.region"() ({
        %run_scoped3A = tpu.sem_alloc : memref<!tpu.dma_semaphore, #tpu.memory_space<semaphore_mem>>
        %dma_start3A_155 = arith.constant 0 : i32
        %dma_start3A_156 = tpu.memref_slice %arg11[%add3A_126, %dma_start3A_155] : memref<145x128xi32, #tpu.memory_space<vmem>> -> memref<1x128xi32, #tpu.memory_space<vmem>>
        %dma_start3A_157 = tpu.memref_squeeze %dma_start3A_156 : memref<1x128xi32, #tpu.memory_space<vmem>> -> memref<128xi32, #tpu.memory_space<vmem>>
        %dma_start3A_158 = arith.constant 0 : i32
        %dma_start3A_159 = arith.constant 0 : i32
        %dma_start3A_160 = tpu.memref_slice %arg12[%dma_start3A_158, %dma_start3A_159] : memref<10016x64xf32, #tpu.memory_space<vmem_shared>> -> memref<10016x64xf32, #tpu.memory_space<vmem_shared>>
        tpu.enqueue_indirect_dma source(%arg16 : memref<128x64xf32, #tpu.memory_space<vmem>>) target(%dma_start3A_160 : memref<10016x64xf32, #tpu.memory_space<vmem_shared>>) offsets(%dma_start3A_157 : memref<128xi32, #tpu.memory_space<vmem>>) semaphore(%run_scoped3A : memref<!tpu.dma_semaphore, #tpu.memory_space<semaphore_mem>>) {add = true}
        %dma_wait3A_161 = arith.constant 0 : i32
        %dma_wait3A_162 = tpu.memref_slice %arg11[%add3A_126, %dma_wait3A_161] : memref<145x128xi32, #tpu.memory_space<vmem>> -> memref<1x128xi32, #tpu.memory_space<vmem>>
        %dma_wait3A_163 = tpu.memref_squeeze %dma_wait3A_162 : memref<1x128xi32, #tpu.memory_space<vmem>> -> memref<128xi32, #tpu.memory_space<vmem>>
        %dma_wait3A_164 = arith.constant 0 : i32
        %dma_wait3A_165 = arith.constant 0 : i32
        %dma_wait3A_166 = tpu.memref_slice %arg12[%dma_wait3A_164, %dma_wait3A_165] : memref<10016x64xf32, #tpu.memory_space<vmem_shared>> -> memref<10016x64xf32, #tpu.memory_space<vmem_shared>>
        tpu.wait_indirect_dma semaphore(%run_scoped3A : memref<!tpu.dma_semaphore, #tpu.memory_space<semaphore_mem>>) src(%arg16 : memref<128x64xf32, #tpu.memory_space<vmem>>) dst(%dma_wait3A_166 : memref<10016x64xf32, #tpu.memory_space<vmem_shared>>)
        tpu.yield
      }) : () -> ()
      "tpu.region"() ({
        %run_scoped3A = tpu.sem_alloc : memref<!tpu.dma_semaphore, #tpu.memory_space<semaphore_mem>>
        %dma_start3A_155 = arith.constant 0 : i32
        %dma_start3A_156 = tpu.memref_slice %arg11[%add3A_126, %dma_start3A_155] : memref<145x128xi32, #tpu.memory_space<vmem>> -> memref<1x128xi32, #tpu.memory_space<vmem>>
        %dma_start3A_157 = tpu.memref_squeeze %dma_start3A_156 : memref<1x128xi32, #tpu.memory_space<vmem>> -> memref<128xi32, #tpu.memory_space<vmem>>
        %dma_start3A_158 = arith.constant 0 : i32
        %dma_start3A_159 = arith.constant 0 : i32
        %dma_start3A_160 = tpu.memref_slice %arg24[%dma_start3A_158, %dma_start3A_159] : memref<10016x16xf32, #tpu.memory_space<vmem_shared>> -> memref<10016x16xf32, #tpu.memory_space<vmem_shared>>
        tpu.enqueue_indirect_dma source(%arg23 : memref<128x16xf32, #tpu.memory_space<vmem>>) target(%dma_start3A_160 : memref<10016x16xf32, #tpu.memory_space<vmem_shared>>) offsets(%dma_start3A_157 : memref<128xi32, #tpu.memory_space<vmem>>) semaphore(%run_scoped3A : memref<!tpu.dma_semaphore, #tpu.memory_space<semaphore_mem>>) {add = true}
        %dma_wait3A_161 = arith.constant 0 : i32
        %dma_wait3A_162 = tpu.memref_slice %arg11[%add3A_126, %dma_wait3A_161] : memref<145x128xi32, #tpu.memory_space<vmem>> -> memref<1x128xi32, #tpu.memory_space<vmem>>
        %dma_wait3A_163 = tpu.memref_squeeze %dma_wait3A_162 : memref<1x128xi32, #tpu.memory_space<vmem>> -> memref<128xi32, #tpu.memory_space<vmem>>
        %dma_wait3A_164 = arith.constant 0 : i32
        %dma_wait3A_165 = arith.constant 0 : i32
        %dma_wait3A_166 = tpu.memref_slice %arg24[%dma_wait3A_164, %dma_wait3A_165] : memref<10016x16xf32, #tpu.memory_space<vmem_shared>> -> memref<10016x16xf32, #tpu.memory_space<vmem_shared>>
        tpu.wait_indirect_dma semaphore(%run_scoped3A : memref<!tpu.dma_semaphore, #tpu.memory_space<semaphore_mem>>) src(%arg23 : memref<128x16xf32, #tpu.memory_space<vmem>>) dst(%dma_wait3A_166 : memref<10016x16xf32, #tpu.memory_space<vmem_shared>>)
        tpu.yield
      }) : () -> ()
      %add3A_133 = arith.constant 5 : i32
      %add3A_134 = arith.addi %add3A_126, %add3A_133 : i32
      %lt3A_135 = arith.cmpi slt, %add3A_134, %select_n3A_8 : i32
      %convert_element_type3A_136 = arith.extui %lt3A_135 : i1 to i32
      %cond3A_137 = arith.constant 0 : i32
      %cond3A_138 = arith.cmpi ne, %convert_element_type3A_136, %cond3A_137 : i32
      scf.if %cond3A_138 {
        %dma_start3A_155 = arith.constant 0 : i32
        %dma_start3A_156 = tpu.memref_slice %arg10[%add3A_134, %dma_start3A_155] : memref<145x128xi32, #tpu.memory_space<vmem>> -> memref<1x128xi32, #tpu.memory_space<vmem>>
        %dma_start3A_157 = tpu.memref_squeeze %dma_start3A_156 : memref<1x128xi32, #tpu.memory_space<vmem>> -> memref<128xi32, #tpu.memory_space<vmem>>
        %dma_start3A_158 = arith.constant 0 : i32
        %dma_start3A_159 = arith.constant 0 : i32
        %dma_start3A_160 = tpu.memref_slice %arg2[%dma_start3A_158, %dma_start3A_159] : memref<10000x64xf32, #tpu.memory_space<hbm>> -> memref<10000x64xf32, #tpu.memory_space<hbm>>
        tpu.enqueue_indirect_dma source(%dma_start3A_160 : memref<10000x64xf32, #tpu.memory_space<hbm>>) target(%arg16 : memref<128x64xf32, #tpu.memory_space<vmem>>) offsets(%dma_start3A_157 : memref<128xi32, #tpu.memory_space<vmem>>) semaphore(%arg21 : memref<!tpu.dma_semaphore, #tpu.memory_space<semaphore_mem>>)
      } else {
      }
      %mul3A_139 = arith.constant 5 : i32
      %mul3A_140 = arith.muli %while3A_76, %mul3A_139 : i32
      %add3A_141 = arith.constant 4 : i32
      %add3A_142 = arith.addi %mul3A_140, %add3A_141 : i32
      %dma_wait3A_143 = arith.constant 0 : i32
      %dma_wait3A_144 = tpu.memref_slice %arg10[%add3A_142, %dma_wait3A_143] : memref<145x128xi32, #tpu.memory_space<vmem>> -> memref<1x128xi32, #tpu.memory_space<vmem>>
      %dma_wait3A_145 = tpu.memref_squeeze %dma_wait3A_144 : memref<1x128xi32, #tpu.memory_space<vmem>> -> memref<128xi32, #tpu.memory_space<vmem>>
      %dma_wait3A_146 = arith.constant 0 : i32
      %dma_wait3A_147 = arith.constant 0 : i32
      %dma_wait3A_148 = tpu.memref_slice %arg2[%dma_wait3A_146, %dma_wait3A_147] : memref<10000x64xf32, #tpu.memory_space<hbm>> -> memref<10000x64xf32, #tpu.memory_space<hbm>>
      tpu.wait_indirect_dma semaphore(%arg22 : memref<!tpu.dma_semaphore, #tpu.memory_space<semaphore_mem>>) src(%dma_wait3A_148 : memref<10000x64xf32, #tpu.memory_space<hbm>>) dst(%arg17 : memref<128x64xf32, #tpu.memory_space<vmem>>)
      "tpu.region"() ({
        %run_scoped3A = tpu.sem_alloc : memref<!tpu.dma_semaphore, #tpu.memory_space<semaphore_mem>>
        %dma_start3A_155 = arith.constant 0 : i32
        %dma_start3A_156 = tpu.memref_slice %arg11[%add3A_142, %dma_start3A_155] : memref<145x128xi32, #tpu.memory_space<vmem>> -> memref<1x128xi32, #tpu.memory_space<vmem>>
        %dma_start3A_157 = tpu.memref_squeeze %dma_start3A_156 : memref<1x128xi32, #tpu.memory_space<vmem>> -> memref<128xi32, #tpu.memory_space<vmem>>
        %dma_start3A_158 = arith.constant 0 : i32
        %dma_start3A_159 = arith.constant 0 : i32
        %dma_start3A_160 = tpu.memref_slice %arg12[%dma_start3A_158, %dma_start3A_159] : memref<10016x64xf32, #tpu.memory_space<vmem_shared>> -> memref<10016x64xf32, #tpu.memory_space<vmem_shared>>
        tpu.enqueue_indirect_dma source(%arg17 : memref<128x64xf32, #tpu.memory_space<vmem>>) target(%dma_start3A_160 : memref<10016x64xf32, #tpu.memory_space<vmem_shared>>) offsets(%dma_start3A_157 : memref<128xi32, #tpu.memory_space<vmem>>) semaphore(%run_scoped3A : memref<!tpu.dma_semaphore, #tpu.memory_space<semaphore_mem>>) {add = true}
        %dma_wait3A_161 = arith.constant 0 : i32
        %dma_wait3A_162 = tpu.memref_slice %arg11[%add3A_142, %dma_wait3A_161] : memref<145x128xi32, #tpu.memory_space<vmem>> -> memref<1x128xi32, #tpu.memory_space<vmem>>
        %dma_wait3A_163 = tpu.memref_squeeze %dma_wait3A_162 : memref<1x128xi32, #tpu.memory_space<vmem>> -> memref<128xi32, #tpu.memory_space<vmem>>
        %dma_wait3A_164 = arith.constant 0 : i32
        %dma_wait3A_165 = arith.constant 0 : i32
        %dma_wait3A_166 = tpu.memref_slice %arg12[%dma_wait3A_164, %dma_wait3A_165] : memref<10016x64xf32, #tpu.memory_space<vmem_shared>> -> memref<10016x64xf32, #tpu.memory_space<vmem_shared>>
        tpu.wait_indirect_dma semaphore(%run_scoped3A : memref<!tpu.dma_semaphore, #tpu.memory_space<semaphore_mem>>) src(%arg17 : memref<128x64xf32, #tpu.memory_space<vmem>>) dst(%dma_wait3A_166 : memref<10016x64xf32, #tpu.memory_space<vmem_shared>>)
        tpu.yield
      }) : () -> ()
      "tpu.region"() ({
        %run_scoped3A = tpu.sem_alloc : memref<!tpu.dma_semaphore, #tpu.memory_space<semaphore_mem>>
        %dma_start3A_155 = arith.constant 0 : i32
        %dma_start3A_156 = tpu.memref_slice %arg11[%add3A_142, %dma_start3A_155] : memref<145x128xi32, #tpu.memory_space<vmem>> -> memref<1x128xi32, #tpu.memory_space<vmem>>
        %dma_start3A_157 = tpu.memref_squeeze %dma_start3A_156 : memref<1x128xi32, #tpu.memory_space<vmem>> -> memref<128xi32, #tpu.memory_space<vmem>>
        %dma_start3A_158 = arith.constant 0 : i32
        %dma_start3A_159 = arith.constant 0 : i32
        %dma_start3A_160 = tpu.memref_slice %arg24[%dma_start3A_158, %dma_start3A_159] : memref<10016x16xf32, #tpu.memory_space<vmem_shared>> -> memref<10016x16xf32, #tpu.memory_space<vmem_shared>>
        tpu.enqueue_indirect_dma source(%arg23 : memref<128x16xf32, #tpu.memory_space<vmem>>) target(%dma_start3A_160 : memref<10016x16xf32, #tpu.memory_space<vmem_shared>>) offsets(%dma_start3A_157 : memref<128xi32, #tpu.memory_space<vmem>>) semaphore(%run_scoped3A : memref<!tpu.dma_semaphore, #tpu.memory_space<semaphore_mem>>) {add = true}
        %dma_wait3A_161 = arith.constant 0 : i32
        %dma_wait3A_162 = tpu.memref_slice %arg11[%add3A_142, %dma_wait3A_161] : memref<145x128xi32, #tpu.memory_space<vmem>> -> memref<1x128xi32, #tpu.memory_space<vmem>>
        %dma_wait3A_163 = tpu.memref_squeeze %dma_wait3A_162 : memref<1x128xi32, #tpu.memory_space<vmem>> -> memref<128xi32, #tpu.memory_space<vmem>>
        %dma_wait3A_164 = arith.constant 0 : i32
        %dma_wait3A_165 = arith.constant 0 : i32
        %dma_wait3A_166 = tpu.memref_slice %arg24[%dma_wait3A_164, %dma_wait3A_165] : memref<10016x16xf32, #tpu.memory_space<vmem_shared>> -> memref<10016x16xf32, #tpu.memory_space<vmem_shared>>
        tpu.wait_indirect_dma semaphore(%run_scoped3A : memref<!tpu.dma_semaphore, #tpu.memory_space<semaphore_mem>>) src(%arg23 : memref<128x16xf32, #tpu.memory_space<vmem>>) dst(%dma_wait3A_166 : memref<10016x16xf32, #tpu.memory_space<vmem_shared>>)
        tpu.yield
      }) : () -> ()
      %add3A_149 = arith.constant 5 : i32
      %add3A_150 = arith.addi %add3A_142, %add3A_149 : i32
      %lt3A_151 = arith.cmpi slt, %add3A_150, %select_n3A_8 : i32
      %convert_element_type3A_152 = arith.extui %lt3A_151 : i1 to i32
      %cond3A_153 = arith.constant 0 : i32
      %cond3A_154 = arith.cmpi ne, %convert_element_type3A_152, %cond3A_153 : i32
      scf.if %cond3A_154 {
        %dma_start3A_155 = arith.constant 0 : i32
        %dma_start3A_156 = tpu.memref_slice %arg10[%add3A_150, %dma_start3A_155] : memref<145x128xi32, #tpu.memory_space<vmem>> -> memref<1x128xi32, #tpu.memory_space<vmem>>
        %dma_start3A_157 = tpu.memref_squeeze %dma_start3A_156 : memref<1x128xi32, #tpu.memory_space<vmem>> -> memref<128xi32, #tpu.memory_space<vmem>>
        %dma_start3A_158 = arith.constant 0 : i32
        %dma_start3A_159 = arith.constant 0 : i32
        %dma_start3A_160 = tpu.memref_slice %arg2[%dma_start3A_158, %dma_start3A_159] : memref<10000x64xf32, #tpu.memory_space<hbm>> -> memref<10000x64xf32, #tpu.memory_space<hbm>>
        tpu.enqueue_indirect_dma source(%dma_start3A_160 : memref<10000x64xf32, #tpu.memory_space<hbm>>) target(%arg17 : memref<128x64xf32, #tpu.memory_space<vmem>>) offsets(%dma_start3A_157 : memref<128xi32, #tpu.memory_space<vmem>>) semaphore(%arg22 : memref<!tpu.dma_semaphore, #tpu.memory_space<semaphore_mem>>)
      } else {
      }
    }
    %while3A_74 = arith.constant 1 : i32
    scf.for %while3A_76 = %while3A_72 to %while3A_68 step %while3A_74  : i32 {
      %mul3A_77 = arith.constant 5 : i32
      %mul3A_78 = arith.muli %while3A_76, %mul3A_77 : i32
      %add3A_79 = arith.constant 0 : i32
      %add3A_80 = arith.addi %mul3A_78, %add3A_79 : i32
      %dma_wait3A = arith.constant 0 : i32
      %dma_wait3A_81 = tpu.memref_slice %arg10[%add3A_80, %dma_wait3A] : memref<145x128xi32, #tpu.memory_space<vmem>> -> memref<1x128xi32, #tpu.memory_space<vmem>>
      %dma_wait3A_82 = tpu.memref_squeeze %dma_wait3A_81 : memref<1x128xi32, #tpu.memory_space<vmem>> -> memref<128xi32, #tpu.memory_space<vmem>>
      %dma_wait3A_83 = arith.constant 0 : i32
      %dma_wait3A_84 = arith.constant 0 : i32
      %dma_wait3A_85 = tpu.memref_slice %arg2[%dma_wait3A_83, %dma_wait3A_84] : memref<10000x64xf32, #tpu.memory_space<hbm>> -> memref<10000x64xf32, #tpu.memory_space<hbm>>
      tpu.wait_indirect_dma semaphore(%arg18 : memref<!tpu.dma_semaphore, #tpu.memory_space<semaphore_mem>>) src(%dma_wait3A_85 : memref<10000x64xf32, #tpu.memory_space<hbm>>) dst(%arg13 : memref<128x64xf32, #tpu.memory_space<vmem>>)
      "tpu.region"() ({
        %run_scoped3A = tpu.sem_alloc : memref<!tpu.dma_semaphore, #tpu.memory_space<semaphore_mem>>
        %dma_start3A_155 = arith.constant 0 : i32
        %dma_start3A_156 = tpu.memref_slice %arg11[%add3A_80, %dma_start3A_155] : memref<145x128xi32, #tpu.memory_space<vmem>> -> memref<1x128xi32, #tpu.memory_space<vmem>>
        %dma_start3A_157 = tpu.memref_squeeze %dma_start3A_156 : memref<1x128xi32, #tpu.memory_space<vmem>> -> memref<128xi32, #tpu.memory_space<vmem>>
        %dma_start3A_158 = arith.constant 0 : i32
        %dma_start3A_159 = arith.constant 0 : i32
        %dma_start3A_160 = tpu.memref_slice %arg12[%dma_start3A_158, %dma_start3A_159] : memref<10016x64xf32, #tpu.memory_space<vmem_shared>> -> memref<10016x64xf32, #tpu.memory_space<vmem_shared>>
        tpu.enqueue_indirect_dma source(%arg13 : memref<128x64xf32, #tpu.memory_space<vmem>>) target(%dma_start3A_160 : memref<10016x64xf32, #tpu.memory_space<vmem_shared>>) offsets(%dma_start3A_157 : memref<128xi32, #tpu.memory_space<vmem>>) semaphore(%run_scoped3A : memref<!tpu.dma_semaphore, #tpu.memory_space<semaphore_mem>>) {add = true}
        %dma_wait3A_161 = arith.constant 0 : i32
        %dma_wait3A_162 = tpu.memref_slice %arg11[%add3A_80, %dma_wait3A_161] : memref<145x128xi32, #tpu.memory_space<vmem>> -> memref<1x128xi32, #tpu.memory_space<vmem>>
        %dma_wait3A_163 = tpu.memref_squeeze %dma_wait3A_162 : memref<1x128xi32, #tpu.memory_space<vmem>> -> memref<128xi32, #tpu.memory_space<vmem>>
        %dma_wait3A_164 = arith.constant 0 : i32
        %dma_wait3A_165 = arith.constant 0 : i32
        %dma_wait3A_166 = tpu.memref_slice %arg12[%dma_wait3A_164, %dma_wait3A_165] : memref<10016x64xf32, #tpu.memory_space<vmem_shared>> -> memref<10016x64xf32, #tpu.memory_space<vmem_shared>>
        tpu.wait_indirect_dma semaphore(%run_scoped3A : memref<!tpu.dma_semaphore, #tpu.memory_space<semaphore_mem>>) src(%arg13 : memref<128x64xf32, #tpu.memory_space<vmem>>) dst(%dma_wait3A_166 : memref<10016x64xf32, #tpu.memory_space<vmem_shared>>)
        tpu.yield
      }) : () -> ()
      "tpu.region"() ({
        %run_scoped3A = tpu.sem_alloc : memref<!tpu.dma_semaphore, #tpu.memory_space<semaphore_mem>>
        %dma_start3A_155 = arith.constant 0 : i32
        %dma_start3A_156 = tpu.memref_slice %arg11[%add3A_80, %dma_start3A_155] : memref<145x128xi32, #tpu.memory_space<vmem>> -> memref<1x128xi32, #tpu.memory_space<vmem>>
        %dma_start3A_157 = tpu.memref_squeeze %dma_start3A_156 : memref<1x128xi32, #tpu.memory_space<vmem>> -> memref<128xi32, #tpu.memory_space<vmem>>
        %dma_start3A_158 = arith.constant 0 : i32
        %dma_start3A_159 = arith.constant 0 : i32
        %dma_start3A_160 = tpu.memref_slice %arg24[%dma_start3A_158, %dma_start3A_159] : memref<10016x16xf32, #tpu.memory_space<vmem_shared>> -> memref<10016x16xf32, #tpu.memory_space<vmem_shared>>
        tpu.enqueue_indirect_dma source(%arg23 : memref<128x16xf32, #tpu.memory_space<vmem>>) target(%dma_start3A_160 : memref<10016x16xf32, #tpu.memory_space<vmem_shared>>) offsets(%dma_start3A_157 : memref<128xi32, #tpu.memory_space<vmem>>) semaphore(%run_scoped3A : memref<!tpu.dma_semaphore, #tpu.memory_space<semaphore_mem>>) {add = true}
        %dma_wait3A_161 = arith.constant 0 : i32
        %dma_wait3A_162 = tpu.memref_slice %arg11[%add3A_80, %dma_wait3A_161] : memref<145x128xi32, #tpu.memory_space<vmem>> -> memref<1x128xi32, #tpu.memory_space<vmem>>
        %dma_wait3A_163 = tpu.memref_squeeze %dma_wait3A_162 : memref<1x128xi32, #tpu.memory_space<vmem>> -> memref<128xi32, #tpu.memory_space<vmem>>
        %dma_wait3A_164 = arith.constant 0 : i32
        %dma_wait3A_165 = arith.constant 0 : i32
        %dma_wait3A_166 = tpu.memref_slice %arg24[%dma_wait3A_164, %dma_wait3A_165] : memref<10016x16xf32, #tpu.memory_space<vmem_shared>> -> memref<10016x16xf32, #tpu.memory_space<vmem_shared>>
        tpu.wait_indirect_dma semaphore(%run_scoped3A : memref<!tpu.dma_semaphore, #tpu.memory_space<semaphore_mem>>) src(%arg23 : memref<128x16xf32, #tpu.memory_space<vmem>>) dst(%dma_wait3A_166 : memref<10016x16xf32, #tpu.memory_space<vmem_shared>>)
        tpu.yield
      }) : () -> ()
      %add3A_86 = arith.constant 5 : i32
      %add3A_87 = arith.addi %add3A_80, %add3A_86 : i32
      %lt3A = arith.cmpi slt, %add3A_87, %select_n3A_8 : i32
      %convert_element_type3A_88 = arith.extui %lt3A : i1 to i32
      %cond3A_89 = arith.constant 0 : i32
      %cond3A_90 = arith.cmpi ne, %convert_element_type3A_88, %cond3A_89 : i32
      scf.if %cond3A_90 {
        %dma_start3A_155 = arith.constant 0 : i32
        %dma_start3A_156 = tpu.memref_slice %arg10[%add3A_87, %dma_start3A_155] : memref<145x128xi32, #tpu.memory_space<vmem>> -> memref<1x128xi32, #tpu.memory_space<vmem>>
        %dma_start3A_157 = tpu.memref_squeeze %dma_start3A_156 : memref<1x128xi32, #tpu.memory_space<vmem>> -> memref<128xi32, #tpu.memory_space<vmem>>
        %dma_start3A_158 = arith.constant 0 : i32
        %dma_start3A_159 = arith.constant 0 : i32
        %dma_start3A_160 = tpu.memref_slice %arg2[%dma_start3A_158, %dma_start3A_159] : memref<10000x64xf32, #tpu.memory_space<hbm>> -> memref<10000x64xf32, #tpu.memory_space<hbm>>
        tpu.enqueue_indirect_dma source(%dma_start3A_160 : memref<10000x64xf32, #tpu.memory_space<hbm>>) target(%arg13 : memref<128x64xf32, #tpu.memory_space<vmem>>) offsets(%dma_start3A_157 : memref<128xi32, #tpu.memory_space<vmem>>) semaphore(%arg18 : memref<!tpu.dma_semaphore, #tpu.memory_space<semaphore_mem>>)
      } else {
      }
      %mul3A_91 = arith.constant 5 : i32
      %mul3A_92 = arith.muli %while3A_76, %mul3A_91 : i32
      %add3A_93 = arith.constant 1 : i32
      %add3A_94 = arith.addi %mul3A_92, %add3A_93 : i32
      %dma_wait3A_95 = arith.constant 0 : i32
      %dma_wait3A_96 = tpu.memref_slice %arg10[%add3A_94, %dma_wait3A_95] : memref<145x128xi32, #tpu.memory_space<vmem>> -> memref<1x128xi32, #tpu.memory_space<vmem>>
      %dma_wait3A_97 = tpu.memref_squeeze %dma_wait3A_96 : memref<1x128xi32, #tpu.memory_space<vmem>> -> memref<128xi32, #tpu.memory_space<vmem>>
      %dma_wait3A_98 = arith.constant 0 : i32
      %dma_wait3A_99 = arith.constant 0 : i32
      %dma_wait3A_100 = tpu.memref_slice %arg2[%dma_wait3A_98, %dma_wait3A_99] : memref<10000x64xf32, #tpu.memory_space<hbm>> -> memref<10000x64xf32, #tpu.memory_space<hbm>>
      tpu.wait_indirect_dma semaphore(%arg19 : memref<!tpu.dma_semaphore, #tpu.memory_space<semaphore_mem>>) src(%dma_wait3A_100 : memref<10000x64xf32, #tpu.memory_space<hbm>>) dst(%arg14 : memref<128x64xf32, #tpu.memory_space<vmem>>)
      "tpu.region"() ({
        %run_scoped3A = tpu.sem_alloc : memref<!tpu.dma_semaphore, #tpu.memory_space<semaphore_mem>>
        %dma_start3A_155 = arith.constant 0 : i32
        %dma_start3A_156 = tpu.memref_slice %arg11[%add3A_94, %dma_start3A_155] : memref<145x128xi32, #tpu.memory_space<vmem>> -> memref<1x128xi32, #tpu.memory_space<vmem>>
        %dma_start3A_157 = tpu.memref_squeeze %dma_start3A_156 : memref<1x128xi32, #tpu.memory_space<vmem>> -> memref<128xi32, #tpu.memory_space<vmem>>
        %dma_start3A_158 = arith.constant 0 : i32
        %dma_start3A_159 = arith.constant 0 : i32
        %dma_start3A_160 = tpu.memref_slice %arg12[%dma_start3A_158, %dma_start3A_159] : memref<10016x64xf32, #tpu.memory_space<vmem_shared>> -> memref<10016x64xf32, #tpu.memory_space<vmem_shared>>
        tpu.enqueue_indirect_dma source(%arg14 : memref<128x64xf32, #tpu.memory_space<vmem>>) target(%dma_start3A_160 : memref<10016x64xf32, #tpu.memory_space<vmem_shared>>) offsets(%dma_start3A_157 : memref<128xi32, #tpu.memory_space<vmem>>) semaphore(%run_scoped3A : memref<!tpu.dma_semaphore, #tpu.memory_space<semaphore_mem>>) {add = true}
        %dma_wait3A_161 = arith.constant 0 : i32
        %dma_wait3A_162 = tpu.memref_slice %arg11[%add3A_94, %dma_wait3A_161] : memref<145x128xi32, #tpu.memory_space<vmem>> -> memref<1x128xi32, #tpu.memory_space<vmem>>
        %dma_wait3A_163 = tpu.memref_squeeze %dma_wait3A_162 : memref<1x128xi32, #tpu.memory_space<vmem>> -> memref<128xi32, #tpu.memory_space<vmem>>
        %dma_wait3A_164 = arith.constant 0 : i32
        %dma_wait3A_165 = arith.constant 0 : i32
        %dma_wait3A_166 = tpu.memref_slice %arg12[%dma_wait3A_164, %dma_wait3A_165] : memref<10016x64xf32, #tpu.memory_space<vmem_shared>> -> memref<10016x64xf32, #tpu.memory_space<vmem_shared>>
        tpu.wait_indirect_dma semaphore(%run_scoped3A : memref<!tpu.dma_semaphore, #tpu.memory_space<semaphore_mem>>) src(%arg14 : memref<128x64xf32, #tpu.memory_space<vmem>>) dst(%dma_wait3A_166 : memref<10016x64xf32, #tpu.memory_space<vmem_shared>>)
        tpu.yield
      }) : () -> ()
      "tpu.region"() ({
        %run_scoped3A = tpu.sem_alloc : memref<!tpu.dma_semaphore, #tpu.memory_space<semaphore_mem>>
        %dma_start3A_155 = arith.constant 0 : i32
        %dma_start3A_156 = tpu.memref_slice %arg11[%add3A_94, %dma_start3A_155] : memref<145x128xi32, #tpu.memory_space<vmem>> -> memref<1x128xi32, #tpu.memory_space<vmem>>
        %dma_start3A_157 = tpu.memref_squeeze %dma_start3A_156 : memref<1x128xi32, #tpu.memory_space<vmem>> -> memref<128xi32, #tpu.memory_space<vmem>>
        %dma_start3A_158 = arith.constant 0 : i32
        %dma_start3A_159 = arith.constant 0 : i32
        %dma_start3A_160 = tpu.memref_slice %arg24[%dma_start3A_158, %dma_start3A_159] : memref<10016x16xf32, #tpu.memory_space<vmem_shared>> -> memref<10016x16xf32, #tpu.memory_space<vmem_shared>>
        tpu.enqueue_indirect_dma source(%arg23 : memref<128x16xf32, #tpu.memory_space<vmem>>) target(%dma_start3A_160 : memref<10016x16xf32, #tpu.memory_space<vmem_shared>>) offsets(%dma_start3A_157 : memref<128xi32, #tpu.memory_space<vmem>>) semaphore(%run_scoped3A : memref<!tpu.dma_semaphore, #tpu.memory_space<semaphore_mem>>) {add = true}
        %dma_wait3A_161 = arith.constant 0 : i32
        %dma_wait3A_162 = tpu.memref_slice %arg11[%add3A_94, %dma_wait3A_161] : memref<145x128xi32, #tpu.memory_space<vmem>> -> memref<1x128xi32, #tpu.memory_space<vmem>>
        %dma_wait3A_163 = tpu.memref_squeeze %dma_wait3A_162 : memref<1x128xi32, #tpu.memory_space<vmem>> -> memref<128xi32, #tpu.memory_space<vmem>>
        %dma_wait3A_164 = arith.constant 0 : i32
        %dma_wait3A_165 = arith.constant 0 : i32
        %dma_wait3A_166 = tpu.memref_slice %arg24[%dma_wait3A_164, %dma_wait3A_165] : memref<10016x16xf32, #tpu.memory_space<vmem_shared>> -> memref<10016x16xf32, #tpu.memory_space<vmem_shared>>
        tpu.wait_indirect_dma semaphore(%run_scoped3A : memref<!tpu.dma_semaphore, #tpu.memory_space<semaphore_mem>>) src(%arg23 : memref<128x16xf32, #tpu.memory_space<vmem>>) dst(%dma_wait3A_166 : memref<10016x16xf32, #tpu.memory_space<vmem_shared>>)
        tpu.yield
      }) : () -> ()
      %add3A_101 = arith.constant 5 : i32
      %add3A_102 = arith.addi %add3A_94, %add3A_101 : i32
      %lt3A_103 = arith.cmpi slt, %add3A_102, %select_n3A_8 : i32
      %convert_element_type3A_104 = arith.extui %lt3A_103 : i1 to i32
      %cond3A_105 = arith.constant 0 : i32
      %cond3A_106 = arith.cmpi ne, %convert_element_type3A_104, %cond3A_105 : i32
      scf.if %cond3A_106 {
        %dma_start3A_155 = arith.constant 0 : i32
        %dma_start3A_156 = tpu.memref_slice %arg10[%add3A_102, %dma_start3A_155] : memref<145x128xi32, #tpu.memory_space<vmem>> -> memref<1x128xi32, #tpu.memory_space<vmem>>
        %dma_start3A_157 = tpu.memref_squeeze %dma_start3A_156 : memref<1x128xi32, #tpu.memory_space<vmem>> -> memref<128xi32, #tpu.memory_space<vmem>>
        %dma_start3A_158 = arith.constant 0 : i32
        %dma_start3A_159 = arith.constant 0 : i32
        %dma_start3A_160 = tpu.memref_slice %arg2[%dma_start3A_158, %dma_start3A_159] : memref<10000x64xf32, #tpu.memory_space<hbm>> -> memref<10000x64xf32, #tpu.memory_space<hbm>>
        tpu.enqueue_indirect_dma source(%dma_start3A_160 : memref<10000x64xf32, #tpu.memory_space<hbm>>) target(%arg14 : memref<128x64xf32, #tpu.memory_space<vmem>>) offsets(%dma_start3A_157 : memref<128xi32, #tpu.memory_space<vmem>>) semaphore(%arg19 : memref<!tpu.dma_semaphore, #tpu.memory_space<semaphore_mem>>)
      } else {
      }
      %mul3A_107 = arith.constant 5 : i32
      %mul3A_108 = arith.muli %while3A_76, %mul3A_107 : i32
      %add3A_109 = arith.constant 2 : i32
      %add3A_110 = arith.addi %mul3A_108, %add3A_109 : i32
      %dma_wait3A_111 = arith.constant 0 : i32
      %dma_wait3A_112 = tpu.memref_slice %arg10[%add3A_110, %dma_wait3A_111] : memref<145x128xi32, #tpu.memory_space<vmem>> -> memref<1x128xi32, #tpu.memory_space<vmem>>
      %dma_wait3A_113 = tpu.memref_squeeze %dma_wait3A_112 : memref<1x128xi32, #tpu.memory_space<vmem>> -> memref<128xi32, #tpu.memory_space<vmem>>
      %dma_wait3A_114 = arith.constant 0 : i32
      %dma_wait3A_115 = arith.constant 0 : i32
      %dma_wait3A_116 = tpu.memref_slice %arg2[%dma_wait3A_114, %dma_wait3A_115] : memref<10000x64xf32, #tpu.memory_space<hbm>> -> memref<10000x64xf32, #tpu.memory_space<hbm>>
      tpu.wait_indirect_dma semaphore(%arg20 : memref<!tpu.dma_semaphore, #tpu.memory_space<semaphore_mem>>) src(%dma_wait3A_116 : memref<10000x64xf32, #tpu.memory_space<hbm>>) dst(%arg15 : memref<128x64xf32, #tpu.memory_space<vmem>>)
      "tpu.region"() ({
        %run_scoped3A = tpu.sem_alloc : memref<!tpu.dma_semaphore, #tpu.memory_space<semaphore_mem>>
        %dma_start3A_155 = arith.constant 0 : i32
        %dma_start3A_156 = tpu.memref_slice %arg11[%add3A_110, %dma_start3A_155] : memref<145x128xi32, #tpu.memory_space<vmem>> -> memref<1x128xi32, #tpu.memory_space<vmem>>
        %dma_start3A_157 = tpu.memref_squeeze %dma_start3A_156 : memref<1x128xi32, #tpu.memory_space<vmem>> -> memref<128xi32, #tpu.memory_space<vmem>>
        %dma_start3A_158 = arith.constant 0 : i32
        %dma_start3A_159 = arith.constant 0 : i32
        %dma_start3A_160 = tpu.memref_slice %arg12[%dma_start3A_158, %dma_start3A_159] : memref<10016x64xf32, #tpu.memory_space<vmem_shared>> -> memref<10016x64xf32, #tpu.memory_space<vmem_shared>>
        tpu.enqueue_indirect_dma source(%arg15 : memref<128x64xf32, #tpu.memory_space<vmem>>) target(%dma_start3A_160 : memref<10016x64xf32, #tpu.memory_space<vmem_shared>>) offsets(%dma_start3A_157 : memref<128xi32, #tpu.memory_space<vmem>>) semaphore(%run_scoped3A : memref<!tpu.dma_semaphore, #tpu.memory_space<semaphore_mem>>) {add = true}
        %dma_wait3A_161 = arith.constant 0 : i32
        %dma_wait3A_162 = tpu.memref_slice %arg11[%add3A_110, %dma_wait3A_161] : memref<145x128xi32, #tpu.memory_space<vmem>> -> memref<1x128xi32, #tpu.memory_space<vmem>>
        %dma_wait3A_163 = tpu.memref_squeeze %dma_wait3A_162 : memref<1x128xi32, #tpu.memory_space<vmem>> -> memref<128xi32, #tpu.memory_space<vmem>>
        %dma_wait3A_164 = arith.constant 0 : i32
        %dma_wait3A_165 = arith.constant 0 : i32
        %dma_wait3A_166 = tpu.memref_slice %arg12[%dma_wait3A_164, %dma_wait3A_165] : memref<10016x64xf32, #tpu.memory_space<vmem_shared>> -> memref<10016x64xf32, #tpu.memory_space<vmem_shared>>
        tpu.wait_indirect_dma semaphore(%run_scoped3A : memref<!tpu.dma_semaphore, #tpu.memory_space<semaphore_mem>>) src(%arg15 : memref<128x64xf32, #tpu.memory_space<vmem>>) dst(%dma_wait3A_166 : memref<10016x64xf32, #tpu.memory_space<vmem_shared>>)
        tpu.yield
      }) : () -> ()
      "tpu.region"() ({
        %run_scoped3A = tpu.sem_alloc : memref<!tpu.dma_semaphore, #tpu.memory_space<semaphore_mem>>
        %dma_start3A_155 = arith.constant 0 : i32
        %dma_start3A_156 = tpu.memref_slice %arg11[%add3A_110, %dma_start3A_155] : memref<145x128xi32, #tpu.memory_space<vmem>> -> memref<1x128xi32, #tpu.memory_space<vmem>>
        %dma_start3A_157 = tpu.memref_squeeze %dma_start3A_156 : memref<1x128xi32, #tpu.memory_space<vmem>> -> memref<128xi32, #tpu.memory_space<vmem>>
        %dma_start3A_158 = arith.constant 0 : i32
        %dma_start3A_159 = arith.constant 0 : i32
        %dma_start3A_160 = tpu.memref_slice %arg24[%dma_start3A_158, %dma_start3A_159] : memref<10016x16xf32, #tpu.memory_space<vmem_shared>> -> memref<10016x16xf32, #tpu.memory_space<vmem_shared>>
        tpu.enqueue_indirect_dma source(%arg23 : memref<128x16xf32, #tpu.memory_space<vmem>>) target(%dma_start3A_160 : memref<10016x16xf32, #tpu.memory_space<vmem_shared>>) offsets(%dma_start3A_157 : memref<128xi32, #tpu.memory_space<vmem>>) semaphore(%run_scoped3A : memref<!tpu.dma_semaphore, #tpu.memory_space<semaphore_mem>>) {add = true}
        %dma_wait3A_161 = arith.constant 0 : i32
        %dma_wait3A_162 = tpu.memref_slice %arg11[%add3A_110, %dma_wait3A_161] : memref<145x128xi32, #tpu.memory_space<vmem>> -> memref<1x128xi32, #tpu.memory_space<vmem>>
        %dma_wait3A_163 = tpu.memref_squeeze %dma_wait3A_162 : memref<1x128xi32, #tpu.memory_space<vmem>> -> memref<128xi32, #tpu.memory_space<vmem>>
        %dma_wait3A_164 = arith.constant 0 : i32
        %dma_wait3A_165 = arith.constant 0 : i32
        %dma_wait3A_166 = tpu.memref_slice %arg24[%dma_wait3A_164, %dma_wait3A_165] : memref<10016x16xf32, #tpu.memory_space<vmem_shared>> -> memref<10016x16xf32, #tpu.memory_space<vmem_shared>>
        tpu.wait_indirect_dma semaphore(%run_scoped3A : memref<!tpu.dma_semaphore, #tpu.memory_space<semaphore_mem>>) src(%arg23 : memref<128x16xf32, #tpu.memory_space<vmem>>) dst(%dma_wait3A_166 : memref<10016x16xf32, #tpu.memory_space<vmem_shared>>)
        tpu.yield
      }) : () -> ()
      %add3A_117 = arith.constant 5 : i32
      %add3A_118 = arith.addi %add3A_110, %add3A_117 : i32
      %lt3A_119 = arith.cmpi slt, %add3A_118, %select_n3A_8 : i32
      %convert_element_type3A_120 = arith.extui %lt3A_119 : i1 to i32
      %cond3A_121 = arith.constant 0 : i32
      %cond3A_122 = arith.cmpi ne, %convert_element_type3A_120, %cond3A_121 : i32
      scf.if %cond3A_122 {
        %dma_start3A_155 = arith.constant 0 : i32
        %dma_start3A_156 = tpu.memref_slice %arg10[%add3A_118, %dma_start3A_155] : memref<145x128xi32, #tpu.memory_space<vmem>> -> memref<1x128xi32, #tpu.memory_space<vmem>>
        %dma_start3A_157 = tpu.memref_squeeze %dma_start3A_156 : memref<1x128xi32, #tpu.memory_space<vmem>> -> memref<128xi32, #tpu.memory_space<vmem>>
        %dma_start3A_158 = arith.constant 0 : i32
        %dma_start3A_159 = arith.constant 0 : i32
        %dma_start3A_160 = tpu.memref_slice %arg2[%dma_start3A_158, %dma_start3A_159] : memref<10000x64xf32, #tpu.memory_space<hbm>> -> memref<10000x64xf32, #tpu.memory_space<hbm>>
        tpu.enqueue_indirect_dma source(%dma_start3A_160 : memref<10000x64xf32, #tpu.memory_space<hbm>>) target(%arg15 : memref<128x64xf32, #tpu.memory_space<vmem>>) offsets(%dma_start3A_157 : memref<128xi32, #tpu.memory_space<vmem>>) semaphore(%arg20 : memref<!tpu.dma_semaphore, #tpu.memory_space<semaphore_mem>>)
      } else {
      }
      %mul3A_123 = arith.constant 5 : i32
      %mul3A_124 = arith.muli %while3A_76, %mul3A_123 : i32
      %add3A_125 = arith.constant 3 : i32
      %add3A_126 = arith.addi %mul3A_124, %add3A_125 : i32
      %dma_wait3A_127 = arith.constant 0 : i32
      %dma_wait3A_128 = tpu.memref_slice %arg10[%add3A_126, %dma_wait3A_127] : memref<145x128xi32, #tpu.memory_space<vmem>> -> memref<1x128xi32, #tpu.memory_space<vmem>>
      %dma_wait3A_129 = tpu.memref_squeeze %dma_wait3A_128 : memref<1x128xi32, #tpu.memory_space<vmem>> -> memref<128xi32, #tpu.memory_space<vmem>>
      %dma_wait3A_130 = arith.constant 0 : i32
      %dma_wait3A_131 = arith.constant 0 : i32
      %dma_wait3A_132 = tpu.memref_slice %arg2[%dma_wait3A_130, %dma_wait3A_131] : memref<10000x64xf32, #tpu.memory_space<hbm>> -> memref<10000x64xf32, #tpu.memory_space<hbm>>
      tpu.wait_indirect_dma semaphore(%arg21 : memref<!tpu.dma_semaphore, #tpu.memory_space<semaphore_mem>>) src(%dma_wait3A_132 : memref<10000x64xf32, #tpu.memory_space<hbm>>) dst(%arg16 : memref<128x64xf32, #tpu.memory_space<vmem>>)
      "tpu.region"() ({
        %run_scoped3A = tpu.sem_alloc : memref<!tpu.dma_semaphore, #tpu.memory_space<semaphore_mem>>
        %dma_start3A_155 = arith.constant 0 : i32
        %dma_start3A_156 = tpu.memref_slice %arg11[%add3A_126, %dma_start3A_155] : memref<145x128xi32, #tpu.memory_space<vmem>> -> memref<1x128xi32, #tpu.memory_space<vmem>>
        %dma_start3A_157 = tpu.memref_squeeze %dma_start3A_156 : memref<1x128xi32, #tpu.memory_space<vmem>> -> memref<128xi32, #tpu.memory_space<vmem>>
        %dma_start3A_158 = arith.constant 0 : i32
        %dma_start3A_159 = arith.constant 0 : i32
        %dma_start3A_160 = tpu.memref_slice %arg12[%dma_start3A_158, %dma_start3A_159] : memref<10016x64xf32, #tpu.memory_space<vmem_shared>> -> memref<10016x64xf32, #tpu.memory_space<vmem_shared>>
        tpu.enqueue_indirect_dma source(%arg16 : memref<128x64xf32, #tpu.memory_space<vmem>>) target(%dma_start3A_160 : memref<10016x64xf32, #tpu.memory_space<vmem_shared>>) offsets(%dma_start3A_157 : memref<128xi32, #tpu.memory_space<vmem>>) semaphore(%run_scoped3A : memref<!tpu.dma_semaphore, #tpu.memory_space<semaphore_mem>>) {add = true}
        %dma_wait3A_161 = arith.constant 0 : i32
        %dma_wait3A_162 = tpu.memref_slice %arg11[%add3A_126, %dma_wait3A_161] : memref<145x128xi32, #tpu.memory_space<vmem>> -> memref<1x128xi32, #tpu.memory_space<vmem>>
        %dma_wait3A_163 = tpu.memref_squeeze %dma_wait3A_162 : memref<1x128xi32, #tpu.memory_space<vmem>> -> memref<128xi32, #tpu.memory_space<vmem>>
        %dma_wait3A_164 = arith.constant 0 : i32
        %dma_wait3A_165 = arith.constant 0 : i32
        %dma_wait3A_166 = tpu.memref_slice %arg12[%dma_wait3A_164, %dma_wait3A_165] : memref<10016x64xf32, #tpu.memory_space<vmem_shared>> -> memref<10016x64xf32, #tpu.memory_space<vmem_shared>>
        tpu.wait_indirect_dma semaphore(%run_scoped3A : memref<!tpu.dma_semaphore, #tpu.memory_space<semaphore_mem>>) src(%arg16 : memref<128x64xf32, #tpu.memory_space<vmem>>) dst(%dma_wait3A_166 : memref<10016x64xf32, #tpu.memory_space<vmem_shared>>)
        tpu.yield
      }) : () -> ()
      "tpu.region"() ({
        %run_scoped3A = tpu.sem_alloc : memref<!tpu.dma_semaphore, #tpu.memory_space<semaphore_mem>>
        %dma_start3A_155 = arith.constant 0 : i32
        %dma_start3A_156 = tpu.memref_slice %arg11[%add3A_126, %dma_start3A_155] : memref<145x128xi32, #tpu.memory_space<vmem>> -> memref<1x128xi32, #tpu.memory_space<vmem>>
        %dma_start3A_157 = tpu.memref_squeeze %dma_start3A_156 : memref<1x128xi32, #tpu.memory_space<vmem>> -> memref<128xi32, #tpu.memory_space<vmem>>
        %dma_start3A_158 = arith.constant 0 : i32
        %dma_start3A_159 = arith.constant 0 : i32
        %dma_start3A_160 = tpu.memref_slice %arg24[%dma_start3A_158, %dma_start3A_159] : memref<10016x16xf32, #tpu.memory_space<vmem_shared>> -> memref<10016x16xf32, #tpu.memory_space<vmem_shared>>
        tpu.enqueue_indirect_dma source(%arg23 : memref<128x16xf32, #tpu.memory_space<vmem>>) target(%dma_start3A_160 : memref<10016x16xf32, #tpu.memory_space<vmem_shared>>) offsets(%dma_start3A_157 : memref<128xi32, #tpu.memory_space<vmem>>) semaphore(%run_scoped3A : memref<!tpu.dma_semaphore, #tpu.memory_space<semaphore_mem>>) {add = true}
        %dma_wait3A_161 = arith.constant 0 : i32
        %dma_wait3A_162 = tpu.memref_slice %arg11[%add3A_126, %dma_wait3A_161] : memref<145x128xi32, #tpu.memory_space<vmem>> -> memref<1x128xi32, #tpu.memory_space<vmem>>
        %dma_wait3A_163 = tpu.memref_squeeze %dma_wait3A_162 : memref<1x128xi32, #tpu.memory_space<vmem>> -> memref<128xi32, #tpu.memory_space<vmem>>
        %dma_wait3A_164 = arith.constant 0 : i32
        %dma_wait3A_165 = arith.constant 0 : i32
        %dma_wait3A_166 = tpu.memref_slice %arg24[%dma_wait3A_164, %dma_wait3A_165] : memref<10016x16xf32, #tpu.memory_space<vmem_shared>> -> memref<10016x16xf32, #tpu.memory_space<vmem_shared>>
        tpu.wait_indirect_dma semaphore(%run_scoped3A : memref<!tpu.dma_semaphore, #tpu.memory_space<semaphore_mem>>) src(%arg23 : memref<128x16xf32, #tpu.memory_space<vmem>>) dst(%dma_wait3A_166 : memref<10016x16xf32, #tpu.memory_space<vmem_shared>>)
        tpu.yield
      }) : () -> ()
      %add3A_133 = arith.constant 5 : i32
      %add3A_134 = arith.addi %add3A_126, %add3A_133 : i32
      %lt3A_135 = arith.cmpi slt, %add3A_134, %select_n3A_8 : i32
      %convert_element_type3A_136 = arith.extui %lt3A_135 : i1 to i32
      %cond3A_137 = arith.constant 0 : i32
      %cond3A_138 = arith.cmpi ne, %convert_element_type3A_136, %cond3A_137 : i32
      scf.if %cond3A_138 {
        %dma_start3A_155 = arith.constant 0 : i32
        %dma_start3A_156 = tpu.memref_slice %arg10[%add3A_134, %dma_start3A_155] : memref<145x128xi32, #tpu.memory_space<vmem>> -> memref<1x128xi32, #tpu.memory_space<vmem>>
        %dma_start3A_157 = tpu.memref_squeeze %dma_start3A_156 : memref<1x128xi32, #tpu.memory_space<vmem>> -> memref<128xi32, #tpu.memory_space<vmem>>
        %dma_start3A_158 = arith.constant 0 : i32
        %dma_start3A_159 = arith.constant 0 : i32
        %dma_start3A_160 = tpu.memref_slice %arg2[%dma_start3A_158, %dma_start3A_159] : memref<10000x64xf32, #tpu.memory_space<hbm>> -> memref<10000x64xf32, #tpu.memory_space<hbm>>
        tpu.enqueue_indirect_dma source(%dma_start3A_160 : memref<10000x64xf32, #tpu.memory_space<hbm>>) target(%arg16 : memref<128x64xf32, #tpu.memory_space<vmem>>) offsets(%dma_start3A_157 : memref<128xi32, #tpu.memory_space<vmem>>) semaphore(%arg21 : memref<!tpu.dma_semaphore, #tpu.memory_space<semaphore_mem>>)
      } else {
      }
      %mul3A_139 = arith.constant 5 : i32
      %mul3A_140 = arith.muli %while3A_76, %mul3A_139 : i32
      %add3A_141 = arith.constant 4 : i32
      %add3A_142 = arith.addi %mul3A_140, %add3A_141 : i32
      %dma_wait3A_143 = arith.constant 0 : i32
      %dma_wait3A_144 = tpu.memref_slice %arg10[%add3A_142, %dma_wait3A_143] : memref<145x128xi32, #tpu.memory_space<vmem>> -> memref<1x128xi32, #tpu.memory_space<vmem>>
      %dma_wait3A_145 = tpu.memref_squeeze %dma_wait3A_144 : memref<1x128xi32, #tpu.memory_space<vmem>> -> memref<128xi32, #tpu.memory_space<vmem>>
      %dma_wait3A_146 = arith.constant 0 : i32
      %dma_wait3A_147 = arith.constant 0 : i32
      %dma_wait3A_148 = tpu.memref_slice %arg2[%dma_wait3A_146, %dma_wait3A_147] : memref<10000x64xf32, #tpu.memory_space<hbm>> -> memref<10000x64xf32, #tpu.memory_space<hbm>>
      tpu.wait_indirect_dma semaphore(%arg22 : memref<!tpu.dma_semaphore, #tpu.memory_space<semaphore_mem>>) src(%dma_wait3A_148 : memref<10000x64xf32, #tpu.memory_space<hbm>>) dst(%arg17 : memref<128x64xf32, #tpu.memory_space<vmem>>)
      "tpu.region"() ({
        %run_scoped3A = tpu.sem_alloc : memref<!tpu.dma_semaphore, #tpu.memory_space<semaphore_mem>>
        %dma_start3A_155 = arith.constant 0 : i32
        %dma_start3A_156 = tpu.memref_slice %arg11[%add3A_142, %dma_start3A_155] : memref<145x128xi32, #tpu.memory_space<vmem>> -> memref<1x128xi32, #tpu.memory_space<vmem>>
        %dma_start3A_157 = tpu.memref_squeeze %dma_start3A_156 : memref<1x128xi32, #tpu.memory_space<vmem>> -> memref<128xi32, #tpu.memory_space<vmem>>
        %dma_start3A_158 = arith.constant 0 : i32
        %dma_start3A_159 = arith.constant 0 : i32
        %dma_start3A_160 = tpu.memref_slice %arg12[%dma_start3A_158, %dma_start3A_159] : memref<10016x64xf32, #tpu.memory_space<vmem_shared>> -> memref<10016x64xf32, #tpu.memory_space<vmem_shared>>
        tpu.enqueue_indirect_dma source(%arg17 : memref<128x64xf32, #tpu.memory_space<vmem>>) target(%dma_start3A_160 : memref<10016x64xf32, #tpu.memory_space<vmem_shared>>) offsets(%dma_start3A_157 : memref<128xi32, #tpu.memory_space<vmem>>) semaphore(%run_scoped3A : memref<!tpu.dma_semaphore, #tpu.memory_space<semaphore_mem>>) {add = true}
        %dma_wait3A_161 = arith.constant 0 : i32
        %dma_wait3A_162 = tpu.memref_slice %arg11[%add3A_142, %dma_wait3A_161] : memref<145x128xi32, #tpu.memory_space<vmem>> -> memref<1x128xi32, #tpu.memory_space<vmem>>
        %dma_wait3A_163 = tpu.memref_squeeze %dma_wait3A_162 : memref<1x128xi32, #tpu.memory_space<vmem>> -> memref<128xi32, #tpu.memory_space<vmem>>
        %dma_wait3A_164 = arith.constant 0 : i32
        %dma_wait3A_165 = arith.constant 0 : i32
        %dma_wait3A_166 = tpu.memref_slice %arg12[%dma_wait3A_164, %dma_wait3A_165] : memref<10016x64xf32, #tpu.memory_space<vmem_shared>> -> memref<10016x64xf32, #tpu.memory_space<vmem_shared>>
        tpu.wait_indirect_dma semaphore(%run_scoped3A : memref<!tpu.dma_semaphore, #tpu.memory_space<semaphore_mem>>) src(%arg17 : memref<128x64xf32, #tpu.memory_space<vmem>>) dst(%dma_wait3A_166 : memref<10016x64xf32, #tpu.memory_space<vmem_shared>>)
        tpu.yield
      }) : () -> ()
      "tpu.region"() ({
        %run_scoped3A = tpu.sem_alloc : memref<!tpu.dma_semaphore, #tpu.memory_space<semaphore_mem>>
        %dma_start3A_155 = arith.constant 0 : i32
        %dma_start3A_156 = tpu.memref_slice %arg11[%add3A_142, %dma_start3A_155] : memref<145x128xi32, #tpu.memory_space<vmem>> -> memref<1x128xi32, #tpu.memory_space<vmem>>
        %dma_start3A_157 = tpu.memref_squeeze %dma_start3A_156 : memref<1x128xi32, #tpu.memory_space<vmem>> -> memref<128xi32, #tpu.memory_space<vmem>>
        %dma_start3A_158 = arith.constant 0 : i32
        %dma_start3A_159 = arith.constant 0 : i32
        %dma_start3A_160 = tpu.memref_slice %arg24[%dma_start3A_158, %dma_start3A_159] : memref<10016x16xf32, #tpu.memory_space<vmem_shared>> -> memref<10016x16xf32, #tpu.memory_space<vmem_shared>>
        tpu.enqueue_indirect_dma source(%arg23 : memref<128x16xf32, #tpu.memory_space<vmem>>) target(%dma_start3A_160 : memref<10016x16xf32, #tpu.memory_space<vmem_shared>>) offsets(%dma_start3A_157 : memref<128xi32, #tpu.memory_space<vmem>>) semaphore(%run_scoped3A : memref<!tpu.dma_semaphore, #tpu.memory_space<semaphore_mem>>) {add = true}
        %dma_wait3A_161 = arith.constant 0 : i32
        %dma_wait3A_162 = tpu.memref_slice %arg11[%add3A_142, %dma_wait3A_161] : memref<145x128xi32, #tpu.memory_space<vmem>> -> memref<1x128xi32, #tpu.memory_space<vmem>>
        %dma_wait3A_163 = tpu.memref_squeeze %dma_wait3A_162 : memref<1x128xi32, #tpu.memory_space<vmem>> -> memref<128xi32, #tpu.memory_space<vmem>>
        %dma_wait3A_164 = arith.constant 0 : i32
        %dma_wait3A_165 = arith.constant 0 : i32
        %dma_wait3A_166 = tpu.memref_slice %arg24[%dma_wait3A_164, %dma_wait3A_165] : memref<10016x16xf32, #tpu.memory_space<vmem_shared>> -> memref<10016x16xf32, #tpu.memory_space<vmem_shared>>
        tpu.wait_indirect_dma semaphore(%run_scoped3A : memref<!tpu.dma_semaphore, #tpu.memory_space<semaphore_mem>>) src(%arg23 : memref<128x16xf32, #tpu.memory_space<vmem>>) dst(%dma_wait3A_166 : memref<10016x16xf32, #tpu.memory_space<vmem_shared>>)
        tpu.yield
      }) : () -> ()
      %add3A_149 = arith.constant 5 : i32
      %add3A_150 = arith.addi %add3A_142, %add3A_149 : i32
      %lt3A_151 = arith.cmpi slt, %add3A_150, %select_n3A_8 : i32
      %convert_element_type3A_152 = arith.extui %lt3A_151 : i1 to i32
      %cond3A_153 = arith.constant 0 : i32
      %cond3A_154 = arith.cmpi ne, %convert_element_type3A_152, %cond3A_153 : i32
      scf.if %cond3A_154 {
        %dma_start3A_155 = arith.constant 0 : i32
        %dma_start3A_156 = tpu.memref_slice %arg10[%add3A_150, %dma_start3A_155] : memref<145x128xi32, #tpu.memory_space<vmem>> -> memref<1x128xi32, #tpu.memory_space<vmem>>
        %dma_start3A_157 = tpu.memref_squeeze %dma_start3A_156 : memref<1x128xi32, #tpu.memory_space<vmem>> -> memref<128xi32, #tpu.memory_space<vmem>>
        %dma_start3A_158 = arith.constant 0 : i32
        %dma_start3A_159 = arith.constant 0 : i32
        %dma_start3A_160 = tpu.memref_slice %arg2[%dma_start3A_158, %dma_start3A_159] : memref<10000x64xf32, #tpu.memory_space<hbm>> -> memref<10000x64xf32, #tpu.memory_space<hbm>>
        tpu.enqueue_indirect_dma source(%dma_start3A_160 : memref<10000x64xf32, #tpu.memory_space<hbm>>) target(%arg17 : memref<128x64xf32, #tpu.memory_space<vmem>>) offsets(%dma_start3A_157 : memref<128xi32, #tpu.memory_space<vmem>>) semaphore(%arg22 : memref<!tpu.dma_semaphore, #tpu.memory_space<semaphore_mem>>)
      } else {
      }
    }
    %barrier3A_75 = arith.constant 0 : index
    tpu.barrier barrier_id(%barrier3A_75)
    "tpu.region"() ({
      %run_scoped3A = tpu.sem_alloc : memref<!tpu.dma_semaphore, #tpu.memory_space<semaphore_mem>>
      %dma_start3A_76 = arith.constant 0 : i32
      %dma_start3A_77 = tpu.memref_slice %arg8[%arg0, %mul3A_10, %dma_start3A_76] : memref<2x10016x64xf32, #tpu.memory_space<hbm>> -> memref<1x626x64xf32, #tpu.memory_space<hbm>>
      %dma_start3A_78 = tpu.memref_squeeze %dma_start3A_77 : memref<1x626x64xf32, #tpu.memory_space<hbm>> -> memref<626x64xf32, #tpu.memory_space<hbm>>
      %dma_start3A_79 = arith.constant 0 : i32
      %dma_start3A_80 = tpu.memref_slice %arg12[%mul3A_10, %dma_start3A_79] : memref<10016x64xf32, #tpu.memory_space<vmem_shared>> -> memref<626x64xf32, #tpu.memory_space<vmem_shared>>
      tpu.enqueue_dma source(%dma_start3A_80 : memref<626x64xf32, #tpu.memory_space<vmem_shared>>) target(%dma_start3A_78 : memref<626x64xf32, #tpu.memory_space<hbm>>) target_semaphore(%run_scoped3A : memref<!tpu.dma_semaphore, #tpu.memory_space<semaphore_mem>>)
      %dma_wait3A = arith.constant 0 : i32
      %dma_wait3A_81 = tpu.memref_slice %arg8[%arg0, %mul3A_10, %dma_wait3A] : memref<2x10016x64xf32, #tpu.memory_space<hbm>> -> memref<1x626x64xf32, #tpu.memory_space<hbm>>
      %dma_wait3A_82 = tpu.memref_squeeze %dma_wait3A_81 : memref<1x626x64xf32, #tpu.memory_space<hbm>> -> memref<626x64xf32, #tpu.memory_space<hbm>>
      %dma_wait3A_83 = arith.constant 0 : i32
      %dma_wait3A_84 = tpu.memref_slice %arg12[%mul3A_10, %dma_wait3A_83] : memref<10016x64xf32, #tpu.memory_space<vmem_shared>> -> memref<626x64xf32, #tpu.memory_space<vmem_shared>>
      tpu.wait_dma2 semaphore(%run_scoped3A : memref<!tpu.dma_semaphore, #tpu.memory_space<semaphore_mem>>) src(%dma_wait3A_84 : memref<626x64xf32, #tpu.memory_space<vmem_shared>>) dst(%dma_wait3A_82 : memref<626x64xf32, #tpu.memory_space<hbm>>)
      tpu.yield
    }) : () -> ()
    "tpu.region"() ({
      %run_scoped3A = tpu.sem_alloc : memref<!tpu.dma_semaphore, #tpu.memory_space<semaphore_mem>>
      %dma_start3A_76 = arith.constant 0 : i32
      %dma_start3A_77 = tpu.memref_slice %arg9[%arg0, %mul3A_10, %dma_start3A_76] : memref<2x10016x16xf32, #tpu.memory_space<hbm>> -> memref<1x626x16xf32, #tpu.memory_space<hbm>>
      %dma_start3A_78 = tpu.memref_squeeze %dma_start3A_77 : memref<1x626x16xf32, #tpu.memory_space<hbm>> -> memref<626x16xf32, #tpu.memory_space<hbm>>
      %dma_start3A_79 = arith.constant 0 : i32
      %dma_start3A_80 = tpu.memref_slice %arg24[%mul3A_10, %dma_start3A_79] : memref<10016x16xf32, #tpu.memory_space<vmem_shared>> -> memref<626x16xf32, #tpu.memory_space<vmem_shared>>
      tpu.enqueue_dma source(%dma_start3A_80 : memref<626x16xf32, #tpu.memory_space<vmem_shared>>) target(%dma_start3A_78 : memref<626x16xf32, #tpu.memory_space<hbm>>) target_semaphore(%run_scoped3A : memref<!tpu.dma_semaphore, #tpu.memory_space<semaphore_mem>>)
      %dma_wait3A = arith.constant 0 : i32
      %dma_wait3A_81 = tpu.memref_slice %arg9[%arg0, %mul3A_10, %dma_wait3A] : memref<2x10016x16xf32, #tpu.memory_space<hbm>> -> memref<1x626x16xf32, #tpu.memory_space<hbm>>
      %dma_wait3A_82 = tpu.memref_squeeze %dma_wait3A_81 : memref<1x626x16xf32, #tpu.memory_space<hbm>> -> memref<626x16xf32, #tpu.memory_space<hbm>>
      %dma_wait3A_83 = arith.constant 0 : i32
      %dma_wait3A_84 = tpu.memref_slice %arg24[%mul3A_10, %dma_wait3A_83] : memref<10016x16xf32, #tpu.memory_space<vmem_shared>> -> memref<626x16xf32, #tpu.memory_space<vmem_shared>>
      tpu.wait_dma2 semaphore(%run_scoped3A : memref<!tpu.dma_semaphore, #tpu.memory_space<semaphore_mem>>) src(%dma_wait3A_84 : memref<626x16xf32, #tpu.memory_space<vmem_shared>>) dst(%dma_wait3A_82 : memref<626x16xf32, #tpu.memory_space<hbm>>)
      tpu.yield
    }) : () -> ()
    return
  }
}

#map = affine_map<(d0, d1) -> (0, 0)>
#map1 = affine_map<(d0, d1) -> (0, 0, 0)>
module attributes {stable_mosaic.version = 14 : i64} {
  func.func @body(%arg0: i32, %arg1: i32, %arg2: memref<10000x32xf32, #tpu.memory_space<hbm>>, %arg3: memref<2690x128xi32, #tpu.memory_space<hbm>>, %arg4: memref<2690x128xi32, #tpu.memory_space<hbm>>, %arg5: memref<10016x32xf32, #tpu.memory_space<hbm>>, %arg6: memref<2x10016x32xf32, #tpu.memory_space<hbm>>, %arg7: memref<145x128xi32, #tpu.memory_space<vmem>>, %arg8: memref<145x128xi32, #tpu.memory_space<vmem>>, %arg9: memref<10016x32xf32, #tpu.memory_space<vmem_shared>>, %arg10: memref<128x32xf32, #tpu.memory_space<vmem>>, %arg11: memref<128x32xf32, #tpu.memory_space<vmem>>, %arg12: memref<128x32xf32, #tpu.memory_space<vmem>>, %arg13: memref<128x32xf32, #tpu.memory_space<vmem>>, %arg14: memref<128x32xf32, #tpu.memory_space<vmem>>, %arg15: memref<!tpu.dma_semaphore, #tpu.memory_space<semaphore_mem>>, %arg16: memref<!tpu.dma_semaphore, #tpu.memory_space<semaphore_mem>>, %arg17: memref<!tpu.dma_semaphore, #tpu.memory_space<semaphore_mem>>, %arg18: memref<!tpu.dma_semaphore, #tpu.memory_space<semaphore_mem>>, %arg19: memref<!tpu.dma_semaphore, #tpu.memory_space<semaphore_mem>>) attributes {dimension_semantics = [#tpu.dimension_semantics<core_parallel>, #tpu.dimension_semantics<subcore_parallel>], iteration_bounds = array<i64: 2, 16>, scalar_prefetch = 0 : i64, scratch_operands = 13 : i64, tpu.core_type = #tpu.core_type<sc_vector_subcore>, window_params = [{transform_indices = #map}, {transform_indices = #map}, {transform_indices = #map}, {transform_indices = #map}, {transform_indices = #map1}]} {
    %eq3A = arith.constant 0 : i32
    %eq3A_0 = arith.cmpi eq, %arg0, %eq3A : i32
    %mul3A = arith.constant 145 : i32
    %mul3A_1 = arith.muli %arg1, %mul3A : i32
    %mul3A_2 = arith.constant 15 : i32
    %mul3A_3 = arith.muli %arg1, %mul3A_2 : i32
    %add3A = arith.constant 2320 : i32
    %add3A_4 = arith.addi %add3A, %mul3A_3 : i32
    %select_n3A = arith.select %eq3A_0, %mul3A_1, %add3A_4 : i32
    %eq3A_5 = arith.constant 0 : i32
    %eq3A_6 = arith.cmpi eq, %arg0, %eq3A_5 : i32
    %jit3A = arith.constant 145 : i32
    %jit3A_7 = arith.constant 15 : i32
    %select_n3A_8 = arith.select %eq3A_6, %jit3A, %jit3A_7 : i32
    %mul3A_9 = arith.constant 626 : i32
    %mul3A_10 = arith.muli %arg1, %mul3A_9 : i32
    "tpu.region"() ({
      %run_scoped3A = tpu.sem_alloc : memref<!tpu.dma_semaphore, #tpu.memory_space<semaphore_mem>>
      %dma_start3A_76 = arith.constant 0 : i32
      %dma_start3A_77 = tpu.memref_slice %arg9[%mul3A_10, %dma_start3A_76] : memref<10016x32xf32, #tpu.memory_space<vmem_shared>> -> memref<626x32xf32, #tpu.memory_space<vmem_shared>>
      %dma_start3A_78 = arith.constant 0 : i32
      %dma_start3A_79 = tpu.memref_slice %arg5[%mul3A_10, %dma_start3A_78] : memref<10016x32xf32, #tpu.memory_space<hbm>> -> memref<626x32xf32, #tpu.memory_space<hbm>>
      tpu.enqueue_dma source(%dma_start3A_79 : memref<626x32xf32, #tpu.memory_space<hbm>>) target(%dma_start3A_77 : memref<626x32xf32, #tpu.memory_space<vmem_shared>>) target_semaphore(%run_scoped3A : memref<!tpu.dma_semaphore, #tpu.memory_space<semaphore_mem>>)
      %dma_wait3A = arith.constant 0 : i32
      %dma_wait3A_80 = tpu.memref_slice %arg9[%mul3A_10, %dma_wait3A] : memref<10016x32xf32, #tpu.memory_space<vmem_shared>> -> memref<626x32xf32, #tpu.memory_space<vmem_shared>>
      %dma_wait3A_81 = arith.constant 0 : i32
      %dma_wait3A_82 = tpu.memref_slice %arg5[%mul3A_10, %dma_wait3A_81] : memref<10016x32xf32, #tpu.memory_space<hbm>> -> memref<626x32xf32, #tpu.memory_space<hbm>>
      tpu.wait_dma2 semaphore(%run_scoped3A : memref<!tpu.dma_semaphore, #tpu.memory_space<semaphore_mem>>) src(%dma_wait3A_82 : memref<626x32xf32, #tpu.memory_space<hbm>>) dst(%dma_wait3A_80 : memref<626x32xf32, #tpu.memory_space<vmem_shared>>)
      tpu.yield
    }) : () -> ()
    "tpu.region"() ({
      %run_scoped3A = tpu.sem_alloc : memref<!tpu.dma_semaphore, #tpu.memory_space<semaphore_mem>>
      %dma_start3A_76 = arith.constant 0 : i32
      %dma_start3A_77 = arith.constant 0 : i32
      %dma_start3A_78 = tpu.memref_slice %arg7[%dma_start3A_76, %dma_start3A_77] : memref<145x128xi32, #tpu.memory_space<vmem>> -> memref<15x128xi32, #tpu.memory_space<vmem>>
      %dma_start3A_79 = arith.constant 0 : i32
      %dma_start3A_80 = tpu.memref_slice %arg3[%select_n3A, %dma_start3A_79] : memref<2690x128xi32, #tpu.memory_space<hbm>> -> memref<15x128xi32, #tpu.memory_space<hbm>>
      %dma_start3A_81 = arith.constant 0 : i32
      %dma_start3A_82 = arith.constant 0 : i32
      %dma_start3A_83 = tpu.memref_slice %arg7[%dma_start3A_81, %dma_start3A_82] : memref<145x128xi32, #tpu.memory_space<vmem>> -> memref<15x128xi32, #tpu.memory_space<vmem>>
      %dma_start3A_84 = arith.constant 0 : i32
      %dma_start3A_85 = tpu.memref_slice %arg3[%select_n3A, %dma_start3A_84] : memref<2690x128xi32, #tpu.memory_space<hbm>> -> memref<15x128xi32, #tpu.memory_space<hbm>>
      tpu.enqueue_dma source(%dma_start3A_85 : memref<15x128xi32, #tpu.memory_space<hbm>>) target(%dma_start3A_83 : memref<15x128xi32, #tpu.memory_space<vmem>>) target_semaphore(%run_scoped3A : memref<!tpu.dma_semaphore, #tpu.memory_space<semaphore_mem>>)
      %dma_wait3A = arith.constant 0 : i32
      %dma_wait3A_86 = arith.constant 0 : i32
      %dma_wait3A_87 = tpu.memref_slice %arg7[%dma_wait3A, %dma_wait3A_86] : memref<145x128xi32, #tpu.memory_space<vmem>> -> memref<15x128xi32, #tpu.memory_space<vmem>>
      %dma_wait3A_88 = arith.constant 0 : i32
      %dma_wait3A_89 = tpu.memref_slice %arg3[%select_n3A, %dma_wait3A_88] : memref<2690x128xi32, #tpu.memory_space<hbm>> -> memref<15x128xi32, #tpu.memory_space<hbm>>
      %dma_wait3A_90 = arith.constant 0 : i32
      %dma_wait3A_91 = arith.constant 0 : i32
      %dma_wait3A_92 = tpu.memref_slice %arg7[%dma_wait3A_90, %dma_wait3A_91] : memref<145x128xi32, #tpu.memory_space<vmem>> -> memref<15x128xi32, #tpu.memory_space<vmem>>
      %dma_wait3A_93 = arith.constant 0 : i32
      %dma_wait3A_94 = tpu.memref_slice %arg3[%select_n3A, %dma_wait3A_93] : memref<2690x128xi32, #tpu.memory_space<hbm>> -> memref<15x128xi32, #tpu.memory_space<hbm>>
      tpu.wait_dma2 semaphore(%run_scoped3A : memref<!tpu.dma_semaphore, #tpu.memory_space<semaphore_mem>>) src(%dma_wait3A_94 : memref<15x128xi32, #tpu.memory_space<hbm>>) dst(%dma_wait3A_92 : memref<15x128xi32, #tpu.memory_space<vmem>>)
      tpu.yield
    }) : () -> ()
    "tpu.region"() ({
      %run_scoped3A = tpu.sem_alloc : memref<!tpu.dma_semaphore, #tpu.memory_space<semaphore_mem>>
      %dma_start3A_76 = arith.constant 0 : i32
      %dma_start3A_77 = arith.constant 0 : i32
      %dma_start3A_78 = tpu.memref_slice %arg8[%dma_start3A_76, %dma_start3A_77] : memref<145x128xi32, #tpu.memory_space<vmem>> -> memref<15x128xi32, #tpu.memory_space<vmem>>
      %dma_start3A_79 = arith.constant 0 : i32
      %dma_start3A_80 = tpu.memref_slice %arg4[%select_n3A, %dma_start3A_79] : memref<2690x128xi32, #tpu.memory_space<hbm>> -> memref<15x128xi32, #tpu.memory_space<hbm>>
      %dma_start3A_81 = arith.constant 0 : i32
      %dma_start3A_82 = arith.constant 0 : i32
      %dma_start3A_83 = tpu.memref_slice %arg8[%dma_start3A_81, %dma_start3A_82] : memref<145x128xi32, #tpu.memory_space<vmem>> -> memref<15x128xi32, #tpu.memory_space<vmem>>
      %dma_start3A_84 = arith.constant 0 : i32
      %dma_start3A_85 = tpu.memref_slice %arg4[%select_n3A, %dma_start3A_84] : memref<2690x128xi32, #tpu.memory_space<hbm>> -> memref<15x128xi32, #tpu.memory_space<hbm>>
      tpu.enqueue_dma source(%dma_start3A_85 : memref<15x128xi32, #tpu.memory_space<hbm>>) target(%dma_start3A_83 : memref<15x128xi32, #tpu.memory_space<vmem>>) target_semaphore(%run_scoped3A : memref<!tpu.dma_semaphore, #tpu.memory_space<semaphore_mem>>)
      %dma_wait3A = arith.constant 0 : i32
      %dma_wait3A_86 = arith.constant 0 : i32
      %dma_wait3A_87 = tpu.memref_slice %arg8[%dma_wait3A, %dma_wait3A_86] : memref<145x128xi32, #tpu.memory_space<vmem>> -> memref<15x128xi32, #tpu.memory_space<vmem>>
      %dma_wait3A_88 = arith.constant 0 : i32
      %dma_wait3A_89 = tpu.memref_slice %arg4[%select_n3A, %dma_wait3A_88] : memref<2690x128xi32, #tpu.memory_space<hbm>> -> memref<15x128xi32, #tpu.memory_space<hbm>>
      %dma_wait3A_90 = arith.constant 0 : i32
      %dma_wait3A_91 = arith.constant 0 : i32
      %dma_wait3A_92 = tpu.memref_slice %arg8[%dma_wait3A_90, %dma_wait3A_91] : memref<145x128xi32, #tpu.memory_space<vmem>> -> memref<15x128xi32, #tpu.memory_space<vmem>>
      %dma_wait3A_93 = arith.constant 0 : i32
      %dma_wait3A_94 = tpu.memref_slice %arg4[%select_n3A, %dma_wait3A_93] : memref<2690x128xi32, #tpu.memory_space<hbm>> -> memref<15x128xi32, #tpu.memory_space<hbm>>
      tpu.wait_dma2 semaphore(%run_scoped3A : memref<!tpu.dma_semaphore, #tpu.memory_space<semaphore_mem>>) src(%dma_wait3A_94 : memref<15x128xi32, #tpu.memory_space<hbm>>) dst(%dma_wait3A_92 : memref<15x128xi32, #tpu.memory_space<vmem>>)
      tpu.yield
    }) : () -> ()
    %eq3A_11 = arith.constant 0 : i32
    %eq3A_12 = arith.cmpi eq, %arg0, %eq3A_11 : i32
    %convert_element_type3A = arith.extui %eq3A_12 : i1 to i32
    %cond3A = arith.constant 0 : i32
    %cond3A_13 = arith.cmpi ne, %convert_element_type3A, %cond3A : i32
    scf.if %cond3A_13 {
      %add3A_76 = arith.constant 15 : i32
      %add3A_77 = arith.addi %select_n3A, %add3A_76 : i32
      "tpu.region"() ({
        %run_scoped3A = tpu.sem_alloc : memref<!tpu.dma_semaphore, #tpu.memory_space<semaphore_mem>>
        %dma_start3A_80 = arith.constant 15 : i32
        %dma_start3A_81 = arith.constant 0 : i32
        %dma_start3A_82 = tpu.memref_slice %arg7[%dma_start3A_80, %dma_start3A_81] : memref<145x128xi32, #tpu.memory_space<vmem>> -> memref<130x128xi32, #tpu.memory_space<vmem>>
        %dma_start3A_83 = arith.constant 0 : i32
        %dma_start3A_84 = tpu.memref_slice %arg3[%add3A_77, %dma_start3A_83] : memref<2690x128xi32, #tpu.memory_space<hbm>> -> memref<130x128xi32, #tpu.memory_space<hbm>>
        %dma_start3A_85 = arith.constant 15 : i32
        %dma_start3A_86 = arith.constant 0 : i32
        %dma_start3A_87 = tpu.memref_slice %arg7[%dma_start3A_85, %dma_start3A_86] : memref<145x128xi32, #tpu.memory_space<vmem>> -> memref<130x128xi32, #tpu.memory_space<vmem>>
        %dma_start3A_88 = arith.constant 0 : i32
        %dma_start3A_89 = tpu.memref_slice %arg3[%add3A_77, %dma_start3A_88] : memref<2690x128xi32, #tpu.memory_space<hbm>> -> memref<130x128xi32, #tpu.memory_space<hbm>>
        tpu.enqueue_dma source(%dma_start3A_89 : memref<130x128xi32, #tpu.memory_space<hbm>>) target(%dma_start3A_87 : memref<130x128xi32, #tpu.memory_space<vmem>>) target_semaphore(%run_scoped3A : memref<!tpu.dma_semaphore, #tpu.memory_space<semaphore_mem>>)
        %dma_wait3A = arith.constant 15 : i32
        %dma_wait3A_90 = arith.constant 0 : i32
        %dma_wait3A_91 = tpu.memref_slice %arg7[%dma_wait3A, %dma_wait3A_90] : memref<145x128xi32, #tpu.memory_space<vmem>> -> memref<130x128xi32, #tpu.memory_space<vmem>>
        %dma_wait3A_92 = arith.constant 0 : i32
        %dma_wait3A_93 = tpu.memref_slice %arg3[%add3A_77, %dma_wait3A_92] : memref<2690x128xi32, #tpu.memory_space<hbm>> -> memref<130x128xi32, #tpu.memory_space<hbm>>
        %dma_wait3A_94 = arith.constant 15 : i32
        %dma_wait3A_95 = arith.constant 0 : i32
        %dma_wait3A_96 = tpu.memref_slice %arg7[%dma_wait3A_94, %dma_wait3A_95] : memref<145x128xi32, #tpu.memory_space<vmem>> -> memref<130x128xi32, #tpu.memory_space<vmem>>
        %dma_wait3A_97 = arith.constant 0 : i32
        %dma_wait3A_98 = tpu.memref_slice %arg3[%add3A_77, %dma_wait3A_97] : memref<2690x128xi32, #tpu.memory_space<hbm>> -> memref<130x128xi32, #tpu.memory_space<hbm>>
        tpu.wait_dma2 semaphore(%run_scoped3A : memref<!tpu.dma_semaphore, #tpu.memory_space<semaphore_mem>>) src(%dma_wait3A_98 : memref<130x128xi32, #tpu.memory_space<hbm>>) dst(%dma_wait3A_96 : memref<130x128xi32, #tpu.memory_space<vmem>>)
        tpu.yield
      }) : () -> ()
      %add3A_78 = arith.constant 15 : i32
      %add3A_79 = arith.addi %select_n3A, %add3A_78 : i32
      "tpu.region"() ({
        %run_scoped3A = tpu.sem_alloc : memref<!tpu.dma_semaphore, #tpu.memory_space<semaphore_mem>>
        %dma_start3A_80 = arith.constant 15 : i32
        %dma_start3A_81 = arith.constant 0 : i32
        %dma_start3A_82 = tpu.memref_slice %arg8[%dma_start3A_80, %dma_start3A_81] : memref<145x128xi32, #tpu.memory_space<vmem>> -> memref<130x128xi32, #tpu.memory_space<vmem>>
        %dma_start3A_83 = arith.constant 0 : i32
        %dma_start3A_84 = tpu.memref_slice %arg4[%add3A_79, %dma_start3A_83] : memref<2690x128xi32, #tpu.memory_space<hbm>> -> memref<130x128xi32, #tpu.memory_space<hbm>>
        %dma_start3A_85 = arith.constant 15 : i32
        %dma_start3A_86 = arith.constant 0 : i32
        %dma_start3A_87 = tpu.memref_slice %arg8[%dma_start3A_85, %dma_start3A_86] : memref<145x128xi32, #tpu.memory_space<vmem>> -> memref<130x128xi32, #tpu.memory_space<vmem>>
        %dma_start3A_88 = arith.constant 0 : i32
        %dma_start3A_89 = tpu.memref_slice %arg4[%add3A_79, %dma_start3A_88] : memref<2690x128xi32, #tpu.memory_space<hbm>> -> memref<130x128xi32, #tpu.memory_space<hbm>>
        tpu.enqueue_dma source(%dma_start3A_89 : memref<130x128xi32, #tpu.memory_space<hbm>>) target(%dma_start3A_87 : memref<130x128xi32, #tpu.memory_space<vmem>>) target_semaphore(%run_scoped3A : memref<!tpu.dma_semaphore, #tpu.memory_space<semaphore_mem>>)
        %dma_wait3A = arith.constant 15 : i32
        %dma_wait3A_90 = arith.constant 0 : i32
        %dma_wait3A_91 = tpu.memref_slice %arg8[%dma_wait3A, %dma_wait3A_90] : memref<145x128xi32, #tpu.memory_space<vmem>> -> memref<130x128xi32, #tpu.memory_space<vmem>>
        %dma_wait3A_92 = arith.constant 0 : i32
        %dma_wait3A_93 = tpu.memref_slice %arg4[%add3A_79, %dma_wait3A_92] : memref<2690x128xi32, #tpu.memory_space<hbm>> -> memref<130x128xi32, #tpu.memory_space<hbm>>
        %dma_wait3A_94 = arith.constant 15 : i32
        %dma_wait3A_95 = arith.constant 0 : i32
        %dma_wait3A_96 = tpu.memref_slice %arg8[%dma_wait3A_94, %dma_wait3A_95] : memref<145x128xi32, #tpu.memory_space<vmem>> -> memref<130x128xi32, #tpu.memory_space<vmem>>
        %dma_wait3A_97 = arith.constant 0 : i32
        %dma_wait3A_98 = tpu.memref_slice %arg4[%add3A_79, %dma_wait3A_97] : memref<2690x128xi32, #tpu.memory_space<hbm>> -> memref<130x128xi32, #tpu.memory_space<hbm>>
        tpu.wait_dma2 semaphore(%run_scoped3A : memref<!tpu.dma_semaphore, #tpu.memory_space<semaphore_mem>>) src(%dma_wait3A_98 : memref<130x128xi32, #tpu.memory_space<hbm>>) dst(%dma_wait3A_96 : memref<130x128xi32, #tpu.memory_space<vmem>>)
        tpu.yield
      }) : () -> ()
    } else {
    }
    %barrier3A = arith.constant 0 : index
    tpu.barrier barrier_id(%barrier3A)
    %dma_start3A = arith.constant 0 : i32
    %dma_start3A_14 = arith.constant 0 : i32
    %dma_start3A_15 = tpu.memref_slice %arg7[%dma_start3A, %dma_start3A_14] : memref<145x128xi32, #tpu.memory_space<vmem>> -> memref<1x128xi32, #tpu.memory_space<vmem>>
    %dma_start3A_16 = tpu.memref_squeeze %dma_start3A_15 : memref<1x128xi32, #tpu.memory_space<vmem>> -> memref<128xi32, #tpu.memory_space<vmem>>
    %dma_start3A_17 = arith.constant 0 : i32
    %dma_start3A_18 = arith.constant 0 : i32
    %dma_start3A_19 = tpu.memref_slice %arg2[%dma_start3A_17, %dma_start3A_18] : memref<10000x32xf32, #tpu.memory_space<hbm>> -> memref<10000x32xf32, #tpu.memory_space<hbm>>
    tpu.enqueue_indirect_dma source(%dma_start3A_19 : memref<10000x32xf32, #tpu.memory_space<hbm>>) target(%arg10 : memref<128x32xf32, #tpu.memory_space<vmem>>) offsets(%dma_start3A_16 : memref<128xi32, #tpu.memory_space<vmem>>) semaphore(%arg15 : memref<!tpu.dma_semaphore, #tpu.memory_space<semaphore_mem>>)
    %dma_start3A_20 = arith.constant 1 : i32
    %dma_start3A_21 = arith.constant 0 : i32
    %dma_start3A_22 = tpu.memref_slice %arg7[%dma_start3A_20, %dma_start3A_21] : memref<145x128xi32, #tpu.memory_space<vmem>> -> memref<1x128xi32, #tpu.memory_space<vmem>>
    %dma_start3A_23 = tpu.memref_squeeze %dma_start3A_22 : memref<1x128xi32, #tpu.memory_space<vmem>> -> memref<128xi32, #tpu.memory_space<vmem>>
    %dma_start3A_24 = arith.constant 0 : i32
    %dma_start3A_25 = arith.constant 0 : i32
    %dma_start3A_26 = tpu.memref_slice %arg2[%dma_start3A_24, %dma_start3A_25] : memref<10000x32xf32, #tpu.memory_space<hbm>> -> memref<10000x32xf32, #tpu.memory_space<hbm>>
    tpu.enqueue_indirect_dma source(%dma_start3A_26 : memref<10000x32xf32, #tpu.memory_space<hbm>>) target(%arg11 : memref<128x32xf32, #tpu.memory_space<vmem>>) offsets(%dma_start3A_23 : memref<128xi32, #tpu.memory_space<vmem>>) semaphore(%arg16 : memref<!tpu.dma_semaphore, #tpu.memory_space<semaphore_mem>>)
    %dma_start3A_27 = arith.constant 2 : i32
    %dma_start3A_28 = arith.constant 0 : i32
    %dma_start3A_29 = tpu.memref_slice %arg7[%dma_start3A_27, %dma_start3A_28] : memref<145x128xi32, #tpu.memory_space<vmem>> -> memref<1x128xi32, #tpu.memory_space<vmem>>
    %dma_start3A_30 = tpu.memref_squeeze %dma_start3A_29 : memref<1x128xi32, #tpu.memory_space<vmem>> -> memref<128xi32, #tpu.memory_space<vmem>>
    %dma_start3A_31 = arith.constant 0 : i32
    %dma_start3A_32 = arith.constant 0 : i32
    %dma_start3A_33 = tpu.memref_slice %arg2[%dma_start3A_31, %dma_start3A_32] : memref<10000x32xf32, #tpu.memory_space<hbm>> -> memref<10000x32xf32, #tpu.memory_space<hbm>>
    tpu.enqueue_indirect_dma source(%dma_start3A_33 : memref<10000x32xf32, #tpu.memory_space<hbm>>) target(%arg12 : memref<128x32xf32, #tpu.memory_space<vmem>>) offsets(%dma_start3A_30 : memref<128xi32, #tpu.memory_space<vmem>>) semaphore(%arg17 : memref<!tpu.dma_semaphore, #tpu.memory_space<semaphore_mem>>)
    %dma_start3A_34 = arith.constant 3 : i32
    %dma_start3A_35 = arith.constant 0 : i32
    %dma_start3A_36 = tpu.memref_slice %arg7[%dma_start3A_34, %dma_start3A_35] : memref<145x128xi32, #tpu.memory_space<vmem>> -> memref<1x128xi32, #tpu.memory_space<vmem>>
    %dma_start3A_37 = tpu.memref_squeeze %dma_start3A_36 : memref<1x128xi32, #tpu.memory_space<vmem>> -> memref<128xi32, #tpu.memory_space<vmem>>
    %dma_start3A_38 = arith.constant 0 : i32
    %dma_start3A_39 = arith.constant 0 : i32
    %dma_start3A_40 = tpu.memref_slice %arg2[%dma_start3A_38, %dma_start3A_39] : memref<10000x32xf32, #tpu.memory_space<hbm>> -> memref<10000x32xf32, #tpu.memory_space<hbm>>
    tpu.enqueue_indirect_dma source(%dma_start3A_40 : memref<10000x32xf32, #tpu.memory_space<hbm>>) target(%arg13 : memref<128x32xf32, #tpu.memory_space<vmem>>) offsets(%dma_start3A_37 : memref<128xi32, #tpu.memory_space<vmem>>) semaphore(%arg18 : memref<!tpu.dma_semaphore, #tpu.memory_space<semaphore_mem>>)
    %dma_start3A_41 = arith.constant 4 : i32
    %dma_start3A_42 = arith.constant 0 : i32
    %dma_start3A_43 = tpu.memref_slice %arg7[%dma_start3A_41, %dma_start3A_42] : memref<145x128xi32, #tpu.memory_space<vmem>> -> memref<1x128xi32, #tpu.memory_space<vmem>>
    %dma_start3A_44 = tpu.memref_squeeze %dma_start3A_43 : memref<1x128xi32, #tpu.memory_space<vmem>> -> memref<128xi32, #tpu.memory_space<vmem>>
    %dma_start3A_45 = arith.constant 0 : i32
    %dma_start3A_46 = arith.constant 0 : i32
    %dma_start3A_47 = tpu.memref_slice %arg2[%dma_start3A_45, %dma_start3A_46] : memref<10000x32xf32, #tpu.memory_space<hbm>> -> memref<10000x32xf32, #tpu.memory_space<hbm>>
    tpu.enqueue_indirect_dma source(%dma_start3A_47 : memref<10000x32xf32, #tpu.memory_space<hbm>>) target(%arg14 : memref<128x32xf32, #tpu.memory_space<vmem>>) offsets(%dma_start3A_44 : memref<128xi32, #tpu.memory_space<vmem>>) semaphore(%arg19 : memref<!tpu.dma_semaphore, #tpu.memory_space<semaphore_mem>>)
    %jit3A_48 = arith.constant 5 : i32
    %div3A = arith.divsi %select_n3A_8, %jit3A_48 : i32
    %sign3A = arith.constant 0 : i32
    %sign3A_49 = arith.cmpi sgt, %select_n3A_8, %sign3A : i32
    %sign3A_50 = arith.extui %sign3A_49 : i1 to i32
    %sign3A_51 = arith.constant 0 : i32
    %sign3A_52 = arith.cmpi slt, %select_n3A_8, %sign3A_51 : i32
    %sign3A_53 = arith.extui %sign3A_52 : i1 to i32
    %sign3A_54 = arith.subi %sign3A_50, %sign3A_53 : i32
    %sign3A_55 = arith.constant 0 : i32
    %sign3A_56 = arith.cmpi sgt, %jit3A_48, %sign3A_55 : i32
    %sign3A_57 = arith.extui %sign3A_56 : i1 to i32
    %sign3A_58 = arith.constant 0 : i32
    %sign3A_59 = arith.cmpi slt, %jit3A_48, %sign3A_58 : i32
    %sign3A_60 = arith.extui %sign3A_59 : i1 to i32
    %sign3A_61 = arith.subi %sign3A_57, %sign3A_60 : i32
    %ne3A = arith.cmpi ne, %sign3A_54, %sign3A_61 : i32
    %rem3A = arith.remsi %select_n3A_8, %jit3A_48 : i32
    %ne3A_62 = arith.constant 0 : i32
    %ne3A_63 = arith.cmpi ne, %rem3A, %ne3A_62 : i32
    %and3A = arith.andi %ne3A, %ne3A_63 : i1
    %sub3A = arith.constant 1 : i32
    %sub3A_64 = arith.subi %div3A, %sub3A : i32
    %select_n3A_65 = arith.select %and3A, %sub3A_64, %div3A : i32
    %while3A = arith.constant 0 : i32
    %while3A_66 = arith.constant 0 : i32
    %while3A_67 = arith.subi %select_n3A_65, %while3A_66 : i32
    %while3A_68 = arith.addi %while3A_66, %while3A_67 : i32
    %while3A_69 = arith.constant 1 : i32
    %while3A_70 = arith.divsi %while3A_67, %while3A_69 : i32
    %while3A_71 = arith.muli %while3A_70, %while3A_69 : i32
    %while3A_72 = arith.addi %while3A_66, %while3A_71 : i32
    %while3A_73 = arith.constant 1 : i32
    scf.for %while3A_76 = %while3A_66 to %while3A_72 step %while3A_73  : i32 {
      %mul3A_77 = arith.constant 5 : i32
      %mul3A_78 = arith.muli %while3A_76, %mul3A_77 : i32
      %add3A_79 = arith.constant 0 : i32
      %add3A_80 = arith.addi %mul3A_78, %add3A_79 : i32
      %dma_wait3A = arith.constant 0 : i32
      %dma_wait3A_81 = tpu.memref_slice %arg7[%add3A_80, %dma_wait3A] : memref<145x128xi32, #tpu.memory_space<vmem>> -> memref<1x128xi32, #tpu.memory_space<vmem>>
      %dma_wait3A_82 = tpu.memref_squeeze %dma_wait3A_81 : memref<1x128xi32, #tpu.memory_space<vmem>> -> memref<128xi32, #tpu.memory_space<vmem>>
      %dma_wait3A_83 = arith.constant 0 : i32
      %dma_wait3A_84 = arith.constant 0 : i32
      %dma_wait3A_85 = tpu.memref_slice %arg2[%dma_wait3A_83, %dma_wait3A_84] : memref<10000x32xf32, #tpu.memory_space<hbm>> -> memref<10000x32xf32, #tpu.memory_space<hbm>>
      tpu.wait_indirect_dma semaphore(%arg15 : memref<!tpu.dma_semaphore, #tpu.memory_space<semaphore_mem>>) src(%dma_wait3A_85 : memref<10000x32xf32, #tpu.memory_space<hbm>>) dst(%arg10 : memref<128x32xf32, #tpu.memory_space<vmem>>)
      "tpu.region"() ({
        %run_scoped3A = tpu.sem_alloc : memref<!tpu.dma_semaphore, #tpu.memory_space<semaphore_mem>>
        %dma_start3A_155 = arith.constant 0 : i32
        %dma_start3A_156 = tpu.memref_slice %arg8[%add3A_80, %dma_start3A_155] : memref<145x128xi32, #tpu.memory_space<vmem>> -> memref<1x128xi32, #tpu.memory_space<vmem>>
        %dma_start3A_157 = tpu.memref_squeeze %dma_start3A_156 : memref<1x128xi32, #tpu.memory_space<vmem>> -> memref<128xi32, #tpu.memory_space<vmem>>
        %dma_start3A_158 = arith.constant 0 : i32
        %dma_start3A_159 = arith.constant 0 : i32
        %dma_start3A_160 = tpu.memref_slice %arg9[%dma_start3A_158, %dma_start3A_159] : memref<10016x32xf32, #tpu.memory_space<vmem_shared>> -> memref<10016x32xf32, #tpu.memory_space<vmem_shared>>
        tpu.enqueue_indirect_dma source(%arg10 : memref<128x32xf32, #tpu.memory_space<vmem>>) target(%dma_start3A_160 : memref<10016x32xf32, #tpu.memory_space<vmem_shared>>) offsets(%dma_start3A_157 : memref<128xi32, #tpu.memory_space<vmem>>) semaphore(%run_scoped3A : memref<!tpu.dma_semaphore, #tpu.memory_space<semaphore_mem>>) {add = true}
        %dma_wait3A_161 = arith.constant 0 : i32
        %dma_wait3A_162 = tpu.memref_slice %arg8[%add3A_80, %dma_wait3A_161] : memref<145x128xi32, #tpu.memory_space<vmem>> -> memref<1x128xi32, #tpu.memory_space<vmem>>
        %dma_wait3A_163 = tpu.memref_squeeze %dma_wait3A_162 : memref<1x128xi32, #tpu.memory_space<vmem>> -> memref<128xi32, #tpu.memory_space<vmem>>
        %dma_wait3A_164 = arith.constant 0 : i32
        %dma_wait3A_165 = arith.constant 0 : i32
        %dma_wait3A_166 = tpu.memref_slice %arg9[%dma_wait3A_164, %dma_wait3A_165] : memref<10016x32xf32, #tpu.memory_space<vmem_shared>> -> memref<10016x32xf32, #tpu.memory_space<vmem_shared>>
        tpu.wait_indirect_dma semaphore(%run_scoped3A : memref<!tpu.dma_semaphore, #tpu.memory_space<semaphore_mem>>) src(%arg10 : memref<128x32xf32, #tpu.memory_space<vmem>>) dst(%dma_wait3A_166 : memref<10016x32xf32, #tpu.memory_space<vmem_shared>>)
        tpu.yield
      }) : () -> ()
      %add3A_86 = arith.constant 5 : i32
      %add3A_87 = arith.addi %add3A_80, %add3A_86 : i32
      %lt3A = arith.cmpi slt, %add3A_87, %select_n3A_8 : i32
      %convert_element_type3A_88 = arith.extui %lt3A : i1 to i32
      %cond3A_89 = arith.constant 0 : i32
      %cond3A_90 = arith.cmpi ne, %convert_element_type3A_88, %cond3A_89 : i32
      scf.if %cond3A_90 {
        %dma_start3A_155 = arith.constant 0 : i32
        %dma_start3A_156 = tpu.memref_slice %arg7[%add3A_87, %dma_start3A_155] : memref<145x128xi32, #tpu.memory_space<vmem>> -> memref<1x128xi32, #tpu.memory_space<vmem>>
        %dma_start3A_157 = tpu.memref_squeeze %dma_start3A_156 : memref<1x128xi32, #tpu.memory_space<vmem>> -> memref<128xi32, #tpu.memory_space<vmem>>
        %dma_start3A_158 = arith.constant 0 : i32
        %dma_start3A_159 = arith.constant 0 : i32
        %dma_start3A_160 = tpu.memref_slice %arg2[%dma_start3A_158, %dma_start3A_159] : memref<10000x32xf32, #tpu.memory_space<hbm>> -> memref<10000x32xf32, #tpu.memory_space<hbm>>
        tpu.enqueue_indirect_dma source(%dma_start3A_160 : memref<10000x32xf32, #tpu.memory_space<hbm>>) target(%arg10 : memref<128x32xf32, #tpu.memory_space<vmem>>) offsets(%dma_start3A_157 : memref<128xi32, #tpu.memory_space<vmem>>) semaphore(%arg15 : memref<!tpu.dma_semaphore, #tpu.memory_space<semaphore_mem>>)
      } else {
      }
      %mul3A_91 = arith.constant 5 : i32
      %mul3A_92 = arith.muli %while3A_76, %mul3A_91 : i32
      %add3A_93 = arith.constant 1 : i32
      %add3A_94 = arith.addi %mul3A_92, %add3A_93 : i32
      %dma_wait3A_95 = arith.constant 0 : i32
      %dma_wait3A_96 = tpu.memref_slice %arg7[%add3A_94, %dma_wait3A_95] : memref<145x128xi32, #tpu.memory_space<vmem>> -> memref<1x128xi32, #tpu.memory_space<vmem>>
      %dma_wait3A_97 = tpu.memref_squeeze %dma_wait3A_96 : memref<1x128xi32, #tpu.memory_space<vmem>> -> memref<128xi32, #tpu.memory_space<vmem>>
      %dma_wait3A_98 = arith.constant 0 : i32
      %dma_wait3A_99 = arith.constant 0 : i32
      %dma_wait3A_100 = tpu.memref_slice %arg2[%dma_wait3A_98, %dma_wait3A_99] : memref<10000x32xf32, #tpu.memory_space<hbm>> -> memref<10000x32xf32, #tpu.memory_space<hbm>>
      tpu.wait_indirect_dma semaphore(%arg16 : memref<!tpu.dma_semaphore, #tpu.memory_space<semaphore_mem>>) src(%dma_wait3A_100 : memref<10000x32xf32, #tpu.memory_space<hbm>>) dst(%arg11 : memref<128x32xf32, #tpu.memory_space<vmem>>)
      "tpu.region"() ({
        %run_scoped3A = tpu.sem_alloc : memref<!tpu.dma_semaphore, #tpu.memory_space<semaphore_mem>>
        %dma_start3A_155 = arith.constant 0 : i32
        %dma_start3A_156 = tpu.memref_slice %arg8[%add3A_94, %dma_start3A_155] : memref<145x128xi32, #tpu.memory_space<vmem>> -> memref<1x128xi32, #tpu.memory_space<vmem>>
        %dma_start3A_157 = tpu.memref_squeeze %dma_start3A_156 : memref<1x128xi32, #tpu.memory_space<vmem>> -> memref<128xi32, #tpu.memory_space<vmem>>
        %dma_start3A_158 = arith.constant 0 : i32
        %dma_start3A_159 = arith.constant 0 : i32
        %dma_start3A_160 = tpu.memref_slice %arg9[%dma_start3A_158, %dma_start3A_159] : memref<10016x32xf32, #tpu.memory_space<vmem_shared>> -> memref<10016x32xf32, #tpu.memory_space<vmem_shared>>
        tpu.enqueue_indirect_dma source(%arg11 : memref<128x32xf32, #tpu.memory_space<vmem>>) target(%dma_start3A_160 : memref<10016x32xf32, #tpu.memory_space<vmem_shared>>) offsets(%dma_start3A_157 : memref<128xi32, #tpu.memory_space<vmem>>) semaphore(%run_scoped3A : memref<!tpu.dma_semaphore, #tpu.memory_space<semaphore_mem>>) {add = true}
        %dma_wait3A_161 = arith.constant 0 : i32
        %dma_wait3A_162 = tpu.memref_slice %arg8[%add3A_94, %dma_wait3A_161] : memref<145x128xi32, #tpu.memory_space<vmem>> -> memref<1x128xi32, #tpu.memory_space<vmem>>
        %dma_wait3A_163 = tpu.memref_squeeze %dma_wait3A_162 : memref<1x128xi32, #tpu.memory_space<vmem>> -> memref<128xi32, #tpu.memory_space<vmem>>
        %dma_wait3A_164 = arith.constant 0 : i32
        %dma_wait3A_165 = arith.constant 0 : i32
        %dma_wait3A_166 = tpu.memref_slice %arg9[%dma_wait3A_164, %dma_wait3A_165] : memref<10016x32xf32, #tpu.memory_space<vmem_shared>> -> memref<10016x32xf32, #tpu.memory_space<vmem_shared>>
        tpu.wait_indirect_dma semaphore(%run_scoped3A : memref<!tpu.dma_semaphore, #tpu.memory_space<semaphore_mem>>) src(%arg11 : memref<128x32xf32, #tpu.memory_space<vmem>>) dst(%dma_wait3A_166 : memref<10016x32xf32, #tpu.memory_space<vmem_shared>>)
        tpu.yield
      }) : () -> ()
      %add3A_101 = arith.constant 5 : i32
      %add3A_102 = arith.addi %add3A_94, %add3A_101 : i32
      %lt3A_103 = arith.cmpi slt, %add3A_102, %select_n3A_8 : i32
      %convert_element_type3A_104 = arith.extui %lt3A_103 : i1 to i32
      %cond3A_105 = arith.constant 0 : i32
      %cond3A_106 = arith.cmpi ne, %convert_element_type3A_104, %cond3A_105 : i32
      scf.if %cond3A_106 {
        %dma_start3A_155 = arith.constant 0 : i32
        %dma_start3A_156 = tpu.memref_slice %arg7[%add3A_102, %dma_start3A_155] : memref<145x128xi32, #tpu.memory_space<vmem>> -> memref<1x128xi32, #tpu.memory_space<vmem>>
        %dma_start3A_157 = tpu.memref_squeeze %dma_start3A_156 : memref<1x128xi32, #tpu.memory_space<vmem>> -> memref<128xi32, #tpu.memory_space<vmem>>
        %dma_start3A_158 = arith.constant 0 : i32
        %dma_start3A_159 = arith.constant 0 : i32
        %dma_start3A_160 = tpu.memref_slice %arg2[%dma_start3A_158, %dma_start3A_159] : memref<10000x32xf32, #tpu.memory_space<hbm>> -> memref<10000x32xf32, #tpu.memory_space<hbm>>
        tpu.enqueue_indirect_dma source(%dma_start3A_160 : memref<10000x32xf32, #tpu.memory_space<hbm>>) target(%arg11 : memref<128x32xf32, #tpu.memory_space<vmem>>) offsets(%dma_start3A_157 : memref<128xi32, #tpu.memory_space<vmem>>) semaphore(%arg16 : memref<!tpu.dma_semaphore, #tpu.memory_space<semaphore_mem>>)
      } else {
      }
      %mul3A_107 = arith.constant 5 : i32
      %mul3A_108 = arith.muli %while3A_76, %mul3A_107 : i32
      %add3A_109 = arith.constant 2 : i32
      %add3A_110 = arith.addi %mul3A_108, %add3A_109 : i32
      %dma_wait3A_111 = arith.constant 0 : i32
      %dma_wait3A_112 = tpu.memref_slice %arg7[%add3A_110, %dma_wait3A_111] : memref<145x128xi32, #tpu.memory_space<vmem>> -> memref<1x128xi32, #tpu.memory_space<vmem>>
      %dma_wait3A_113 = tpu.memref_squeeze %dma_wait3A_112 : memref<1x128xi32, #tpu.memory_space<vmem>> -> memref<128xi32, #tpu.memory_space<vmem>>
      %dma_wait3A_114 = arith.constant 0 : i32
      %dma_wait3A_115 = arith.constant 0 : i32
      %dma_wait3A_116 = tpu.memref_slice %arg2[%dma_wait3A_114, %dma_wait3A_115] : memref<10000x32xf32, #tpu.memory_space<hbm>> -> memref<10000x32xf32, #tpu.memory_space<hbm>>
      tpu.wait_indirect_dma semaphore(%arg17 : memref<!tpu.dma_semaphore, #tpu.memory_space<semaphore_mem>>) src(%dma_wait3A_116 : memref<10000x32xf32, #tpu.memory_space<hbm>>) dst(%arg12 : memref<128x32xf32, #tpu.memory_space<vmem>>)
      "tpu.region"() ({
        %run_scoped3A = tpu.sem_alloc : memref<!tpu.dma_semaphore, #tpu.memory_space<semaphore_mem>>
        %dma_start3A_155 = arith.constant 0 : i32
        %dma_start3A_156 = tpu.memref_slice %arg8[%add3A_110, %dma_start3A_155] : memref<145x128xi32, #tpu.memory_space<vmem>> -> memref<1x128xi32, #tpu.memory_space<vmem>>
        %dma_start3A_157 = tpu.memref_squeeze %dma_start3A_156 : memref<1x128xi32, #tpu.memory_space<vmem>> -> memref<128xi32, #tpu.memory_space<vmem>>
        %dma_start3A_158 = arith.constant 0 : i32
        %dma_start3A_159 = arith.constant 0 : i32
        %dma_start3A_160 = tpu.memref_slice %arg9[%dma_start3A_158, %dma_start3A_159] : memref<10016x32xf32, #tpu.memory_space<vmem_shared>> -> memref<10016x32xf32, #tpu.memory_space<vmem_shared>>
        tpu.enqueue_indirect_dma source(%arg12 : memref<128x32xf32, #tpu.memory_space<vmem>>) target(%dma_start3A_160 : memref<10016x32xf32, #tpu.memory_space<vmem_shared>>) offsets(%dma_start3A_157 : memref<128xi32, #tpu.memory_space<vmem>>) semaphore(%run_scoped3A : memref<!tpu.dma_semaphore, #tpu.memory_space<semaphore_mem>>) {add = true}
        %dma_wait3A_161 = arith.constant 0 : i32
        %dma_wait3A_162 = tpu.memref_slice %arg8[%add3A_110, %dma_wait3A_161] : memref<145x128xi32, #tpu.memory_space<vmem>> -> memref<1x128xi32, #tpu.memory_space<vmem>>
        %dma_wait3A_163 = tpu.memref_squeeze %dma_wait3A_162 : memref<1x128xi32, #tpu.memory_space<vmem>> -> memref<128xi32, #tpu.memory_space<vmem>>
        %dma_wait3A_164 = arith.constant 0 : i32
        %dma_wait3A_165 = arith.constant 0 : i32
        %dma_wait3A_166 = tpu.memref_slice %arg9[%dma_wait3A_164, %dma_wait3A_165] : memref<10016x32xf32, #tpu.memory_space<vmem_shared>> -> memref<10016x32xf32, #tpu.memory_space<vmem_shared>>
        tpu.wait_indirect_dma semaphore(%run_scoped3A : memref<!tpu.dma_semaphore, #tpu.memory_space<semaphore_mem>>) src(%arg12 : memref<128x32xf32, #tpu.memory_space<vmem>>) dst(%dma_wait3A_166 : memref<10016x32xf32, #tpu.memory_space<vmem_shared>>)
        tpu.yield
      }) : () -> ()
      %add3A_117 = arith.constant 5 : i32
      %add3A_118 = arith.addi %add3A_110, %add3A_117 : i32
      %lt3A_119 = arith.cmpi slt, %add3A_118, %select_n3A_8 : i32
      %convert_element_type3A_120 = arith.extui %lt3A_119 : i1 to i32
      %cond3A_121 = arith.constant 0 : i32
      %cond3A_122 = arith.cmpi ne, %convert_element_type3A_120, %cond3A_121 : i32
      scf.if %cond3A_122 {
        %dma_start3A_155 = arith.constant 0 : i32
        %dma_start3A_156 = tpu.memref_slice %arg7[%add3A_118, %dma_start3A_155] : memref<145x128xi32, #tpu.memory_space<vmem>> -> memref<1x128xi32, #tpu.memory_space<vmem>>
        %dma_start3A_157 = tpu.memref_squeeze %dma_start3A_156 : memref<1x128xi32, #tpu.memory_space<vmem>> -> memref<128xi32, #tpu.memory_space<vmem>>
        %dma_start3A_158 = arith.constant 0 : i32
        %dma_start3A_159 = arith.constant 0 : i32
        %dma_start3A_160 = tpu.memref_slice %arg2[%dma_start3A_158, %dma_start3A_159] : memref<10000x32xf32, #tpu.memory_space<hbm>> -> memref<10000x32xf32, #tpu.memory_space<hbm>>
        tpu.enqueue_indirect_dma source(%dma_start3A_160 : memref<10000x32xf32, #tpu.memory_space<hbm>>) target(%arg12 : memref<128x32xf32, #tpu.memory_space<vmem>>) offsets(%dma_start3A_157 : memref<128xi32, #tpu.memory_space<vmem>>) semaphore(%arg17 : memref<!tpu.dma_semaphore, #tpu.memory_space<semaphore_mem>>)
      } else {
      }
      %mul3A_123 = arith.constant 5 : i32
      %mul3A_124 = arith.muli %while3A_76, %mul3A_123 : i32
      %add3A_125 = arith.constant 3 : i32
      %add3A_126 = arith.addi %mul3A_124, %add3A_125 : i32
      %dma_wait3A_127 = arith.constant 0 : i32
      %dma_wait3A_128 = tpu.memref_slice %arg7[%add3A_126, %dma_wait3A_127] : memref<145x128xi32, #tpu.memory_space<vmem>> -> memref<1x128xi32, #tpu.memory_space<vmem>>
      %dma_wait3A_129 = tpu.memref_squeeze %dma_wait3A_128 : memref<1x128xi32, #tpu.memory_space<vmem>> -> memref<128xi32, #tpu.memory_space<vmem>>
      %dma_wait3A_130 = arith.constant 0 : i32
      %dma_wait3A_131 = arith.constant 0 : i32
      %dma_wait3A_132 = tpu.memref_slice %arg2[%dma_wait3A_130, %dma_wait3A_131] : memref<10000x32xf32, #tpu.memory_space<hbm>> -> memref<10000x32xf32, #tpu.memory_space<hbm>>
      tpu.wait_indirect_dma semaphore(%arg18 : memref<!tpu.dma_semaphore, #tpu.memory_space<semaphore_mem>>) src(%dma_wait3A_132 : memref<10000x32xf32, #tpu.memory_space<hbm>>) dst(%arg13 : memref<128x32xf32, #tpu.memory_space<vmem>>)
      "tpu.region"() ({
        %run_scoped3A = tpu.sem_alloc : memref<!tpu.dma_semaphore, #tpu.memory_space<semaphore_mem>>
        %dma_start3A_155 = arith.constant 0 : i32
        %dma_start3A_156 = tpu.memref_slice %arg8[%add3A_126, %dma_start3A_155] : memref<145x128xi32, #tpu.memory_space<vmem>> -> memref<1x128xi32, #tpu.memory_space<vmem>>
        %dma_start3A_157 = tpu.memref_squeeze %dma_start3A_156 : memref<1x128xi32, #tpu.memory_space<vmem>> -> memref<128xi32, #tpu.memory_space<vmem>>
        %dma_start3A_158 = arith.constant 0 : i32
        %dma_start3A_159 = arith.constant 0 : i32
        %dma_start3A_160 = tpu.memref_slice %arg9[%dma_start3A_158, %dma_start3A_159] : memref<10016x32xf32, #tpu.memory_space<vmem_shared>> -> memref<10016x32xf32, #tpu.memory_space<vmem_shared>>
        tpu.enqueue_indirect_dma source(%arg13 : memref<128x32xf32, #tpu.memory_space<vmem>>) target(%dma_start3A_160 : memref<10016x32xf32, #tpu.memory_space<vmem_shared>>) offsets(%dma_start3A_157 : memref<128xi32, #tpu.memory_space<vmem>>) semaphore(%run_scoped3A : memref<!tpu.dma_semaphore, #tpu.memory_space<semaphore_mem>>) {add = true}
        %dma_wait3A_161 = arith.constant 0 : i32
        %dma_wait3A_162 = tpu.memref_slice %arg8[%add3A_126, %dma_wait3A_161] : memref<145x128xi32, #tpu.memory_space<vmem>> -> memref<1x128xi32, #tpu.memory_space<vmem>>
        %dma_wait3A_163 = tpu.memref_squeeze %dma_wait3A_162 : memref<1x128xi32, #tpu.memory_space<vmem>> -> memref<128xi32, #tpu.memory_space<vmem>>
        %dma_wait3A_164 = arith.constant 0 : i32
        %dma_wait3A_165 = arith.constant 0 : i32
        %dma_wait3A_166 = tpu.memref_slice %arg9[%dma_wait3A_164, %dma_wait3A_165] : memref<10016x32xf32, #tpu.memory_space<vmem_shared>> -> memref<10016x32xf32, #tpu.memory_space<vmem_shared>>
        tpu.wait_indirect_dma semaphore(%run_scoped3A : memref<!tpu.dma_semaphore, #tpu.memory_space<semaphore_mem>>) src(%arg13 : memref<128x32xf32, #tpu.memory_space<vmem>>) dst(%dma_wait3A_166 : memref<10016x32xf32, #tpu.memory_space<vmem_shared>>)
        tpu.yield
      }) : () -> ()
      %add3A_133 = arith.constant 5 : i32
      %add3A_134 = arith.addi %add3A_126, %add3A_133 : i32
      %lt3A_135 = arith.cmpi slt, %add3A_134, %select_n3A_8 : i32
      %convert_element_type3A_136 = arith.extui %lt3A_135 : i1 to i32
      %cond3A_137 = arith.constant 0 : i32
      %cond3A_138 = arith.cmpi ne, %convert_element_type3A_136, %cond3A_137 : i32
      scf.if %cond3A_138 {
        %dma_start3A_155 = arith.constant 0 : i32
        %dma_start3A_156 = tpu.memref_slice %arg7[%add3A_134, %dma_start3A_155] : memref<145x128xi32, #tpu.memory_space<vmem>> -> memref<1x128xi32, #tpu.memory_space<vmem>>
        %dma_start3A_157 = tpu.memref_squeeze %dma_start3A_156 : memref<1x128xi32, #tpu.memory_space<vmem>> -> memref<128xi32, #tpu.memory_space<vmem>>
        %dma_start3A_158 = arith.constant 0 : i32
        %dma_start3A_159 = arith.constant 0 : i32
        %dma_start3A_160 = tpu.memref_slice %arg2[%dma_start3A_158, %dma_start3A_159] : memref<10000x32xf32, #tpu.memory_space<hbm>> -> memref<10000x32xf32, #tpu.memory_space<hbm>>
        tpu.enqueue_indirect_dma source(%dma_start3A_160 : memref<10000x32xf32, #tpu.memory_space<hbm>>) target(%arg13 : memref<128x32xf32, #tpu.memory_space<vmem>>) offsets(%dma_start3A_157 : memref<128xi32, #tpu.memory_space<vmem>>) semaphore(%arg18 : memref<!tpu.dma_semaphore, #tpu.memory_space<semaphore_mem>>)
      } else {
      }
      %mul3A_139 = arith.constant 5 : i32
      %mul3A_140 = arith.muli %while3A_76, %mul3A_139 : i32
      %add3A_141 = arith.constant 4 : i32
      %add3A_142 = arith.addi %mul3A_140, %add3A_141 : i32
      %dma_wait3A_143 = arith.constant 0 : i32
      %dma_wait3A_144 = tpu.memref_slice %arg7[%add3A_142, %dma_wait3A_143] : memref<145x128xi32, #tpu.memory_space<vmem>> -> memref<1x128xi32, #tpu.memory_space<vmem>>
      %dma_wait3A_145 = tpu.memref_squeeze %dma_wait3A_144 : memref<1x128xi32, #tpu.memory_space<vmem>> -> memref<128xi32, #tpu.memory_space<vmem>>
      %dma_wait3A_146 = arith.constant 0 : i32
      %dma_wait3A_147 = arith.constant 0 : i32
      %dma_wait3A_148 = tpu.memref_slice %arg2[%dma_wait3A_146, %dma_wait3A_147] : memref<10000x32xf32, #tpu.memory_space<hbm>> -> memref<10000x32xf32, #tpu.memory_space<hbm>>
      tpu.wait_indirect_dma semaphore(%arg19 : memref<!tpu.dma_semaphore, #tpu.memory_space<semaphore_mem>>) src(%dma_wait3A_148 : memref<10000x32xf32, #tpu.memory_space<hbm>>) dst(%arg14 : memref<128x32xf32, #tpu.memory_space<vmem>>)
      "tpu.region"() ({
        %run_scoped3A = tpu.sem_alloc : memref<!tpu.dma_semaphore, #tpu.memory_space<semaphore_mem>>
        %dma_start3A_155 = arith.constant 0 : i32
        %dma_start3A_156 = tpu.memref_slice %arg8[%add3A_142, %dma_start3A_155] : memref<145x128xi32, #tpu.memory_space<vmem>> -> memref<1x128xi32, #tpu.memory_space<vmem>>
        %dma_start3A_157 = tpu.memref_squeeze %dma_start3A_156 : memref<1x128xi32, #tpu.memory_space<vmem>> -> memref<128xi32, #tpu.memory_space<vmem>>
        %dma_start3A_158 = arith.constant 0 : i32
        %dma_start3A_159 = arith.constant 0 : i32
        %dma_start3A_160 = tpu.memref_slice %arg9[%dma_start3A_158, %dma_start3A_159] : memref<10016x32xf32, #tpu.memory_space<vmem_shared>> -> memref<10016x32xf32, #tpu.memory_space<vmem_shared>>
        tpu.enqueue_indirect_dma source(%arg14 : memref<128x32xf32, #tpu.memory_space<vmem>>) target(%dma_start3A_160 : memref<10016x32xf32, #tpu.memory_space<vmem_shared>>) offsets(%dma_start3A_157 : memref<128xi32, #tpu.memory_space<vmem>>) semaphore(%run_scoped3A : memref<!tpu.dma_semaphore, #tpu.memory_space<semaphore_mem>>) {add = true}
        %dma_wait3A_161 = arith.constant 0 : i32
        %dma_wait3A_162 = tpu.memref_slice %arg8[%add3A_142, %dma_wait3A_161] : memref<145x128xi32, #tpu.memory_space<vmem>> -> memref<1x128xi32, #tpu.memory_space<vmem>>
        %dma_wait3A_163 = tpu.memref_squeeze %dma_wait3A_162 : memref<1x128xi32, #tpu.memory_space<vmem>> -> memref<128xi32, #tpu.memory_space<vmem>>
        %dma_wait3A_164 = arith.constant 0 : i32
        %dma_wait3A_165 = arith.constant 0 : i32
        %dma_wait3A_166 = tpu.memref_slice %arg9[%dma_wait3A_164, %dma_wait3A_165] : memref<10016x32xf32, #tpu.memory_space<vmem_shared>> -> memref<10016x32xf32, #tpu.memory_space<vmem_shared>>
        tpu.wait_indirect_dma semaphore(%run_scoped3A : memref<!tpu.dma_semaphore, #tpu.memory_space<semaphore_mem>>) src(%arg14 : memref<128x32xf32, #tpu.memory_space<vmem>>) dst(%dma_wait3A_166 : memref<10016x32xf32, #tpu.memory_space<vmem_shared>>)
        tpu.yield
      }) : () -> ()
      %add3A_149 = arith.constant 5 : i32
      %add3A_150 = arith.addi %add3A_142, %add3A_149 : i32
      %lt3A_151 = arith.cmpi slt, %add3A_150, %select_n3A_8 : i32
      %convert_element_type3A_152 = arith.extui %lt3A_151 : i1 to i32
      %cond3A_153 = arith.constant 0 : i32
      %cond3A_154 = arith.cmpi ne, %convert_element_type3A_152, %cond3A_153 : i32
      scf.if %cond3A_154 {
        %dma_start3A_155 = arith.constant 0 : i32
        %dma_start3A_156 = tpu.memref_slice %arg7[%add3A_150, %dma_start3A_155] : memref<145x128xi32, #tpu.memory_space<vmem>> -> memref<1x128xi32, #tpu.memory_space<vmem>>
        %dma_start3A_157 = tpu.memref_squeeze %dma_start3A_156 : memref<1x128xi32, #tpu.memory_space<vmem>> -> memref<128xi32, #tpu.memory_space<vmem>>
        %dma_start3A_158 = arith.constant 0 : i32
        %dma_start3A_159 = arith.constant 0 : i32
        %dma_start3A_160 = tpu.memref_slice %arg2[%dma_start3A_158, %dma_start3A_159] : memref<10000x32xf32, #tpu.memory_space<hbm>> -> memref<10000x32xf32, #tpu.memory_space<hbm>>
        tpu.enqueue_indirect_dma source(%dma_start3A_160 : memref<10000x32xf32, #tpu.memory_space<hbm>>) target(%arg14 : memref<128x32xf32, #tpu.memory_space<vmem>>) offsets(%dma_start3A_157 : memref<128xi32, #tpu.memory_space<vmem>>) semaphore(%arg19 : memref<!tpu.dma_semaphore, #tpu.memory_space<semaphore_mem>>)
      } else {
      }
    }
    %while3A_74 = arith.constant 1 : i32
    scf.for %while3A_76 = %while3A_72 to %while3A_68 step %while3A_74  : i32 {
      %mul3A_77 = arith.constant 5 : i32
      %mul3A_78 = arith.muli %while3A_76, %mul3A_77 : i32
      %add3A_79 = arith.constant 0 : i32
      %add3A_80 = arith.addi %mul3A_78, %add3A_79 : i32
      %dma_wait3A = arith.constant 0 : i32
      %dma_wait3A_81 = tpu.memref_slice %arg7[%add3A_80, %dma_wait3A] : memref<145x128xi32, #tpu.memory_space<vmem>> -> memref<1x128xi32, #tpu.memory_space<vmem>>
      %dma_wait3A_82 = tpu.memref_squeeze %dma_wait3A_81 : memref<1x128xi32, #tpu.memory_space<vmem>> -> memref<128xi32, #tpu.memory_space<vmem>>
      %dma_wait3A_83 = arith.constant 0 : i32
      %dma_wait3A_84 = arith.constant 0 : i32
      %dma_wait3A_85 = tpu.memref_slice %arg2[%dma_wait3A_83, %dma_wait3A_84] : memref<10000x32xf32, #tpu.memory_space<hbm>> -> memref<10000x32xf32, #tpu.memory_space<hbm>>
      tpu.wait_indirect_dma semaphore(%arg15 : memref<!tpu.dma_semaphore, #tpu.memory_space<semaphore_mem>>) src(%dma_wait3A_85 : memref<10000x32xf32, #tpu.memory_space<hbm>>) dst(%arg10 : memref<128x32xf32, #tpu.memory_space<vmem>>)
      "tpu.region"() ({
        %run_scoped3A = tpu.sem_alloc : memref<!tpu.dma_semaphore, #tpu.memory_space<semaphore_mem>>
        %dma_start3A_155 = arith.constant 0 : i32
        %dma_start3A_156 = tpu.memref_slice %arg8[%add3A_80, %dma_start3A_155] : memref<145x128xi32, #tpu.memory_space<vmem>> -> memref<1x128xi32, #tpu.memory_space<vmem>>
        %dma_start3A_157 = tpu.memref_squeeze %dma_start3A_156 : memref<1x128xi32, #tpu.memory_space<vmem>> -> memref<128xi32, #tpu.memory_space<vmem>>
        %dma_start3A_158 = arith.constant 0 : i32
        %dma_start3A_159 = arith.constant 0 : i32
        %dma_start3A_160 = tpu.memref_slice %arg9[%dma_start3A_158, %dma_start3A_159] : memref<10016x32xf32, #tpu.memory_space<vmem_shared>> -> memref<10016x32xf32, #tpu.memory_space<vmem_shared>>
        tpu.enqueue_indirect_dma source(%arg10 : memref<128x32xf32, #tpu.memory_space<vmem>>) target(%dma_start3A_160 : memref<10016x32xf32, #tpu.memory_space<vmem_shared>>) offsets(%dma_start3A_157 : memref<128xi32, #tpu.memory_space<vmem>>) semaphore(%run_scoped3A : memref<!tpu.dma_semaphore, #tpu.memory_space<semaphore_mem>>) {add = true}
        %dma_wait3A_161 = arith.constant 0 : i32
        %dma_wait3A_162 = tpu.memref_slice %arg8[%add3A_80, %dma_wait3A_161] : memref<145x128xi32, #tpu.memory_space<vmem>> -> memref<1x128xi32, #tpu.memory_space<vmem>>
        %dma_wait3A_163 = tpu.memref_squeeze %dma_wait3A_162 : memref<1x128xi32, #tpu.memory_space<vmem>> -> memref<128xi32, #tpu.memory_space<vmem>>
        %dma_wait3A_164 = arith.constant 0 : i32
        %dma_wait3A_165 = arith.constant 0 : i32
        %dma_wait3A_166 = tpu.memref_slice %arg9[%dma_wait3A_164, %dma_wait3A_165] : memref<10016x32xf32, #tpu.memory_space<vmem_shared>> -> memref<10016x32xf32, #tpu.memory_space<vmem_shared>>
        tpu.wait_indirect_dma semaphore(%run_scoped3A : memref<!tpu.dma_semaphore, #tpu.memory_space<semaphore_mem>>) src(%arg10 : memref<128x32xf32, #tpu.memory_space<vmem>>) dst(%dma_wait3A_166 : memref<10016x32xf32, #tpu.memory_space<vmem_shared>>)
        tpu.yield
      }) : () -> ()
      %add3A_86 = arith.constant 5 : i32
      %add3A_87 = arith.addi %add3A_80, %add3A_86 : i32
      %lt3A = arith.cmpi slt, %add3A_87, %select_n3A_8 : i32
      %convert_element_type3A_88 = arith.extui %lt3A : i1 to i32
      %cond3A_89 = arith.constant 0 : i32
      %cond3A_90 = arith.cmpi ne, %convert_element_type3A_88, %cond3A_89 : i32
      scf.if %cond3A_90 {
        %dma_start3A_155 = arith.constant 0 : i32
        %dma_start3A_156 = tpu.memref_slice %arg7[%add3A_87, %dma_start3A_155] : memref<145x128xi32, #tpu.memory_space<vmem>> -> memref<1x128xi32, #tpu.memory_space<vmem>>
        %dma_start3A_157 = tpu.memref_squeeze %dma_start3A_156 : memref<1x128xi32, #tpu.memory_space<vmem>> -> memref<128xi32, #tpu.memory_space<vmem>>
        %dma_start3A_158 = arith.constant 0 : i32
        %dma_start3A_159 = arith.constant 0 : i32
        %dma_start3A_160 = tpu.memref_slice %arg2[%dma_start3A_158, %dma_start3A_159] : memref<10000x32xf32, #tpu.memory_space<hbm>> -> memref<10000x32xf32, #tpu.memory_space<hbm>>
        tpu.enqueue_indirect_dma source(%dma_start3A_160 : memref<10000x32xf32, #tpu.memory_space<hbm>>) target(%arg10 : memref<128x32xf32, #tpu.memory_space<vmem>>) offsets(%dma_start3A_157 : memref<128xi32, #tpu.memory_space<vmem>>) semaphore(%arg15 : memref<!tpu.dma_semaphore, #tpu.memory_space<semaphore_mem>>)
      } else {
      }
      %mul3A_91 = arith.constant 5 : i32
      %mul3A_92 = arith.muli %while3A_76, %mul3A_91 : i32
      %add3A_93 = arith.constant 1 : i32
      %add3A_94 = arith.addi %mul3A_92, %add3A_93 : i32
      %dma_wait3A_95 = arith.constant 0 : i32
      %dma_wait3A_96 = tpu.memref_slice %arg7[%add3A_94, %dma_wait3A_95] : memref<145x128xi32, #tpu.memory_space<vmem>> -> memref<1x128xi32, #tpu.memory_space<vmem>>
      %dma_wait3A_97 = tpu.memref_squeeze %dma_wait3A_96 : memref<1x128xi32, #tpu.memory_space<vmem>> -> memref<128xi32, #tpu.memory_space<vmem>>
      %dma_wait3A_98 = arith.constant 0 : i32
      %dma_wait3A_99 = arith.constant 0 : i32
      %dma_wait3A_100 = tpu.memref_slice %arg2[%dma_wait3A_98, %dma_wait3A_99] : memref<10000x32xf32, #tpu.memory_space<hbm>> -> memref<10000x32xf32, #tpu.memory_space<hbm>>
      tpu.wait_indirect_dma semaphore(%arg16 : memref<!tpu.dma_semaphore, #tpu.memory_space<semaphore_mem>>) src(%dma_wait3A_100 : memref<10000x32xf32, #tpu.memory_space<hbm>>) dst(%arg11 : memref<128x32xf32, #tpu.memory_space<vmem>>)
      "tpu.region"() ({
        %run_scoped3A = tpu.sem_alloc : memref<!tpu.dma_semaphore, #tpu.memory_space<semaphore_mem>>
        %dma_start3A_155 = arith.constant 0 : i32
        %dma_start3A_156 = tpu.memref_slice %arg8[%add3A_94, %dma_start3A_155] : memref<145x128xi32, #tpu.memory_space<vmem>> -> memref<1x128xi32, #tpu.memory_space<vmem>>
        %dma_start3A_157 = tpu.memref_squeeze %dma_start3A_156 : memref<1x128xi32, #tpu.memory_space<vmem>> -> memref<128xi32, #tpu.memory_space<vmem>>
        %dma_start3A_158 = arith.constant 0 : i32
        %dma_start3A_159 = arith.constant 0 : i32
        %dma_start3A_160 = tpu.memref_slice %arg9[%dma_start3A_158, %dma_start3A_159] : memref<10016x32xf32, #tpu.memory_space<vmem_shared>> -> memref<10016x32xf32, #tpu.memory_space<vmem_shared>>
        tpu.enqueue_indirect_dma source(%arg11 : memref<128x32xf32, #tpu.memory_space<vmem>>) target(%dma_start3A_160 : memref<10016x32xf32, #tpu.memory_space<vmem_shared>>) offsets(%dma_start3A_157 : memref<128xi32, #tpu.memory_space<vmem>>) semaphore(%run_scoped3A : memref<!tpu.dma_semaphore, #tpu.memory_space<semaphore_mem>>) {add = true}
        %dma_wait3A_161 = arith.constant 0 : i32
        %dma_wait3A_162 = tpu.memref_slice %arg8[%add3A_94, %dma_wait3A_161] : memref<145x128xi32, #tpu.memory_space<vmem>> -> memref<1x128xi32, #tpu.memory_space<vmem>>
        %dma_wait3A_163 = tpu.memref_squeeze %dma_wait3A_162 : memref<1x128xi32, #tpu.memory_space<vmem>> -> memref<128xi32, #tpu.memory_space<vmem>>
        %dma_wait3A_164 = arith.constant 0 : i32
        %dma_wait3A_165 = arith.constant 0 : i32
        %dma_wait3A_166 = tpu.memref_slice %arg9[%dma_wait3A_164, %dma_wait3A_165] : memref<10016x32xf32, #tpu.memory_space<vmem_shared>> -> memref<10016x32xf32, #tpu.memory_space<vmem_shared>>
        tpu.wait_indirect_dma semaphore(%run_scoped3A : memref<!tpu.dma_semaphore, #tpu.memory_space<semaphore_mem>>) src(%arg11 : memref<128x32xf32, #tpu.memory_space<vmem>>) dst(%dma_wait3A_166 : memref<10016x32xf32, #tpu.memory_space<vmem_shared>>)
        tpu.yield
      }) : () -> ()
      %add3A_101 = arith.constant 5 : i32
      %add3A_102 = arith.addi %add3A_94, %add3A_101 : i32
      %lt3A_103 = arith.cmpi slt, %add3A_102, %select_n3A_8 : i32
      %convert_element_type3A_104 = arith.extui %lt3A_103 : i1 to i32
      %cond3A_105 = arith.constant 0 : i32
      %cond3A_106 = arith.cmpi ne, %convert_element_type3A_104, %cond3A_105 : i32
      scf.if %cond3A_106 {
        %dma_start3A_155 = arith.constant 0 : i32
        %dma_start3A_156 = tpu.memref_slice %arg7[%add3A_102, %dma_start3A_155] : memref<145x128xi32, #tpu.memory_space<vmem>> -> memref<1x128xi32, #tpu.memory_space<vmem>>
        %dma_start3A_157 = tpu.memref_squeeze %dma_start3A_156 : memref<1x128xi32, #tpu.memory_space<vmem>> -> memref<128xi32, #tpu.memory_space<vmem>>
        %dma_start3A_158 = arith.constant 0 : i32
        %dma_start3A_159 = arith.constant 0 : i32
        %dma_start3A_160 = tpu.memref_slice %arg2[%dma_start3A_158, %dma_start3A_159] : memref<10000x32xf32, #tpu.memory_space<hbm>> -> memref<10000x32xf32, #tpu.memory_space<hbm>>
        tpu.enqueue_indirect_dma source(%dma_start3A_160 : memref<10000x32xf32, #tpu.memory_space<hbm>>) target(%arg11 : memref<128x32xf32, #tpu.memory_space<vmem>>) offsets(%dma_start3A_157 : memref<128xi32, #tpu.memory_space<vmem>>) semaphore(%arg16 : memref<!tpu.dma_semaphore, #tpu.memory_space<semaphore_mem>>)
      } else {
      }
      %mul3A_107 = arith.constant 5 : i32
      %mul3A_108 = arith.muli %while3A_76, %mul3A_107 : i32
      %add3A_109 = arith.constant 2 : i32
      %add3A_110 = arith.addi %mul3A_108, %add3A_109 : i32
      %dma_wait3A_111 = arith.constant 0 : i32
      %dma_wait3A_112 = tpu.memref_slice %arg7[%add3A_110, %dma_wait3A_111] : memref<145x128xi32, #tpu.memory_space<vmem>> -> memref<1x128xi32, #tpu.memory_space<vmem>>
      %dma_wait3A_113 = tpu.memref_squeeze %dma_wait3A_112 : memref<1x128xi32, #tpu.memory_space<vmem>> -> memref<128xi32, #tpu.memory_space<vmem>>
      %dma_wait3A_114 = arith.constant 0 : i32
      %dma_wait3A_115 = arith.constant 0 : i32
      %dma_wait3A_116 = tpu.memref_slice %arg2[%dma_wait3A_114, %dma_wait3A_115] : memref<10000x32xf32, #tpu.memory_space<hbm>> -> memref<10000x32xf32, #tpu.memory_space<hbm>>
      tpu.wait_indirect_dma semaphore(%arg17 : memref<!tpu.dma_semaphore, #tpu.memory_space<semaphore_mem>>) src(%dma_wait3A_116 : memref<10000x32xf32, #tpu.memory_space<hbm>>) dst(%arg12 : memref<128x32xf32, #tpu.memory_space<vmem>>)
      "tpu.region"() ({
        %run_scoped3A = tpu.sem_alloc : memref<!tpu.dma_semaphore, #tpu.memory_space<semaphore_mem>>
        %dma_start3A_155 = arith.constant 0 : i32
        %dma_start3A_156 = tpu.memref_slice %arg8[%add3A_110, %dma_start3A_155] : memref<145x128xi32, #tpu.memory_space<vmem>> -> memref<1x128xi32, #tpu.memory_space<vmem>>
        %dma_start3A_157 = tpu.memref_squeeze %dma_start3A_156 : memref<1x128xi32, #tpu.memory_space<vmem>> -> memref<128xi32, #tpu.memory_space<vmem>>
        %dma_start3A_158 = arith.constant 0 : i32
        %dma_start3A_159 = arith.constant 0 : i32
        %dma_start3A_160 = tpu.memref_slice %arg9[%dma_start3A_158, %dma_start3A_159] : memref<10016x32xf32, #tpu.memory_space<vmem_shared>> -> memref<10016x32xf32, #tpu.memory_space<vmem_shared>>
        tpu.enqueue_indirect_dma source(%arg12 : memref<128x32xf32, #tpu.memory_space<vmem>>) target(%dma_start3A_160 : memref<10016x32xf32, #tpu.memory_space<vmem_shared>>) offsets(%dma_start3A_157 : memref<128xi32, #tpu.memory_space<vmem>>) semaphore(%run_scoped3A : memref<!tpu.dma_semaphore, #tpu.memory_space<semaphore_mem>>) {add = true}
        %dma_wait3A_161 = arith.constant 0 : i32
        %dma_wait3A_162 = tpu.memref_slice %arg8[%add3A_110, %dma_wait3A_161] : memref<145x128xi32, #tpu.memory_space<vmem>> -> memref<1x128xi32, #tpu.memory_space<vmem>>
        %dma_wait3A_163 = tpu.memref_squeeze %dma_wait3A_162 : memref<1x128xi32, #tpu.memory_space<vmem>> -> memref<128xi32, #tpu.memory_space<vmem>>
        %dma_wait3A_164 = arith.constant 0 : i32
        %dma_wait3A_165 = arith.constant 0 : i32
        %dma_wait3A_166 = tpu.memref_slice %arg9[%dma_wait3A_164, %dma_wait3A_165] : memref<10016x32xf32, #tpu.memory_space<vmem_shared>> -> memref<10016x32xf32, #tpu.memory_space<vmem_shared>>
        tpu.wait_indirect_dma semaphore(%run_scoped3A : memref<!tpu.dma_semaphore, #tpu.memory_space<semaphore_mem>>) src(%arg12 : memref<128x32xf32, #tpu.memory_space<vmem>>) dst(%dma_wait3A_166 : memref<10016x32xf32, #tpu.memory_space<vmem_shared>>)
        tpu.yield
      }) : () -> ()
      %add3A_117 = arith.constant 5 : i32
      %add3A_118 = arith.addi %add3A_110, %add3A_117 : i32
      %lt3A_119 = arith.cmpi slt, %add3A_118, %select_n3A_8 : i32
      %convert_element_type3A_120 = arith.extui %lt3A_119 : i1 to i32
      %cond3A_121 = arith.constant 0 : i32
      %cond3A_122 = arith.cmpi ne, %convert_element_type3A_120, %cond3A_121 : i32
      scf.if %cond3A_122 {
        %dma_start3A_155 = arith.constant 0 : i32
        %dma_start3A_156 = tpu.memref_slice %arg7[%add3A_118, %dma_start3A_155] : memref<145x128xi32, #tpu.memory_space<vmem>> -> memref<1x128xi32, #tpu.memory_space<vmem>>
        %dma_start3A_157 = tpu.memref_squeeze %dma_start3A_156 : memref<1x128xi32, #tpu.memory_space<vmem>> -> memref<128xi32, #tpu.memory_space<vmem>>
        %dma_start3A_158 = arith.constant 0 : i32
        %dma_start3A_159 = arith.constant 0 : i32
        %dma_start3A_160 = tpu.memref_slice %arg2[%dma_start3A_158, %dma_start3A_159] : memref<10000x32xf32, #tpu.memory_space<hbm>> -> memref<10000x32xf32, #tpu.memory_space<hbm>>
        tpu.enqueue_indirect_dma source(%dma_start3A_160 : memref<10000x32xf32, #tpu.memory_space<hbm>>) target(%arg12 : memref<128x32xf32, #tpu.memory_space<vmem>>) offsets(%dma_start3A_157 : memref<128xi32, #tpu.memory_space<vmem>>) semaphore(%arg17 : memref<!tpu.dma_semaphore, #tpu.memory_space<semaphore_mem>>)
      } else {
      }
      %mul3A_123 = arith.constant 5 : i32
      %mul3A_124 = arith.muli %while3A_76, %mul3A_123 : i32
      %add3A_125 = arith.constant 3 : i32
      %add3A_126 = arith.addi %mul3A_124, %add3A_125 : i32
      %dma_wait3A_127 = arith.constant 0 : i32
      %dma_wait3A_128 = tpu.memref_slice %arg7[%add3A_126, %dma_wait3A_127] : memref<145x128xi32, #tpu.memory_space<vmem>> -> memref<1x128xi32, #tpu.memory_space<vmem>>
      %dma_wait3A_129 = tpu.memref_squeeze %dma_wait3A_128 : memref<1x128xi32, #tpu.memory_space<vmem>> -> memref<128xi32, #tpu.memory_space<vmem>>
      %dma_wait3A_130 = arith.constant 0 : i32
      %dma_wait3A_131 = arith.constant 0 : i32
      %dma_wait3A_132 = tpu.memref_slice %arg2[%dma_wait3A_130, %dma_wait3A_131] : memref<10000x32xf32, #tpu.memory_space<hbm>> -> memref<10000x32xf32, #tpu.memory_space<hbm>>
      tpu.wait_indirect_dma semaphore(%arg18 : memref<!tpu.dma_semaphore, #tpu.memory_space<semaphore_mem>>) src(%dma_wait3A_132 : memref<10000x32xf32, #tpu.memory_space<hbm>>) dst(%arg13 : memref<128x32xf32, #tpu.memory_space<vmem>>)
      "tpu.region"() ({
        %run_scoped3A = tpu.sem_alloc : memref<!tpu.dma_semaphore, #tpu.memory_space<semaphore_mem>>
        %dma_start3A_155 = arith.constant 0 : i32
        %dma_start3A_156 = tpu.memref_slice %arg8[%add3A_126, %dma_start3A_155] : memref<145x128xi32, #tpu.memory_space<vmem>> -> memref<1x128xi32, #tpu.memory_space<vmem>>
        %dma_start3A_157 = tpu.memref_squeeze %dma_start3A_156 : memref<1x128xi32, #tpu.memory_space<vmem>> -> memref<128xi32, #tpu.memory_space<vmem>>
        %dma_start3A_158 = arith.constant 0 : i32
        %dma_start3A_159 = arith.constant 0 : i32
        %dma_start3A_160 = tpu.memref_slice %arg9[%dma_start3A_158, %dma_start3A_159] : memref<10016x32xf32, #tpu.memory_space<vmem_shared>> -> memref<10016x32xf32, #tpu.memory_space<vmem_shared>>
        tpu.enqueue_indirect_dma source(%arg13 : memref<128x32xf32, #tpu.memory_space<vmem>>) target(%dma_start3A_160 : memref<10016x32xf32, #tpu.memory_space<vmem_shared>>) offsets(%dma_start3A_157 : memref<128xi32, #tpu.memory_space<vmem>>) semaphore(%run_scoped3A : memref<!tpu.dma_semaphore, #tpu.memory_space<semaphore_mem>>) {add = true}
        %dma_wait3A_161 = arith.constant 0 : i32
        %dma_wait3A_162 = tpu.memref_slice %arg8[%add3A_126, %dma_wait3A_161] : memref<145x128xi32, #tpu.memory_space<vmem>> -> memref<1x128xi32, #tpu.memory_space<vmem>>
        %dma_wait3A_163 = tpu.memref_squeeze %dma_wait3A_162 : memref<1x128xi32, #tpu.memory_space<vmem>> -> memref<128xi32, #tpu.memory_space<vmem>>
        %dma_wait3A_164 = arith.constant 0 : i32
        %dma_wait3A_165 = arith.constant 0 : i32
        %dma_wait3A_166 = tpu.memref_slice %arg9[%dma_wait3A_164, %dma_wait3A_165] : memref<10016x32xf32, #tpu.memory_space<vmem_shared>> -> memref<10016x32xf32, #tpu.memory_space<vmem_shared>>
        tpu.wait_indirect_dma semaphore(%run_scoped3A : memref<!tpu.dma_semaphore, #tpu.memory_space<semaphore_mem>>) src(%arg13 : memref<128x32xf32, #tpu.memory_space<vmem>>) dst(%dma_wait3A_166 : memref<10016x32xf32, #tpu.memory_space<vmem_shared>>)
        tpu.yield
      }) : () -> ()
      %add3A_133 = arith.constant 5 : i32
      %add3A_134 = arith.addi %add3A_126, %add3A_133 : i32
      %lt3A_135 = arith.cmpi slt, %add3A_134, %select_n3A_8 : i32
      %convert_element_type3A_136 = arith.extui %lt3A_135 : i1 to i32
      %cond3A_137 = arith.constant 0 : i32
      %cond3A_138 = arith.cmpi ne, %convert_element_type3A_136, %cond3A_137 : i32
      scf.if %cond3A_138 {
        %dma_start3A_155 = arith.constant 0 : i32
        %dma_start3A_156 = tpu.memref_slice %arg7[%add3A_134, %dma_start3A_155] : memref<145x128xi32, #tpu.memory_space<vmem>> -> memref<1x128xi32, #tpu.memory_space<vmem>>
        %dma_start3A_157 = tpu.memref_squeeze %dma_start3A_156 : memref<1x128xi32, #tpu.memory_space<vmem>> -> memref<128xi32, #tpu.memory_space<vmem>>
        %dma_start3A_158 = arith.constant 0 : i32
        %dma_start3A_159 = arith.constant 0 : i32
        %dma_start3A_160 = tpu.memref_slice %arg2[%dma_start3A_158, %dma_start3A_159] : memref<10000x32xf32, #tpu.memory_space<hbm>> -> memref<10000x32xf32, #tpu.memory_space<hbm>>
        tpu.enqueue_indirect_dma source(%dma_start3A_160 : memref<10000x32xf32, #tpu.memory_space<hbm>>) target(%arg13 : memref<128x32xf32, #tpu.memory_space<vmem>>) offsets(%dma_start3A_157 : memref<128xi32, #tpu.memory_space<vmem>>) semaphore(%arg18 : memref<!tpu.dma_semaphore, #tpu.memory_space<semaphore_mem>>)
      } else {
      }
      %mul3A_139 = arith.constant 5 : i32
      %mul3A_140 = arith.muli %while3A_76, %mul3A_139 : i32
      %add3A_141 = arith.constant 4 : i32
      %add3A_142 = arith.addi %mul3A_140, %add3A_141 : i32
      %dma_wait3A_143 = arith.constant 0 : i32
      %dma_wait3A_144 = tpu.memref_slice %arg7[%add3A_142, %dma_wait3A_143] : memref<145x128xi32, #tpu.memory_space<vmem>> -> memref<1x128xi32, #tpu.memory_space<vmem>>
      %dma_wait3A_145 = tpu.memref_squeeze %dma_wait3A_144 : memref<1x128xi32, #tpu.memory_space<vmem>> -> memref<128xi32, #tpu.memory_space<vmem>>
      %dma_wait3A_146 = arith.constant 0 : i32
      %dma_wait3A_147 = arith.constant 0 : i32
      %dma_wait3A_148 = tpu.memref_slice %arg2[%dma_wait3A_146, %dma_wait3A_147] : memref<10000x32xf32, #tpu.memory_space<hbm>> -> memref<10000x32xf32, #tpu.memory_space<hbm>>
      tpu.wait_indirect_dma semaphore(%arg19 : memref<!tpu.dma_semaphore, #tpu.memory_space<semaphore_mem>>) src(%dma_wait3A_148 : memref<10000x32xf32, #tpu.memory_space<hbm>>) dst(%arg14 : memref<128x32xf32, #tpu.memory_space<vmem>>)
      "tpu.region"() ({
        %run_scoped3A = tpu.sem_alloc : memref<!tpu.dma_semaphore, #tpu.memory_space<semaphore_mem>>
        %dma_start3A_155 = arith.constant 0 : i32
        %dma_start3A_156 = tpu.memref_slice %arg8[%add3A_142, %dma_start3A_155] : memref<145x128xi32, #tpu.memory_space<vmem>> -> memref<1x128xi32, #tpu.memory_space<vmem>>
        %dma_start3A_157 = tpu.memref_squeeze %dma_start3A_156 : memref<1x128xi32, #tpu.memory_space<vmem>> -> memref<128xi32, #tpu.memory_space<vmem>>
        %dma_start3A_158 = arith.constant 0 : i32
        %dma_start3A_159 = arith.constant 0 : i32
        %dma_start3A_160 = tpu.memref_slice %arg9[%dma_start3A_158, %dma_start3A_159] : memref<10016x32xf32, #tpu.memory_space<vmem_shared>> -> memref<10016x32xf32, #tpu.memory_space<vmem_shared>>
        tpu.enqueue_indirect_dma source(%arg14 : memref<128x32xf32, #tpu.memory_space<vmem>>) target(%dma_start3A_160 : memref<10016x32xf32, #tpu.memory_space<vmem_shared>>) offsets(%dma_start3A_157 : memref<128xi32, #tpu.memory_space<vmem>>) semaphore(%run_scoped3A : memref<!tpu.dma_semaphore, #tpu.memory_space<semaphore_mem>>) {add = true}
        %dma_wait3A_161 = arith.constant 0 : i32
        %dma_wait3A_162 = tpu.memref_slice %arg8[%add3A_142, %dma_wait3A_161] : memref<145x128xi32, #tpu.memory_space<vmem>> -> memref<1x128xi32, #tpu.memory_space<vmem>>
        %dma_wait3A_163 = tpu.memref_squeeze %dma_wait3A_162 : memref<1x128xi32, #tpu.memory_space<vmem>> -> memref<128xi32, #tpu.memory_space<vmem>>
        %dma_wait3A_164 = arith.constant 0 : i32
        %dma_wait3A_165 = arith.constant 0 : i32
        %dma_wait3A_166 = tpu.memref_slice %arg9[%dma_wait3A_164, %dma_wait3A_165] : memref<10016x32xf32, #tpu.memory_space<vmem_shared>> -> memref<10016x32xf32, #tpu.memory_space<vmem_shared>>
        tpu.wait_indirect_dma semaphore(%run_scoped3A : memref<!tpu.dma_semaphore, #tpu.memory_space<semaphore_mem>>) src(%arg14 : memref<128x32xf32, #tpu.memory_space<vmem>>) dst(%dma_wait3A_166 : memref<10016x32xf32, #tpu.memory_space<vmem_shared>>)
        tpu.yield
      }) : () -> ()
      %add3A_149 = arith.constant 5 : i32
      %add3A_150 = arith.addi %add3A_142, %add3A_149 : i32
      %lt3A_151 = arith.cmpi slt, %add3A_150, %select_n3A_8 : i32
      %convert_element_type3A_152 = arith.extui %lt3A_151 : i1 to i32
      %cond3A_153 = arith.constant 0 : i32
      %cond3A_154 = arith.cmpi ne, %convert_element_type3A_152, %cond3A_153 : i32
      scf.if %cond3A_154 {
        %dma_start3A_155 = arith.constant 0 : i32
        %dma_start3A_156 = tpu.memref_slice %arg7[%add3A_150, %dma_start3A_155] : memref<145x128xi32, #tpu.memory_space<vmem>> -> memref<1x128xi32, #tpu.memory_space<vmem>>
        %dma_start3A_157 = tpu.memref_squeeze %dma_start3A_156 : memref<1x128xi32, #tpu.memory_space<vmem>> -> memref<128xi32, #tpu.memory_space<vmem>>
        %dma_start3A_158 = arith.constant 0 : i32
        %dma_start3A_159 = arith.constant 0 : i32
        %dma_start3A_160 = tpu.memref_slice %arg2[%dma_start3A_158, %dma_start3A_159] : memref<10000x32xf32, #tpu.memory_space<hbm>> -> memref<10000x32xf32, #tpu.memory_space<hbm>>
        tpu.enqueue_indirect_dma source(%dma_start3A_160 : memref<10000x32xf32, #tpu.memory_space<hbm>>) target(%arg14 : memref<128x32xf32, #tpu.memory_space<vmem>>) offsets(%dma_start3A_157 : memref<128xi32, #tpu.memory_space<vmem>>) semaphore(%arg19 : memref<!tpu.dma_semaphore, #tpu.memory_space<semaphore_mem>>)
      } else {
      }
    }
    %barrier3A_75 = arith.constant 0 : index
    tpu.barrier barrier_id(%barrier3A_75)
    "tpu.region"() ({
      %run_scoped3A = tpu.sem_alloc : memref<!tpu.dma_semaphore, #tpu.memory_space<semaphore_mem>>
      %dma_start3A_76 = arith.constant 0 : i32
      %dma_start3A_77 = tpu.memref_slice %arg6[%arg0, %mul3A_10, %dma_start3A_76] : memref<2x10016x32xf32, #tpu.memory_space<hbm>> -> memref<1x626x32xf32, #tpu.memory_space<hbm>>
      %dma_start3A_78 = tpu.memref_squeeze %dma_start3A_77 : memref<1x626x32xf32, #tpu.memory_space<hbm>> -> memref<626x32xf32, #tpu.memory_space<hbm>>
      %dma_start3A_79 = arith.constant 0 : i32
      %dma_start3A_80 = tpu.memref_slice %arg9[%mul3A_10, %dma_start3A_79] : memref<10016x32xf32, #tpu.memory_space<vmem_shared>> -> memref<626x32xf32, #tpu.memory_space<vmem_shared>>
      tpu.enqueue_dma source(%dma_start3A_80 : memref<626x32xf32, #tpu.memory_space<vmem_shared>>) target(%dma_start3A_78 : memref<626x32xf32, #tpu.memory_space<hbm>>) target_semaphore(%run_scoped3A : memref<!tpu.dma_semaphore, #tpu.memory_space<semaphore_mem>>)
      %dma_wait3A = arith.constant 0 : i32
      %dma_wait3A_81 = tpu.memref_slice %arg6[%arg0, %mul3A_10, %dma_wait3A] : memref<2x10016x32xf32, #tpu.memory_space<hbm>> -> memref<1x626x32xf32, #tpu.memory_space<hbm>>
      %dma_wait3A_82 = tpu.memref_squeeze %dma_wait3A_81 : memref<1x626x32xf32, #tpu.memory_space<hbm>> -> memref<626x32xf32, #tpu.memory_space<hbm>>
      %dma_wait3A_83 = arith.constant 0 : i32
      %dma_wait3A_84 = tpu.memref_slice %arg9[%mul3A_10, %dma_wait3A_83] : memref<10016x32xf32, #tpu.memory_space<vmem_shared>> -> memref<626x32xf32, #tpu.memory_space<vmem_shared>>
      tpu.wait_dma2 semaphore(%run_scoped3A : memref<!tpu.dma_semaphore, #tpu.memory_space<semaphore_mem>>) src(%dma_wait3A_84 : memref<626x32xf32, #tpu.memory_space<vmem_shared>>) dst(%dma_wait3A_82 : memref<626x32xf32, #tpu.memory_space<hbm>>)
      tpu.yield
    }) : () -> ()
    return
  }
}

module attributes {stable_mosaic.version = 14 : i64} {
  func.func @body(%arg0: i32, %arg1: memref<2000x128xf32, #tpu.memory_space<vmem>>, %arg2: memref<128x64xf32, #tpu.memory_space<vmem>>, %arg3: memref<128x64xf32, #tpu.memory_space<vmem>>, %arg4: memref<8x64xf32, #tpu.memory_space<vmem>>, %arg5: memref<2000x64xf32, #tpu.memory_space<vmem>>, %arg6: memref<2000x64xf32, #tpu.memory_space<vmem>>) attributes {dimension_semantics = [#tpu.dimension_semantics<arbitrary>], iteration_bounds = array<i64: 5>, scalar_prefetch = 0 : i64, scratch_operands = 0 : i64, tpu.core_type = #tpu.core_type<tc>, window_params = [{transform_indices = @transform_0, window_bounds = array<i64: 2000, 128>}, {pipeline_mode = #tpu.pipeline_mode<synchronous>, transform_indices = @transform_1, window_bounds = array<i64: 128, 64>}, {pipeline_mode = #tpu.pipeline_mode<synchronous>, transform_indices = @transform_2, window_bounds = array<i64: 128, 64>}, {pipeline_mode = #tpu.pipeline_mode<synchronous>, transform_indices = @transform_3, window_bounds = array<i64: 8, 64>}, {transform_indices = @transform_4, window_bounds = array<i64: 2000, 64>}, {transform_indices = @transform_5, window_bounds = array<i64: 2000, 64>}]} {
    %get3A = arith.constant 0 : index
    %get3A_0 = arith.constant 0 : index
    %get3A_1 = vector.load %arg1[%get3A, %get3A_0] : memref<2000x128xf32, #tpu.memory_space<vmem>>, vector<2000x128xf32>
    %get3A_2 = arith.constant 0 : index
    %get3A_3 = arith.constant 0 : index
    %get3A_4 = vector.load %arg2[%get3A_2, %get3A_3] : memref<128x64xf32, #tpu.memory_space<vmem>>, vector<128x64xf32>
    %dot_general3A = arith.constant dense<0.000000e+00> : vector<2000x64xf32>
    %dot_general3A_5 = tpu.matmul %get3A_1, %get3A_4, %dot_general3A {dimension_numbers = #tpu.dot_dimension_numbers<[1], [0], [0], [1], [0, 0, 1, 1], [], []>, transpose_lhs_hint = false} : vector<2000x128xf32>, vector<128x64xf32>, vector<2000x64xf32> -> vector<2000x64xf32>
    %swap3A = arith.constant 0 : index
    %swap3A_6 = arith.constant 0 : index
    %swap3A_7 = vector.load %arg5[%swap3A, %swap3A_6] : memref<2000x64xf32, #tpu.memory_space<vmem>>, vector<2000x64xf32>
    tpu.vector_store %arg5[%swap3A, %swap3A_6], %dot_general3A_5 {strides = array<i32>} : memref<2000x64xf32, #tpu.memory_space<vmem>>, vector<2000x64xf32>,
    %get3A_8 = arith.constant 0 : index
    %get3A_9 = arith.constant 0 : index
    %get3A_10 = vector.load %arg3[%get3A_8, %get3A_9] : memref<128x64xf32, #tpu.memory_space<vmem>>, vector<128x64xf32>
    %dot_general3A_11 = arith.constant dense<0.000000e+00> : vector<2000x64xf32>
    %dot_general3A_12 = tpu.matmul %get3A_1, %get3A_10, %dot_general3A_11 {dimension_numbers = #tpu.dot_dimension_numbers<[1], [0], [0], [1], [0, 0, 1, 1], [], []>, transpose_lhs_hint = false} : vector<2000x128xf32>, vector<128x64xf32>, vector<2000x64xf32> -> vector<2000x64xf32>
    %get3A_13 = arith.constant 0 : index
    %get3A_14 = arith.constant 0 : index
    %get3A_15 = vector.load %arg4[%get3A_13, %get3A_14] : memref<8x64xf32, #tpu.memory_space<vmem>>, vector<1x64xf32>
    %add3A = vector.broadcast %get3A_15 : vector<1x64xf32> to vector<2000x64xf32>
    %add3A_16 = arith.addf %dot_general3A_12, %add3A : vector<2000x64xf32>
    %swap3A_17 = arith.constant 0 : index
    %swap3A_18 = arith.constant 0 : index
    %swap3A_19 = vector.load %arg6[%swap3A_17, %swap3A_18] : memref<2000x64xf32, #tpu.memory_space<vmem>>, vector<2000x64xf32>
    tpu.vector_store %arg6[%swap3A_17, %swap3A_18], %add3A_16 {strides = array<i32>} : memref<2000x64xf32, #tpu.memory_space<vmem>>, vector<2000x64xf32>,
    return
  }
  func.func @transform_0(%arg0: i32) -> (i32, i32) {
    %c0_i32 = arith.constant 0 : i32
    %c0_i32_0 = arith.constant 0 : i32
    return %arg0, %c0_i32 : i32, i32
  }
  func.func @transform_1(%arg0: i32) -> (i32, i32) {
    %c0_i32 = arith.constant 0 : i32
    %c0_i32_0 = arith.constant 0 : i32
    %c0_i32_1 = arith.constant 0 : i32
    return %c0_i32, %c0_i32_0 : i32, i32
  }
  func.func @transform_2(%arg0: i32) -> (i32, i32) {
    %c0_i32 = arith.constant 0 : i32
    %c0_i32_0 = arith.constant 0 : i32
    %c0_i32_1 = arith.constant 0 : i32
    return %c0_i32, %c0_i32_0 : i32, i32
  }
  func.func @transform_3(%arg0: i32) -> (i32, i32) {
    %c0_i32 = arith.constant 0 : i32
    %c0_i32_0 = arith.constant 0 : i32
    %c0_i32_1 = arith.constant 0 : i32
    return %c0_i32, %c0_i32_0 : i32, i32
  }
  func.func @transform_4(%arg0: i32) -> (i32, i32) {
    %c0_i32 = arith.constant 0 : i32
    %c0_i32_0 = arith.constant 0 : i32
    return %arg0, %c0_i32 : i32, i32
  }
  func.func @transform_5(%arg0: i32) -> (i32, i32) {
    %c0_i32 = arith.constant 0 : i32
    %c0_i32_0 = arith.constant 0 : i32
    return %arg0, %c0_i32 : i32, i32
  }
}

module attributes {stable_mosaic.version = 14 : i64} {
  func.func @body(%arg0: i32, %arg1: memref<1x2000x64xf32, #tpu.memory_space<vmem>>, %arg2: memref<1x2000x64xf32, #tpu.memory_space<vmem>>, %arg3: memref<1x2000x16xf32, #tpu.memory_space<vmem>>, %arg4: memref<1x2000x16xf32, #tpu.memory_space<vmem>>, %arg5: memref<2000x64xf32, #tpu.memory_space<vmem>>, %arg6: memref<64x32xf32, #tpu.memory_space<vmem>>, %arg7: memref<64x32xf32, #tpu.memory_space<vmem>>, %arg8: memref<8x32xf32, #tpu.memory_space<vmem>>, %arg9: memref<2000x32xf32, #tpu.memory_space<vmem>>, %arg10: memref<2000x32xf32, #tpu.memory_space<vmem>>) attributes {dimension_semantics = [#tpu.dimension_semantics<arbitrary>], iteration_bounds = array<i64: 5>, scalar_prefetch = 0 : i64, scratch_operands = 0 : i64, tpu.core_type = #tpu.core_type<tc>, window_params = [{transform_indices = @transform_0, window_bounds = array<i64: 1, 2000, 64>}, {transform_indices = @transform_1, window_bounds = array<i64: 1, 2000, 64>}, {transform_indices = @transform_2, window_bounds = array<i64: 1, 2000, 16>}, {transform_indices = @transform_3, window_bounds = array<i64: 1, 2000, 16>}, {transform_indices = @transform_4, window_bounds = array<i64: 2000, 64>}, {pipeline_mode = #tpu.pipeline_mode<synchronous>, transform_indices = @transform_5, window_bounds = array<i64: 64, 32>}, {pipeline_mode = #tpu.pipeline_mode<synchronous>, transform_indices = @transform_6, window_bounds = array<i64: 64, 32>}, {pipeline_mode = #tpu.pipeline_mode<synchronous>, transform_indices = @transform_7, window_bounds = array<i64: 8, 32>}, {transform_indices = @transform_8, window_bounds = array<i64: 2000, 32>}, {transform_indices = @transform_9, window_bounds = array<i64: 2000, 32>}]} {
    %get3A = arith.constant 0 : index
    %get3A_0 = arith.constant 0 : index
    %get3A_1 = arith.constant 0 : index
    %get3A_2 = vector.load %arg3[%get3A, %get3A_0, %get3A_1] : memref<1x2000x16xf32, #tpu.memory_space<vmem>>, vector<1x2000x16xf32>
    %get3A_3 = vector.shape_cast %get3A_2 : vector<1x2000x16xf32> to vector<2000x16xf32>
    %slice3A = vector.extract_strided_slice %get3A_3 {offsets = [0, 0], sizes = [2000, 1], strides = [1, 1]} : vector<2000x16xf32> to vector<2000x1xf32>
    %get3A_4 = arith.constant 0 : index
    %get3A_5 = arith.constant 0 : index
    %get3A_6 = arith.constant 0 : index
    %get3A_7 = vector.load %arg4[%get3A_4, %get3A_5, %get3A_6] : memref<1x2000x16xf32, #tpu.memory_space<vmem>>, vector<1x2000x16xf32>
    %get3A_8 = vector.shape_cast %get3A_7 : vector<1x2000x16xf32> to vector<2000x16xf32>
    %slice3A_9 = vector.extract_strided_slice %get3A_8 {offsets = [0, 0], sizes = [2000, 1], strides = [1, 1]} : vector<2000x16xf32> to vector<2000x1xf32>
    %add3A = arith.addf %slice3A, %slice3A_9 : vector<2000x1xf32>
    %max3A = arith.constant 1.000000e+00 : f32
    %max3A_10 = vector.broadcast %max3A : f32 to vector<2000x1xf32>
    %max3A_11 = arith.maximumf %add3A, %max3A_10 : vector<2000x1xf32>
    %get3A_12 = arith.constant 0 : index
    %get3A_13 = arith.constant 0 : index
    %get3A_14 = arith.constant 0 : index
    %get3A_15 = vector.load %arg1[%get3A_12, %get3A_13, %get3A_14] : memref<1x2000x64xf32, #tpu.memory_space<vmem>>, vector<1x2000x64xf32>
    %get3A_16 = vector.shape_cast %get3A_15 : vector<1x2000x64xf32> to vector<2000x64xf32>
    %get3A_17 = arith.constant 0 : index
    %get3A_18 = arith.constant 0 : index
    %get3A_19 = arith.constant 0 : index
    %get3A_20 = vector.load %arg2[%get3A_17, %get3A_18, %get3A_19] : memref<1x2000x64xf32, #tpu.memory_space<vmem>>, vector<1x2000x64xf32>
    %get3A_21 = vector.shape_cast %get3A_20 : vector<1x2000x64xf32> to vector<2000x64xf32>
    %add3A_22 = arith.addf %get3A_16, %get3A_21 : vector<2000x64xf32>
    %div3A = vector.broadcast %max3A_11 : vector<2000x1xf32> to vector<2000x64xf32>
    %div3A_23 = arith.divf %add3A_22, %div3A : vector<2000x64xf32>
    %get3A_24 = arith.constant 0 : index
    %get3A_25 = arith.constant 0 : index
    %get3A_26 = vector.load %arg5[%get3A_24, %get3A_25] : memref<2000x64xf32, #tpu.memory_space<vmem>>, vector<2000x64xf32>
    %add3A_27 = arith.addf %div3A_23, %get3A_26 : vector<2000x64xf32>
    %max3A_28 = arith.constant 0.000000e+00 : f32
    %max3A_29 = vector.broadcast %max3A_28 : f32 to vector<2000x64xf32>
    %max3A_30 = arith.maximumf %add3A_27, %max3A_29 : vector<2000x64xf32>
    %get3A_31 = arith.constant 0 : index
    %get3A_32 = arith.constant 0 : index
    %get3A_33 = vector.load %arg6[%get3A_31, %get3A_32] : memref<64x32xf32, #tpu.memory_space<vmem>>, vector<64x32xf32>
    %dot_general3A = arith.constant dense<0.000000e+00> : vector<2000x32xf32>
    %dot_general3A_34 = tpu.matmul %max3A_30, %get3A_33, %dot_general3A {dimension_numbers = #tpu.dot_dimension_numbers<[1], [0], [0], [1], [0, 0, 1, 1], [], []>, transpose_lhs_hint = false} : vector<2000x64xf32>, vector<64x32xf32>, vector<2000x32xf32> -> vector<2000x32xf32>
    %swap3A = arith.constant 0 : index
    %swap3A_35 = arith.constant 0 : index
    %swap3A_36 = vector.load %arg9[%swap3A, %swap3A_35] : memref<2000x32xf32, #tpu.memory_space<vmem>>, vector<2000x32xf32>
    tpu.vector_store %arg9[%swap3A, %swap3A_35], %dot_general3A_34 {strides = array<i32>} : memref<2000x32xf32, #tpu.memory_space<vmem>>, vector<2000x32xf32>,
    %get3A_37 = arith.constant 0 : index
    %get3A_38 = arith.constant 0 : index
    %get3A_39 = vector.load %arg7[%get3A_37, %get3A_38] : memref<64x32xf32, #tpu.memory_space<vmem>>, vector<64x32xf32>
    %dot_general3A_40 = arith.constant dense<0.000000e+00> : vector<2000x32xf32>
    %dot_general3A_41 = tpu.matmul %max3A_30, %get3A_39, %dot_general3A_40 {dimension_numbers = #tpu.dot_dimension_numbers<[1], [0], [0], [1], [0, 0, 1, 1], [], []>, transpose_lhs_hint = false} : vector<2000x64xf32>, vector<64x32xf32>, vector<2000x32xf32> -> vector<2000x32xf32>
    %get3A_42 = arith.constant 0 : index
    %get3A_43 = arith.constant 0 : index
    %get3A_44 = vector.load %arg8[%get3A_42, %get3A_43] : memref<8x32xf32, #tpu.memory_space<vmem>>, vector<1x32xf32>
    %add3A_45 = vector.broadcast %get3A_44 : vector<1x32xf32> to vector<2000x32xf32>
    %add3A_46 = arith.addf %dot_general3A_41, %add3A_45 : vector<2000x32xf32>
    %swap3A_47 = arith.constant 0 : index
    %swap3A_48 = arith.constant 0 : index
    %swap3A_49 = vector.load %arg10[%swap3A_47, %swap3A_48] : memref<2000x32xf32, #tpu.memory_space<vmem>>, vector<2000x32xf32>
    tpu.vector_store %arg10[%swap3A_47, %swap3A_48], %add3A_46 {strides = array<i32>} : memref<2000x32xf32, #tpu.memory_space<vmem>>, vector<2000x32xf32>,
    return
  }
  func.func @transform_0(%arg0: i32) -> (i32, i32, i32) {
    %c0_i32 = arith.constant 0 : i32
    %c0_i32_0 = arith.constant 0 : i32
    %c0_i32_1 = arith.constant 0 : i32
    return %c0_i32, %arg0, %c0_i32_0 : i32, i32, i32
  }
  func.func @transform_1(%arg0: i32) -> (i32, i32, i32) {
    %c1_i32 = arith.constant 1 : i32
    %c0_i32 = arith.constant 0 : i32
    %c0_i32_0 = arith.constant 0 : i32
    return %c1_i32, %arg0, %c0_i32 : i32, i32, i32
  }
  func.func @transform_2(%arg0: i32) -> (i32, i32, i32) {
    %c0_i32 = arith.constant 0 : i32
    %c0_i32_0 = arith.constant 0 : i32
    %c0_i32_1 = arith.constant 0 : i32
    return %c0_i32, %arg0, %c0_i32_0 : i32, i32, i32
  }
  func.func @transform_3(%arg0: i32) -> (i32, i32, i32) {
    %c1_i32 = arith.constant 1 : i32
    %c0_i32 = arith.constant 0 : i32
    %c0_i32_0 = arith.constant 0 : i32
    return %c1_i32, %arg0, %c0_i32 : i32, i32, i32
  }
  func.func @transform_4(%arg0: i32) -> (i32, i32) {
    %c0_i32 = arith.constant 0 : i32
    %c0_i32_0 = arith.constant 0 : i32
    return %arg0, %c0_i32 : i32, i32
  }
  func.func @transform_5(%arg0: i32) -> (i32, i32) {
    %c0_i32 = arith.constant 0 : i32
    %c0_i32_0 = arith.constant 0 : i32
    %c0_i32_1 = arith.constant 0 : i32
    return %c0_i32, %c0_i32_0 : i32, i32
  }
  func.func @transform_6(%arg0: i32) -> (i32, i32) {
    %c0_i32 = arith.constant 0 : i32
    %c0_i32_0 = arith.constant 0 : i32
    %c0_i32_1 = arith.constant 0 : i32
    return %c0_i32, %c0_i32_0 : i32, i32
  }
  func.func @transform_7(%arg0: i32) -> (i32, i32) {
    %c0_i32 = arith.constant 0 : i32
    %c0_i32_0 = arith.constant 0 : i32
    %c0_i32_1 = arith.constant 0 : i32
    return %c0_i32, %c0_i32_0 : i32, i32
  }
  func.func @transform_8(%arg0: i32) -> (i32, i32) {
    %c0_i32 = arith.constant 0 : i32
    %c0_i32_0 = arith.constant 0 : i32
    return %arg0, %c0_i32 : i32, i32
  }
  func.func @transform_9(%arg0: i32) -> (i32, i32) {
    %c0_i32 = arith.constant 0 : i32
    %c0_i32_0 = arith.constant 0 : i32
    return %arg0, %c0_i32 : i32, i32
  }
}

module attributes {stable_mosaic.version = 14 : i64} {
  func.func @body(%arg0: i32, %arg1: memref<1x2000x32xf32, #tpu.memory_space<vmem>>, %arg2: memref<1x2000x32xf32, #tpu.memory_space<vmem>>, %arg3: memref<1x2000x16xf32, #tpu.memory_space<vmem>>, %arg4: memref<1x2000x16xf32, #tpu.memory_space<vmem>>, %arg5: memref<2000x32xf32, #tpu.memory_space<vmem>>, %arg6: memref<32x16xf32, #tpu.memory_space<vmem>>, %arg7: memref<8x16xf32, #tpu.memory_space<vmem>>, %arg8: memref<16x2xf32, #tpu.memory_space<vmem>>, %arg9: memref<8x2xf32, #tpu.memory_space<vmem>>, %arg10: memref<2000x2xf32, #tpu.memory_space<vmem>>) attributes {dimension_semantics = [#tpu.dimension_semantics<arbitrary>], iteration_bounds = array<i64: 5>, scalar_prefetch = 0 : i64, scratch_operands = 0 : i64, tpu.core_type = #tpu.core_type<tc>, window_params = [{transform_indices = @transform_0, window_bounds = array<i64: 1, 2000, 32>}, {transform_indices = @transform_1, window_bounds = array<i64: 1, 2000, 32>}, {transform_indices = @transform_2, window_bounds = array<i64: 1, 2000, 16>}, {transform_indices = @transform_3, window_bounds = array<i64: 1, 2000, 16>}, {transform_indices = @transform_4, window_bounds = array<i64: 2000, 32>}, {pipeline_mode = #tpu.pipeline_mode<synchronous>, transform_indices = @transform_5, window_bounds = array<i64: 32, 16>}, {pipeline_mode = #tpu.pipeline_mode<synchronous>, transform_indices = @transform_6, window_bounds = array<i64: 8, 16>}, {pipeline_mode = #tpu.pipeline_mode<synchronous>, transform_indices = @transform_7, window_bounds = array<i64: 16, 2>}, {pipeline_mode = #tpu.pipeline_mode<synchronous>, transform_indices = @transform_8, window_bounds = array<i64: 8, 2>}, {transform_indices = @transform_9, window_bounds = array<i64: 2000, 2>}]} {
    %get3A = arith.constant 0 : index
    %get3A_0 = arith.constant 0 : index
    %get3A_1 = arith.constant 0 : index
    %get3A_2 = vector.load %arg3[%get3A, %get3A_0, %get3A_1] : memref<1x2000x16xf32, #tpu.memory_space<vmem>>, vector<1x2000x16xf32>
    %get3A_3 = vector.shape_cast %get3A_2 : vector<1x2000x16xf32> to vector<2000x16xf32>
    %slice3A = vector.extract_strided_slice %get3A_3 {offsets = [0, 0], sizes = [2000, 1], strides = [1, 1]} : vector<2000x16xf32> to vector<2000x1xf32>
    %get3A_4 = arith.constant 0 : index
    %get3A_5 = arith.constant 0 : index
    %get3A_6 = arith.constant 0 : index
    %get3A_7 = vector.load %arg4[%get3A_4, %get3A_5, %get3A_6] : memref<1x2000x16xf32, #tpu.memory_space<vmem>>, vector<1x2000x16xf32>
    %get3A_8 = vector.shape_cast %get3A_7 : vector<1x2000x16xf32> to vector<2000x16xf32>
    %slice3A_9 = vector.extract_strided_slice %get3A_8 {offsets = [0, 0], sizes = [2000, 1], strides = [1, 1]} : vector<2000x16xf32> to vector<2000x1xf32>
    %add3A = arith.addf %slice3A, %slice3A_9 : vector<2000x1xf32>
    %max3A = arith.constant 1.000000e+00 : f32
    %max3A_10 = vector.broadcast %max3A : f32 to vector<2000x1xf32>
    %max3A_11 = arith.maximumf %add3A, %max3A_10 : vector<2000x1xf32>
    %get3A_12 = arith.constant 0 : index
    %get3A_13 = arith.constant 0 : index
    %get3A_14 = arith.constant 0 : index
    %get3A_15 = vector.load %arg1[%get3A_12, %get3A_13, %get3A_14] : memref<1x2000x32xf32, #tpu.memory_space<vmem>>, vector<1x2000x32xf32>
    %get3A_16 = vector.shape_cast %get3A_15 : vector<1x2000x32xf32> to vector<2000x32xf32>
    %get3A_17 = arith.constant 0 : index
    %get3A_18 = arith.constant 0 : index
    %get3A_19 = arith.constant 0 : index
    %get3A_20 = vector.load %arg2[%get3A_17, %get3A_18, %get3A_19] : memref<1x2000x32xf32, #tpu.memory_space<vmem>>, vector<1x2000x32xf32>
    %get3A_21 = vector.shape_cast %get3A_20 : vector<1x2000x32xf32> to vector<2000x32xf32>
    %add3A_22 = arith.addf %get3A_16, %get3A_21 : vector<2000x32xf32>
    %div3A = vector.broadcast %max3A_11 : vector<2000x1xf32> to vector<2000x32xf32>
    %div3A_23 = arith.divf %add3A_22, %div3A : vector<2000x32xf32>
    %get3A_24 = arith.constant 0 : index
    %get3A_25 = arith.constant 0 : index
    %get3A_26 = vector.load %arg5[%get3A_24, %get3A_25] : memref<2000x32xf32, #tpu.memory_space<vmem>>, vector<2000x32xf32>
    %add3A_27 = arith.addf %div3A_23, %get3A_26 : vector<2000x32xf32>
    %max3A_28 = arith.constant 0.000000e+00 : f32
    %max3A_29 = vector.broadcast %max3A_28 : f32 to vector<2000x32xf32>
    %max3A_30 = arith.maximumf %add3A_27, %max3A_29 : vector<2000x32xf32>
    %get3A_31 = arith.constant 0 : index
    %get3A_32 = arith.constant 0 : index
    %get3A_33 = vector.load %arg6[%get3A_31, %get3A_32] : memref<32x16xf32, #tpu.memory_space<vmem>>, vector<32x16xf32>
    %dot_general3A = arith.constant dense<0.000000e+00> : vector<2000x16xf32>
    %dot_general3A_34 = tpu.matmul %max3A_30, %get3A_33, %dot_general3A {dimension_numbers = #tpu.dot_dimension_numbers<[1], [0], [0], [1], [0, 0, 1, 1], [], []>, transpose_lhs_hint = false} : vector<2000x32xf32>, vector<32x16xf32>, vector<2000x16xf32> -> vector<2000x16xf32>
    %get3A_35 = arith.constant 0 : index
    %get3A_36 = arith.constant 0 : index
    %get3A_37 = vector.load %arg7[%get3A_35, %get3A_36] : memref<8x16xf32, #tpu.memory_space<vmem>>, vector<1x16xf32>
    %add3A_38 = vector.broadcast %get3A_37 : vector<1x16xf32> to vector<2000x16xf32>
    %add3A_39 = arith.addf %dot_general3A_34, %add3A_38 : vector<2000x16xf32>
    %max3A_40 = arith.constant 0.000000e+00 : f32
    %max3A_41 = vector.broadcast %max3A_40 : f32 to vector<2000x16xf32>
    %max3A_42 = arith.maximumf %add3A_39, %max3A_41 : vector<2000x16xf32>
    %get3A_43 = arith.constant 0 : index
    %get3A_44 = arith.constant 0 : index
    %get3A_45 = vector.load %arg8[%get3A_43, %get3A_44] : memref<16x2xf32, #tpu.memory_space<vmem>>, vector<16x2xf32>
    %dot_general3A_46 = arith.constant dense<0.000000e+00> : vector<2000x2xf32>
    %dot_general3A_47 = tpu.matmul %max3A_42, %get3A_45, %dot_general3A_46 {dimension_numbers = #tpu.dot_dimension_numbers<[1], [0], [0], [1], [0, 0, 1, 1], [], []>, transpose_lhs_hint = false} : vector<2000x16xf32>, vector<16x2xf32>, vector<2000x2xf32> -> vector<2000x2xf32>
    %get3A_48 = arith.constant 0 : index
    %get3A_49 = arith.constant 0 : index
    %get3A_50 = vector.load %arg9[%get3A_48, %get3A_49] : memref<8x2xf32, #tpu.memory_space<vmem>>, vector<1x2xf32>
    %add3A_51 = vector.broadcast %get3A_50 : vector<1x2xf32> to vector<2000x2xf32>
    %add3A_52 = arith.addf %dot_general3A_47, %add3A_51 : vector<2000x2xf32>
    %swap3A = arith.constant 0 : index
    %swap3A_53 = arith.constant 0 : index
    %swap3A_54 = vector.load %arg10[%swap3A, %swap3A_53] : memref<2000x2xf32, #tpu.memory_space<vmem>>, vector<2000x2xf32>
    tpu.vector_store %arg10[%swap3A, %swap3A_53], %add3A_52 {strides = array<i32>} : memref<2000x2xf32, #tpu.memory_space<vmem>>, vector<2000x2xf32>,
    return
  }
  func.func @transform_0(%arg0: i32) -> (i32, i32, i32) {
    %c0_i32 = arith.constant 0 : i32
    %c0_i32_0 = arith.constant 0 : i32
    %c0_i32_1 = arith.constant 0 : i32
    return %c0_i32, %arg0, %c0_i32_0 : i32, i32, i32
  }
  func.func @transform_1(%arg0: i32) -> (i32, i32, i32) {
    %c1_i32 = arith.constant 1 : i32
    %c0_i32 = arith.constant 0 : i32
    %c0_i32_0 = arith.constant 0 : i32
    return %c1_i32, %arg0, %c0_i32 : i32, i32, i32
  }
  func.func @transform_2(%arg0: i32) -> (i32, i32, i32) {
    %c0_i32 = arith.constant 0 : i32
    %c0_i32_0 = arith.constant 0 : i32
    %c0_i32_1 = arith.constant 0 : i32
    return %c0_i32, %arg0, %c0_i32_0 : i32, i32, i32
  }
  func.func @transform_3(%arg0: i32) -> (i32, i32, i32) {
    %c1_i32 = arith.constant 1 : i32
    %c0_i32 = arith.constant 0 : i32
    %c0_i32_0 = arith.constant 0 : i32
    return %c1_i32, %arg0, %c0_i32 : i32, i32, i32
  }
  func.func @transform_4(%arg0: i32) -> (i32, i32) {
    %c0_i32 = arith.constant 0 : i32
    %c0_i32_0 = arith.constant 0 : i32
    return %arg0, %c0_i32 : i32, i32
  }
  func.func @transform_5(%arg0: i32) -> (i32, i32) {
    %c0_i32 = arith.constant 0 : i32
    %c0_i32_0 = arith.constant 0 : i32
    %c0_i32_1 = arith.constant 0 : i32
    return %c0_i32, %c0_i32_0 : i32, i32
  }
  func.func @transform_6(%arg0: i32) -> (i32, i32) {
    %c0_i32 = arith.constant 0 : i32
    %c0_i32_0 = arith.constant 0 : i32
    %c0_i32_1 = arith.constant 0 : i32
    return %c0_i32, %c0_i32_0 : i32, i32
  }
  func.func @transform_7(%arg0: i32) -> (i32, i32) {
    %c0_i32 = arith.constant 0 : i32
    %c0_i32_0 = arith.constant 0 : i32
    %c0_i32_1 = arith.constant 0 : i32
    return %c0_i32, %c0_i32_0 : i32, i32
  }
  func.func @transform_8(%arg0: i32) -> (i32, i32) {
    %c0_i32 = arith.constant 0 : i32
    %c0_i32_0 = arith.constant 0 : i32
    %c0_i32_1 = arith.constant 0 : i32
    return %c0_i32, %c0_i32_0 : i32, i32
  }
  func.func @transform_9(%arg0: i32) -> (i32, i32) {
    %c0_i32 = arith.constant 0 : i32
    %c0_i32_0 = arith.constant 0 : i32
    return %arg0, %c0_i32 : i32, i32
  }
}

</mosaic_0001>

<sc_bundles>
// kernel: kernel.10.cloned.1.call-start
scs
__scs_entry_jumppad:
0x0: {  	(pc) =	sbr.rel $0x88, $3  }
0x1: {  	(tag) =	ssettag $0x0;
	lr =	simm.s32 $0x1  }
0x2: {  	[smem:$0x3F95] =	sst lr;
	_ =	strace $0xD0000000  }
0x3: {  	_ = 	snop  }
0x4: {  	_ = 	snop  }
0x5: {  	_ = 	snop  }
0x6: {  	_ = 	snop  }
0x7: {  	_ = 	snop  }
__scs_overlays_trampoline_lowered:
0x8: {  	[smem:$0x3FA4] =	sst s0  }
0x9: {  	[smem:$0x3FA5] =	sst s1  }
0xa: {  	[smem:$0x3FA6] =	sst s2  }
0xb: {  	[smem:$0x3FA7] =	sst s3  }
0xc: {  	[smem:$0x3FA8] =	sst s4  }
0xd: {  	[smem:$0x3FA9] =	sst s5  }
0xe: {  	[smem:$0x3FAA] =	sst s6  }
0xf: {  	[smem:$0x3FAB] =	sst s7  }
0x10: {  	[smem:$0x3FAC] =	sst s8  }
0x11: {  	[smem:$0x3FAD] =	sst s9;
	s0 =	simm.s32 @!p0 $0x0  }
0x12: {  	s1 =	sld [smem:$0x3F93];
	s0 =	simm.s32 @p0 $0x1  }
0x13: {  	[smem:$0x3FAE] =	sst s0;
	s0 =	simm.s32 @!p1 $0x0  }
0x14: {  	s2 =	sld [smem:$0x3F92];
	s0 =	simm.s32 @p1 $0x1  }
0x15: {  	[smem:$0x3FAF] =	sst s0;
	s0 =	simm.s32 @!p2 $0x0  }
0x16: {  	s3 =	sld [smem:$0x3FDB];
	s0 =	simm.s32 @p2 $0x1  }
0x17: {  	s4 =	simm.s32 $0x1BF5;
	[smem:$0x3FB1] =	sst s0  }
0x18: {  	s0 =	sld [smem:$0x3F94];
	_ =	swait.ge [sflag:s4], $0x0  }
0x19: {  	s7 =	sld [smem:$0x3F95]  }
0x1a: {  	s8 =	sadd.s32 $0xFFFFE003, lr  }
0x1b: {  	s9 =	sadd.s32 $0xFFFFFEF7, lr;
	s5 =	simm.s32 $0xFFFFFFFF;
	p2 =	slt.u32 s8, $0xFFFFF086  }
0x1c: {  	p1 =	slt.u32 s9, $0xF7A;
	s5 =	simm.s32 @!p2 $0x0  }
0x1d: {  	s5 =	simm.s32 @p1 $0x1;
	p0 =	seq.s32 s7, s2  }
0x1e: {  	s7 =	smul.u32 @!p0 $0xF7A, s2;
	p2 =	seq.s32 @!p0 s5, $0x0  }
0x1f: {  	s9 =	smul.u32 $0xF7A, s1;
	s8 =	simm.s32 @!p0 $0x1BF5;
	p2 =	por !p2, p0  }
0x20: {  	[sflag:s8] =	ssyncset.s32 @!p0 $0xFFFFF086;
	s6 =	sadd.s32 @!p0 s3, s7;
	s7 =	simm.s32 @!p0 $0x108  }
0x21: {  	s3 =	sadd.s32 s3, s9;
	s6 =	sadd.s32 @!p0 $0x88, s6;
	s7 =	simm.s32 @p2 $0x1082  }
0x22: {  	[simem:s7], [sflag:s8] =	dma.local @!p0 [hbm:s6], $0xF7A  }
0x23: {  	s9 =	sor.u32 $0xD0000000, s2;
	s6 =	simm.s32 $0x108;
	_ =	swait.ge @!p0 [sflag:s8], $0x0  }
0x24: {  	s3 =	sadd.s32 $0x88, s3;
	s6 =	simm.s32 @!p1 $0x1082;
	[sflag:s4] =	ssyncset.s32 $0xFFFFF086  }
0x25: {  	[simem:s6], [sflag:s4] =	dma.local [hbm:s3], $0xF7A  }
0x26: {  	[smem:$0x3F95] =	sst s1;
	(tag) =	ssettag s2;
	_ =	strace s9  }
0x27: {  	s1 =	sld [smem:$0x3FA5]  }
0x28: {  	s2 =	sld [smem:$0x3FA6]  }
0x29: {  	s4 =	sld [smem:$0x3FA8]  }
0x2a: {  	p0 =	seq.s32 s5, $0x0;
	s5 =	sld [smem:$0x3FA9]  }
0x2b: {  	s6 =	sld [smem:$0x3FAA]  }
0x2c: {  	s7 =	sld [smem:$0x3FAB]  }
0x2d: {  	s3 =	simm.s32 $0x108;
	s8 =	sld [smem:$0x3FAC]  }
0x2e: {  	s3 =	simm.s32 @!p0 $0x1082;
	s9 =	sld [smem:$0x3FAD]  }
0x2f: {  	lr =	sadd.s32 s0, s3;
	s0 =	sld [smem:$0x3FA4]  }
0x30: {  	s3 =	sld [smem:$0x3FA7]  }
0x31: {  	[smem:$0x3FB0] =	sst s10  }
0x32: {  	s10 =	sld [smem:$0x3FAE];
	_ =	sdelay $0x3  }
0x33: {  	p0 =	seq.s32 s10, $0x1;
	s10 =	sld [smem:$0x3FB0];
	_ =	sdelay $0x3  }
0x34: {  	[smem:$0x3FB0] =	sst s10  }
0x35: {  	s10 =	sld [smem:$0x3FAF];
	_ =	sdelay $0x3  }
0x36: {  	p1 =	seq.s32 s10, $0x1;
	s10 =	sld [smem:$0x3FB0];
	_ =	sdelay $0x3  }
0x37: {  	[smem:$0x3FB0] =	sst s10  }
0x38: {  	s10 =	sld [smem:$0x3FB1]  }
0x39: {  	_ = 	snop;
	(pc) =	sbr.ind lr, $3  }
0x3a: {  	_ = 	snop  }
0x3b: {  	_ = 	snop  }
0x3c: {  	p2 =	seq.s32 s10, $0x1;
	s10 =	sld [smem:$0x3FB0]  }
0x3d: {  	_ =	shalt  }
0x3e: {  	_ =	shalt  }
0x3f: {  	_ =	shalt  }
0x40: {  	_ =	shalt  }
0x41: {  	_ =	shalt  }
0x42: {  	_ =	shalt  }
0x43: {  	_ =	shalt  }
0x44: {  	_ =	shalt  }
0x45: {  	_ =	shalt  }
0x46: {  	_ =	shalt  }
0x47: {  	_ =	shalt  }
0x48: {  	_ =	shalt  }
0x49: {  	_ =	shalt  }
0x4a: {  	_ =	shalt  }
0x4b: {  	_ =	shalt  }
0x4c: {  	_ =	shalt  }
0x4d: {  	_ =	shalt  }
0x4e: {  	_ =	shalt  }
0x4f: {  	_ =	shalt  }
0x50: {  	_ =	shalt  }
0x51: {  	_ =	shalt  }
0x52: {  	_ =	shalt  }
0x53: {  	_ =	shalt  }
0x54: {  	_ =	shalt  }
0x55: {  	_ =	shalt  }
0x56: {  	_ =	shalt  }
0x57: {  	_ =	shalt  }
0x58: {  	_ =	shalt  }
0x59: {  	_ =	shalt  }
0x5a: {  	_ =	shalt  }
0x5b: {  	_ =	shalt  }
0x5c: {  	_ =	shalt  }
0x5d: {  	_ =	shalt  }
0x5e: {  	_ =	shalt  }
0x5f: {  	_ =	shalt  }
0x60: {  	_ =	shalt  }
0x61: {  	_ =	shalt  }
0x62: {  	_ =	shalt  }
0x63: {  	_ =	shalt  }
0x64: {  	_ =	shalt  }
0x65: {  	_ =	shalt  }
0x66: {  	_ =	shalt  }
0x67: {  	_ =	shalt  }
0x68: {  	_ =	shalt  }
0x69: {  	_ =	shalt  }
0x6a: {  	_ =	shalt  }
0x6b: {  	_ =	shalt  }
0x6c: {  	_ =	shalt  }
0x6d: {  	_ =	shalt  }
0x6e: {  	_ =	shalt  }
0x6f: {  	_ =	shalt  }
0x70: {  	_ =	shalt  }
0x71: {  	_ =	shalt  }
0x72: {  	_ =	shalt  }
0x73: {  	_ =	shalt  }
0x74: {  	_ =	shalt  }
0x75: {  	_ =	shalt  }
0x76: {  	_ =	shalt  }
0x77: {  	_ =	shalt  }
0x78: {  	_ =	shalt  }
0x79: {  	_ =	shalt  }
0x7a: {  	_ =	shalt  }
0x7b: {  	_ =	shalt  }
0x7c: {  	_ =	shalt  }
0x7d: {  	_ =	shalt  }
0x7e: {  	_ =	shalt  }
0x7f: {  	_ =	shalt  }
0x80: {  	_ =	shalt  }
0x81: {  	_ =	shalt  }
0x82: {  	_ =	shalt  }
0x83: {  	_ =	shalt  }
0x84: {  	_ =	shalt  }
0x85: {  	_ =	shalt  }
0x86: {  	_ =	shalt  }
0x87: {  	_ =	shalt  }
.Lfunc_end0:
.L_simem_size_0:
called_computation.1_lowered:
.L_overlay_start_0:
0x88: {  	s2 =	sld [smem:$0x3FD9]  }
0x89: {  	s3 =	sld [smem:$0x3FFE];
	_ =	sdelay $0x1  }
0x8a: {  	s1 =	srdreg.scid  }
0x8b: {  	s0 =	sand.u32 $0x1, s1  }
0x8c: {  	s16 =	sshll.u32 s0, $0xA;
	s2 =	sadd.s32 s3, s2  }
0x8d: {  	s2 =	sadd.s32 s2, s16  }
0x8e: {  	[smem:$0x3FBC] =	sst s2  }
0x8f: {  	_ = 	snop  }
0x90: {  	(tm) =	ssettm $0x1  }
0x91: {  	s17 =	sld [smem:$0x3FFB];
	_ =	sdelay $0x3  }
0x92: {  	_ =	strace s17  }
0x93: {  	s2 =	sld [smem:$0x3FFC];
	_ =	sdelay $0x3  }
0x94: {  	_ =	strace s2  }
0x95: {  	s2 =	sld [smem:$0x3FFD];
	_ =	sdelay $0x3  }
0x96: {  	_ =	strace s2  }
0x97: {  	_ =	strace $0x8FFFFFFF  }
0x98: {  	s18 =	sld [smem:$0x3FDB];
	_ =	sdelay $0x1  }
0x99: {  	s19 =	simm.s32 $_scs_section_size  }
0x9a: {  	s4 =	simm.s32 $_size__tile_overlayer_lowered;
	s5 =	simm.s32 $_tile_overlayer_lowered  }
0x9b: {  	s22 =	simm.s32 $0x1BFF;
	s21 =	sshll.u32 s5, $0x1;
	s2 =	sadd.s32 s19, s18  }
0x9c: {  	s6 =	simm.s32 $0x0;
	s20 =	sshll.u32 s4, $0x1;
	s4 =	sadd.s32 s21, s2  }
0x9d: {  	[timem:s6], [sflag:s22] =	dma.local [hbm:s4], s20  }
0x9e: {  	_ =	swait.ge [sflag:s22], s20  }
0x9f: {  	s3 =	ssub.s32 $0x0, s20;
	[sflag:s22] =	ssyncset.done $0x0  }
0xa0: {  	[sflag:s22] =	ssyncadd.s32 s3;
	_ =	sdelay $0x1  }
0xa1: {  	s23 =	simm.s32 $0x1B8B  }
0xa2: {  	_ =	swait.ge [sflag:s23], $0x1  }
0xa3: {  	[sflag:s23] =	ssyncset.done $0x0  }
0xa4: {  	s25 =	simm.s32 $0x1B8E;
	s24 =	sld [smem:$0x3FFE];
	[sflag:s23] =	ssyncadd.s32 $0xFFFFFFFF  }
0xa5: {  	s26 =	simm.s32 $execute0_lowered;
	[smem:$0x3FD2] =	sst s25  }
0xa6: {  	s4 =	sshll.u32 s26, $0x1;
	_ =	strace $0x80000049;
	[dreg:$0x1] =	wrdreg $0xFFFFFFFF  }
0xa7: {  	s28 =	simm.s32 $_size_execute0_lowered;
	s2 =	sadd.s32 s2, s4;
	[dreg:$0x0] =	wrdreg $0x0  }
0xa8: {  	s4 =	sshll.u32 s28, $0x1;
	[dreg:$0x2] =	wrdreg s2  }
0xa9: {  	[dreg:$0x3] =	wrdreg s4  }
0xaa: {  	[dreg:$0x4] =	wrdreg $0xC0  }
0xab: {  	_ =	task [dreg:s6], $0x5FFFF  }
0xac: {  	[dreg:$0x1] =	wrdreg $0xFFFFFFFF  }
0xad: {  	[dreg:$0x0] =	wrdreg $0x60  }
0xae: {  	[dreg:$0x2] =	wrdreg s24  }
0xaf: {  	[dreg:$0x3] =	wrdreg $0x91000  }
0xb0: {  	[dreg:$0x4] =	wrdreg $0x9  }
0xb1: {  	_ =	task.clear_ibuf [dreg:s6], $0x5FFFF;
	_ =	strace $0x90000049  }
0xb2: {  	s29 =	simm.s32 $0x9;
	_ =	strace $0x8000004B  }
0xb3: {  	_ =	swait.ge [sflag:s29], $0x1  }
0xb4: {  	[sflag:s29] =	ssyncadd.s32 $0xFFFFFFFF  }
0xb5: {  	_ =	strace $0x9000004B  }
0xb6: {  	_ =	sfence  }
0xb7: {  	s30 =	sld [smem:$0x0];
	_ =	sdelay $0x2  }
0xb8: {  	s31 =	sshll.u32 s1, $0xD;
	s1 =	sshrl.u32 s1, $0x2  }
0xb9: {  	s3 =	sand.u32 $0x4000, s31;
	s1 =	sadd.s32 s1, s30  }
0xba: {  	s0 =	sor.u32 s3, s0;
	s1 =	sshll.u32 s1, $0x11  }
0xbb: {  	s0 =	sor.u32 s1, s0  }
0xbc: {  	s0 =	sadd.s32 $0x8F2B, s0  }
0xbd: {  	[sflag:s0] =	ssyncadd.remote.s32 $0x1  }
0xbe: {  	_ =	sfence.sel $0xFFFF  }
0xbf: {  	[dreg:$0x0] =	wrdreg $0xFFFFFFFF;
	(pc) =	sbr.abs _section_cstart, $3  }
0xc0: {  	[dreg:$0x1] =	wrdreg $0xFFFFFFFF  }
0xc1: {  	_ =	task.clear_ibuf [dreg:s6], $0x2FFFF;
	_ =	strace $0x9FFFFFFF  }
0xc2: {  	(tm) =	ssettm $0x7FFFFFFF  }
0xc3: {  	_ =	shalt  }
tec
execute0_lowered:
.L_overlay_start_1:
0x0: {  	(tag) =	ssettag $0x1  }
0x1: {  	s0 =	rddreg [dreg:$0x0]  }
0x2: {  	s2 =	rddreg [dreg:$0x1]  }
0x3: {  	s13 =	stileid.u32;
	s1 =	srdreg.scid  }
0x4: {  	s3 =	simm.s32 $0x0;
	s16 =	simm.s32 $0x6;
	s18 =	simm.s32 $0x80  }
0x5: {  	s28 =	simm.s32 $0x1;
	s29 =	simm.s32 $0x2;
	s6 =	smul.u32 $0x4E40, s13  }
0x6: {  	s30 =	simm.s32 $0x3;
	s31 =	simm.s32 $0x4;
	s9 =	smul.u32 $0xF, s13  }
0x7: {  	s1 =	sand.u32 $0x1, s1;
	[smem:$0x7FF] =	sst s3;
	s10 =	smul.u32 $0x91, s13  }
0x8: {  	s4 =	sadd.s32 $0x1E00, s0;
	s8 =	sadd.s32 $0x20200, s0;
	s21 =	smul.u32 $0x4880, s13  }
0x9: {  	s11 =	sadd.s32 $0x15800, s0;
	s20 =	sshll.u32 s13, $0x6;
	s5 =	smul.u32 $0x4E400, s1  }
0xa: {  	_ =	strace $0x8000004A;
	s19 =	ssub.s32 $0x2, s1;
	p0 =	seq.s32 s1, $0x0  }
0xb: {  	s7 =	sshrl.u32 s6, $0x3;
	s12 =	sshrl.u32 s19, $0x1;
	s9 =	sadd.s32 $0x910, s9  }
0xc: {  	s22 =	sshrl.u32 s21, $0x3;
	s5 =	sadd.s32 s6, s5;
	s7 =	sadd.s32 s7, s0  }
0xd: {  	s14 =	ssub.s32 s19, s12;
	s9 =	smov.u32 @p0 s10;
	s6 =	sadd.s32 s6, s2  }
0xe: {  	s25 =	sadd.s32 $0xF0, s22;
	s19 =	simm.s32 $0xDF40;
	s22 =	simm.s32 $0xFF40  }
0xf: {  	s5 =	sshrl.u32 s5, $0x3;
	s7 =	sadd.s32 $0x2AC00, s7;
	s9 =	sshll.u32 s9, $0x4  }
0x10: {  	s26 =	sadd.s32 s11, s25;
	s14 =	smax.u32 s14, $0x1;
	s15 =	sshrl.u32 s6, $0x3  }
0x11: {  	s0 =	sadd.s32 s5, s0;
	s5 =	simm.s32 $0x91;
	[dreg:$0x3] =	wrdreg s7  }
0x12: {  	s7 =	sor.u32 $0x1C06, s20;
	s24 =	sadd.s32 s8, s9;
	[dreg:$0x7] =	wrdreg s26  }
0x13: {  	s9 =	sadd.s32 s11, s9;
	s8 =	sadd.s32 s8, s25;
	[dreg:$0x4] =	wrdreg s24  }
0x14: {  	s20 =	simm.s32 $0xEF40;
	s5 =	simm.s32 @!p0 $0xF;
	[dreg:$0x5] =	wrdreg s9  }
0x15: {  	s26 =	simm.s32 $0x11F40;
	[dreg:$0x6] =	wrdreg s8;
	s23 =	smul.u32 $0xCD, s5  }
0x16: {  	s13 =	sadd.s32 $0x34A00, s0;
	p0 =	sne.s32 s1, $0x0;
	s24 =	simm.s32 $0x10F40  }
0x17: {  	s0 =	simm.s32 $0x5;
	s1 =	simm.s32 $0x0;
	s12 =	sshrl.u32 s23, $0xA  }
.LBB2_1:
0x18: {  	s6 =	rddreg [dreg:$0x3]  }
0x19: {  	[spmem:s15], [sflag:s7] =	dma.local [hbm:s6], $0x9C8  }
0x1a: {  	_ =	swait.ge [sflag:s16], $0x9C8  }
0x1b: {  	[sflag:s16] =	ssyncset.done $0x0  }
0x1c: {  	s23 =	rddreg [dreg:$0x4];
	[sflag:s16] =	ssyncadd.s32 $0xFFFFF638  }
0x1d: {  	[tilespmem:s3], [sflag:$0x6] =	stream.linear.gather [hbm4b:s23+s3], $0x780, $0x38;
	[tilespmem:$0x12F40] =	vst v63  }
0x1e: {  	_ =	swait.ge [sflag:s16], $0x780  }
0x1f: {  	[sflag:s16] =	ssyncset.done $0x0  }
0x20: {  	s8 =	simm.s32 $0x4880;
	s25 =	rddreg [dreg:$0x5];
	[sflag:s16] =	ssyncadd.s32 $0xFFFFF880  }
0x21: {  	[tilespmem:s8], [sflag:$0x6] =	stream.linear.gather [hbm4b:s25+s3], $0x780, $0x38;
	[tilespmem:$0x12F40] =	vst v63  }
0x22: {  	_ =	swait.ge [sflag:s16], $0x780  }
0x23: {  	s6 =	simm.s32 @!p0 $0x0;
	[sflag:s16] =	ssyncset.done $0x0  }
0x24: {  	s8 =	simm.s32 @!p0 $0x780;
	s9 =	rddreg [dreg:$0x6];
	[sflag:s16] =	ssyncadd.s32 $0xFFFFF880  }
0x25: {  	[tilespmem:s8], [sflag:$0x6] =	stream.linear.gather @!p0 [hbm4b:s9+s6], $0x4100, $0x38;
	[tilespmem:$0x12F40] =	vst v63  }
0x26: {  	s8 =	simm.s32 @!p0 $0x6  }
0x27: {  	_ =	swait.ge @!p0 [sflag:s8], $0x4100  }
0x28: {  	[sflag:s8] =	ssyncset.done @!p0 $0x0  }
0x29: {  	s17 =	simm.s32 @!p0 $0x5000;
	s9 =	rddreg [dreg:$0x7];
	[sflag:s8] =	ssyncadd.s32 @!p0 $0xFFFFBF00  }
0x2a: {  	[tilespmem:s17], [sflag:$0x6] =	stream.linear.gather @!p0 [hbm4b:s9+s6], $0x4100, $0x38;
	[tilespmem:$0x12F40] =	vst v63  }
0x2b: {  	_ =	swait.ge @!p0 [sflag:s8], $0x4100  }
0x2c: {  	[sflag:s8] =	ssyncset.done @!p0 $0x0  }
0x2d: {  	[sflag:s8] =	ssyncadd.s32 @!p0 $0xFFFFBF00  }
0x2e: {  	[bflag:$0x0] =	sbarrier.arrive $0xFFFF  }
0x2f: {  	[tilespmem:s19], [sflag:$0x1] =	stream.indirect.gather [hbm4b:s4+s18], $0x20, s3, s18, $0xb8;
	[tilespmem:$0x12F40] =	vst v63  }
0x30: {  	_ = 	snop  }
0x31: {  	[tilespmem:s20], [sflag:$0x2] =	stream.indirect.gather [hbm4b:s4+s18], $0x20, s18, s18, $0xb8;
	[tilespmem:$0x12F40] =	vst v63  }
0x32: {  	s8 =	simm.s32 $0x100  }
0x33: {  	[tilespmem:s22], [sflag:$0x3] =	stream.indirect.gather [hbm4b:s4+s18], $0x20, s8, s18, $0xb8;
	[tilespmem:$0x12F40] =	vst v63  }
0x34: {  	s9 =	simm.s32 $0x180  }
0x35: {  	[tilespmem:s24], [sflag:$0x4] =	stream.indirect.gather [hbm4b:s4+s18], $0x20, s9, s18, $0xb8;
	[tilespmem:$0x12F40] =	vst v63  }
0x36: {  	s10 =	simm.s32 $0x200  }
0x37: {  	[tilespmem:s26], [sflag:$0x5] =	stream.indirect.gather [hbm4b:s4+s18], $0x20, s10, s18, $0xb8;
	[tilespmem:$0x12F40] =	vst v63  }
0x38: {  	_ =	swait.ge [sflag:s28], $0x1000  }
0x39: {  	[sflag:s28] =	ssyncset.done $0x0  }
0x3a: {  	s11 =	simm.s32 $0x4880;
	[sflag:s28] =	ssyncadd.s32 $0xFFFFF000  }
0x3b: {  	[spmem:s2] =	stream.indirect.scatter.add.f32 [tilespmem:s19], [sflag:$0x6], $0x20, s11, s18, $0xb8;
	[tilespmem:$0x12F40] =	vst v63  }
0x3c: {  	p1 =	sle.u32 s5, $0x5;
	_ =	swait.ge [sflag:s16], $0x1000  }
0x3d: {  	s6 =	simm.s32 @!p1 $0xDF40;
	[sflag:s16] =	ssyncset.done $0x0  }
0x3e: {  	s17 =	simm.s32 @!p1 $0x80;
	s8 =	simm.s32 @!p1 $0x280;
	[sflag:s16] =	ssyncadd.s32 $0xFFFFF000  }
0x3f: {  	[tilespmem:s6], [sflag:$0x1] =	stream.indirect.gather @!p1 [hbm4b:s4+s17], $0x20, s8, s17, $0xb8;
	[tilespmem:$0x12F40] =	vst v63  }
0x40: {  	_ =	swait.ge [sflag:s29], $0x1000  }
0x41: {  	[sflag:s29] =	ssyncset.done $0x0  }
0x42: {  	s17 =	simm.s32 $0x4900;
	[sflag:s29] =	ssyncadd.s32 $0xFFFFF000  }
0x43: {  	[spmem:s2] =	stream.indirect.scatter.add.f32 [tilespmem:s20], [sflag:$0x6], $0x20, s17, s18, $0xb8;
	[tilespmem:$0x12F40] =	vst v63  }
0x44: {  	p1 =	sle.u32 s5, $0x6;
	_ =	swait.ge [sflag:s16], $0x1000  }
0x45: {  	s6 =	simm.s32 @!p1 $0xEF40;
	[sflag:s16] =	ssyncset.done $0x0  }
0x46: {  	s8 =	simm.s32 @!p1 $0x300;
	s17 =	simm.s32 @!p1 $0x80;
	[sflag:s16] =	ssyncadd.s32 $0xFFFFF000  }
0x47: {  	[tilespmem:s6], [sflag:$0x2] =	stream.indirect.gather @!p1 [hbm4b:s4+s17], $0x20, s8, s17, $0xb8;
	[tilespmem:$0x12F40] =	vst v63  }
0x48: {  	_ =	swait.ge [sflag:s30], $0x1000  }
0x49: {  	[sflag:s30] =	ssyncset.done $0x0  }
0x4a: {  	s21 =	simm.s32 $0x4980;
	[sflag:s30] =	ssyncadd.s32 $0xFFFFF000  }
0x4b: {  	[spmem:s2] =	stream.indirect.scatter.add.f32 [tilespmem:s22], [sflag:$0x6], $0x20, s21, s18, $0xb8;
	[tilespmem:$0x12F40] =	vst v63  }
0x4c: {  	p1 =	sle.u32 s5, $0x7;
	_ =	swait.ge [sflag:s16], $0x1000  }
0x4d: {  	s6 =	simm.s32 @!p1 $0xFF40;
	[sflag:s16] =	ssyncset.done $0x0  }
0x4e: {  	s8 =	simm.s32 @!p1 $0x380;
	s17 =	simm.s32 @!p1 $0x80;
	[sflag:s16] =	ssyncadd.s32 $0xFFFFF000  }
0x4f: {  	[tilespmem:s6], [sflag:$0x3] =	stream.indirect.gather @!p1 [hbm4b:s4+s17], $0x20, s8, s17, $0xb8;
	[tilespmem:$0x12F40] =	vst v63  }
0x50: {  	_ =	swait.ge [sflag:s31], $0x1000  }
0x51: {  	[sflag:s31] =	ssyncset.done $0x0  }
0x52: {  	s23 =	simm.s32 $0x4A00;
	[sflag:s31] =	ssyncadd.s32 $0xFFFFF000  }
0x53: {  	[spmem:s2] =	stream.indirect.scatter.add.f32 [tilespmem:s24], [sflag:$0x6], $0x20, s23, s18, $0xb8;
	[tilespmem:$0x12F40] =	vst v63  }
0x54: {  	p1 =	sle.u32 s5, $0x8;
	_ =	swait.ge [sflag:s16], $0x1000  }
0x55: {  	s6 =	simm.s32 @!p1 $0x10F40;
	[sflag:s16] =	ssyncset.done $0x0  }
0x56: {  	s8 =	simm.s32 @!p1 $0x400;
	s17 =	simm.s32 @!p1 $0x80;
	[sflag:s16] =	ssyncadd.s32 $0xFFFFF000  }
0x57: {  	[tilespmem:s6], [sflag:$0x4] =	stream.indirect.gather @!p1 [hbm4b:s4+s17], $0x20, s8, s17, $0xb8;
	[tilespmem:$0x12F40] =	vst v63  }
0x58: {  	s17 =	sadd.s32 $0xFFFFFFFF, s12;
	_ =	swait.ge [sflag:s0], $0x1000  }
0x59: {  	p1 =	sne.s32 s17, $0x0;
	[sflag:s0] =	ssyncset.done $0x0  }
.Ltmp0:
0x5a: {  	s25 =	simm.s32 $0x4A80;
	[sflag:s0] =	ssyncadd.s32 $0xFFFFF000;
	(pc) =	sbr.rel @!p1 .LBB2_3-.Ltmp0, $4  }
0x5b: {  	[spmem:s2] =	stream.indirect.scatter.add.f32 [tilespmem:s26], [sflag:$0x6], $0x20, s25, s18, $0xb8;
	[tilespmem:$0x12F40] =	vst v63  }
0x5c: {  	p2 =	sle.u32 s5, $0x9;
	s21 =	simm.s32 $0xE;
	_ =	swait.ge [sflag:s16], $0x1000  }
0x5d: {  	s23 =	simm.s32 $0xA00;
	s6 =	simm.s32 @!p2 $0x11F40;
	[sflag:s16] =	ssyncset.done $0x0  }
0x5e: {  	s8 =	simm.s32 @!p2 $0x480;
	s25 =	simm.s32 @!p2 $0x80;
	[sflag:s16] =	ssyncadd.s32 $0xFFFFF000  }
.LBB2_2:
0x5f: {  	[tilespmem:s6], [sflag:$0x5] =	stream.indirect.gather @!p2 [hbm4b:s4+s25], $0x20, s8, s25, $0xb8;
	[tilespmem:$0x12F40] =	vst v63  }
0x60: {  	s17 =	sadd.s32 $0xFFFFFFFF, s17;
	s25 =	smov.u32 s21;
	_ =	swait.ge [sflag:s28], $0x1000  }
0x61: {  	s6 =	sshra.s32 s23, $0x2;
	p1 =	sne.s32 s17, $0x0;
	[sflag:s28] =	ssyncset.done $0x0  }
0x62: {  	s9 =	sadd.s32 $0xFFFFFFFC, s21;
	s8 =	sadd.s32 $0x4880, s6;
	[sflag:s28] =	ssyncadd.s32 $0xFFFFF000  }
0x63: {  	[spmem:s2] =	stream.indirect.scatter.add.f32 [tilespmem:s19], [sflag:$0x6], $0x20, s8, s18, $0xb8;
	[tilespmem:$0x12F40] =	vst v63  }
0x64: {  	p2 =	sge.u32 s9, s5;
	s8 =	smov.u32 s23;
	_ =	swait.ge [sflag:s16], $0x1000  }
0x65: {  	s9 =	sshra.s32 @!p2 s23, $0x2;
	s10 =	simm.s32 @!p2 $0xDF40;
	[sflag:s16] =	ssyncset.done $0x0  }
0x66: {  	s11 =	simm.s32 @!p2 $0x80;
	s9 =	sadd.s32 @!p2 $0x280, s9;
	[sflag:s16] =	ssyncadd.s32 $0xFFFFF000  }
0x67: {  	[tilespmem:s10], [sflag:$0x1] =	stream.indirect.gather @!p2 [hbm4b:s4+s11], $0x20, s9, s11, $0xb8;
	[tilespmem:$0x12F40] =	vst v63  }
0x68: {  	_ =	swait.ge [sflag:s29], $0x1000  }
0x69: {  	[sflag:s29] =	ssyncset.done $0x0  }
0x6a: {  	s9 =	sadd.s32 $0x4900, s6;
	s10 =	sadd.s32 $0xFFFFFFFD, s21;
	[sflag:s29] =	ssyncadd.s32 $0xFFFFF000  }
0x6b: {  	[spmem:s2] =	stream.indirect.scatter.add.f32 [tilespmem:s20], [sflag:$0x6], $0x20, s9, s18, $0xb8;
	[tilespmem:$0x12F40] =	vst v63  }
0x6c: {  	p2 =	sge.u32 s10, s5;
	_ =	swait.ge [sflag:s16], $0x1000  }
0x6d: {  	s10 =	simm.s32 @!p2 $0xEF40;
	s9 =	sshra.s32 @!p2 s23, $0x2;
	[sflag:s16] =	ssyncset.done $0x0  }
0x6e: {  	s11 =	simm.s32 @!p2 $0x80;
	s9 =	sadd.s32 @!p2 $0x300, s9;
	[sflag:s16] =	ssyncadd.s32 $0xFFFFF000  }
0x6f: {  	[tilespmem:s10], [sflag:$0x2] =	stream.indirect.gather @!p2 [hbm4b:s4+s11], $0x20, s9, s11, $0xb8;
	[tilespmem:$0x12F40] =	vst v63  }
0x70: {  	_ =	swait.ge [sflag:s30], $0x1000  }
0x71: {  	[sflag:s30] =	ssyncset.done $0x0  }
0x72: {  	s9 =	sadd.s32 $0x4980, s6;
	s10 =	sadd.s32 $0xFFFFFFFE, s21;
	[sflag:s30] =	ssyncadd.s32 $0xFFFFF000  }
0x73: {  	[spmem:s2] =	stream.indirect.scatter.add.f32 [tilespmem:s22], [sflag:$0x6], $0x20, s9, s18, $0xb8;
	[tilespmem:$0x12F40] =	vst v63  }
0x74: {  	p2 =	sge.u32 s10, s5;
	_ =	swait.ge [sflag:s16], $0x1000  }
0x75: {  	s10 =	simm.s32 @!p2 $0xFF40;
	s9 =	sshra.s32 @!p2 s23, $0x2;
	[sflag:s16] =	ssyncset.done $0x0  }
0x76: {  	s11 =	simm.s32 @!p2 $0x80;
	s9 =	sadd.s32 @!p2 $0x380, s9;
	[sflag:s16] =	ssyncadd.s32 $0xFFFFF000  }
0x77: {  	[tilespmem:s10], [sflag:$0x3] =	stream.indirect.gather @!p2 [hbm4b:s4+s11], $0x20, s9, s11, $0xb8;
	[tilespmem:$0x12F40] =	vst v63  }
0x78: {  	_ =	swait.ge [sflag:s31], $0x1000  }
0x79: {  	[sflag:s31] =	ssyncset.done $0x0  }
0x7a: {  	s9 =	sadd.s32 $0x4A00, s6;
	s10 =	sadd.s32 $0xFFFFFFFF, s21;
	[sflag:s31] =	ssyncadd.s32 $0xFFFFF000  }
0x7b: {  	[spmem:s2] =	stream.indirect.scatter.add.f32 [tilespmem:s24], [sflag:$0x6], $0x20, s9, s18, $0xb8;
	[tilespmem:$0x12F40] =	vst v63  }
0x7c: {  	p2 =	sge.u32 s10, s5;
	_ =	swait.ge [sflag:s16], $0x1000  }
0x7d: {  	s10 =	simm.s32 @!p2 $0x10F40;
	s9 =	sshra.s32 @!p2 s23, $0x2;
	[sflag:s16] =	ssyncset.done $0x0  }
0x7e: {  	s11 =	simm.s32 @!p2 $0x80;
	s9 =	sadd.s32 @!p2 $0x400, s9;
	[sflag:s16] =	ssyncadd.s32 $0xFFFFF000  }
0x7f: {  	[tilespmem:s10], [sflag:$0x4] =	stream.indirect.gather @!p2 [hbm4b:s4+s11], $0x20, s9, s11, $0xb8;
	[tilespmem:$0x12F40] =	vst v63  }
0x80: {  	_ =	swait.ge [sflag:s0], $0x1000  }
0x81: {  	s21 =	sadd.s32 $0x5, s21;
	[sflag:s0] =	ssyncset.done $0x0  }
.Ltmp1:
0x82: {  	s6 =	sadd.s32 $0x4A80, s6;
	[sflag:s0] =	ssyncadd.s32 $0xFFFFF000;
	(pc) =	sbr.rel @p1 .LBB2_2-.Ltmp1, $4  }
0x83: {  	[spmem:s2] =	stream.indirect.scatter.add.f32 [tilespmem:s26], [sflag:$0x6], $0x20, s6, s18, $0xb8;
	[tilespmem:$0x12F40] =	vst v63  }
0x84: {  	s23 =	sadd.s32 $0xA00, s23;
	p2 =	sge.u32 s25, s5;
	_ =	swait.ge [sflag:s16], $0x1000  }
0x85: {  	s8 =	sshra.s32 @!p2 s8, $0x2;
	s6 =	simm.s32 @!p2 $0x11F40;
	[sflag:s16] =	ssyncset.done $0x0  }
0x86: {  	s25 =	simm.s32 @!p2 $0x80;
	s8 =	sadd.s32 @!p2 $0x480, s8;
	[sflag:s16] =	ssyncadd.s32 $0xFFFFF000  }
.LBB2_3:
0x87: {  	[tilespmem:s6], [sflag:$0x5] =	stream.indirect.gather @!p2 [hbm4b:s4+s25], $0x20, s8, s25, $0xb8;
	[tilespmem:$0x12F40] =	vst v63  }
0x88: {  	s1 =	sadd.s32 $0x1, s1  }
0x89: {  	p1 =	sne.s32 s1, s14  }
.Ltmp2:
0x8a: {  	[bflag:$0x0] =	sbarrier.arrive $0xFFFF;
	(pc) =	sbr.rel @p1 .LBB2_1-.Ltmp2, $4  }
0x8b: {  	[hbm:s13], [sflag:s7] =	dma.local [spmem:s15], $0x9C8  }
0x8c: {  	_ =	swait.ge [sflag:s16], $0x9C8  }
0x8d: {  	[sflag:s16] =	ssyncset.done $0x0  }
0x8e: {  	[sflag:s16] =	ssyncadd.s32 $0xFFFFF638  }
0x8f: {  	_ =	sfence.sel $0x180000  }
0x90: {  	[bflag:$0x0] =	sbarrier.arrive $0xFFFF  }
0x91: {  	_ =	strace $0x9000004A  }
0x92: {  	s0 =	stileid.u32;
	[bflag:$0x2] =	sbarrier.arrive $0xFFFF  }
0x93: {  	p0 =	sne.s32 s0, $0x0;
	s0 =	rddreg [dreg:$0x2]  }
0x94: {  	s0 =	sadd.s32 @!p0 $0x100000, s0  }
0x95: {  	[sflag:s0] =	ssyncadd.tile.s32 @!p0 $0x1;
	_ =	shalt  }
.Lfunc_end2:
_tile_overlayer_lowered:
.L_overlay_start_2:
0x96: {  	(tag) =	ssettag $0x2  }
0x97: {  	s0 =	rddreg [dreg:$0x0];
	s2 =	stileid.u32  }
0x98: {  	s1 =	rddreg [dreg:$0x1];
	p0 =	sne.s32 s2, $0x0  }
0x99: {  	s3 =	rddreg [dreg:$0x2];
	[bflag:$0x3] =	sbarrier.arrive $0xFFFF;
	s2 =	simm.s32 @!p0 $0x1C06  }
0x9a: {  	[timem:s3], [sflag:s2] =	dma.local @!p0 [hbm:s0], s1  }
0x9b: {  	s0 =	simm.s32 @!p0 $0x6  }
0x9c: {  	_ =	swait.ge @!p0 [sflag:s0], s1  }
0x9d: {  	s1 =	ssub.s32 @!p0 $0x0, s1;
	[sflag:s0] =	ssyncset.done @!p0 $0x0  }
0x9e: {  	[sflag:s0] =	ssyncadd.s32 @!p0 s1  }
0x9f: {  	[bflag:$0x3] =	sbarrier.arrive $0xFFFF  }
0xa0: {  	_ =	shalt  }

// kernel: kernel.7.cloned.1.call-start
scs
__scs_entry_jumppad:
0x0: {  	(pc) =	sbr.rel $0x88, $3  }
0x1: {  	(tag) =	ssettag $0x0;
	lr =	simm.s32 $0x1  }
0x2: {  	[smem:$0x3F95] =	sst lr;
	_ =	strace $0xD0000000  }
0x3: {  	_ = 	snop  }
0x4: {  	_ = 	snop  }
0x5: {  	_ = 	snop  }
0x6: {  	_ = 	snop  }
0x7: {  	_ = 	snop  }
__scs_overlays_trampoline_lowered:
0x8: {  	[smem:$0x3FA4] =	sst s0  }
0x9: {  	[smem:$0x3FA5] =	sst s1  }
0xa: {  	[smem:$0x3FA6] =	sst s2  }
0xb: {  	[smem:$0x3FA7] =	sst s3  }
0xc: {  	[smem:$0x3FA8] =	sst s4  }
0xd: {  	[smem:$0x3FA9] =	sst s5  }
0xe: {  	[smem:$0x3FAA] =	sst s6  }
0xf: {  	[smem:$0x3FAB] =	sst s7  }
0x10: {  	[smem:$0x3FAC] =	sst s8  }
0x11: {  	[smem:$0x3FAD] =	sst s9;
	s0 =	simm.s32 @!p0 $0x0  }
0x12: {  	s1 =	sld [smem:$0x3F93];
	s0 =	simm.s32 @p0 $0x1  }
0x13: {  	[smem:$0x3FAE] =	sst s0;
	s0 =	simm.s32 @!p1 $0x0  }
0x14: {  	s2 =	sld [smem:$0x3F92];
	s0 =	simm.s32 @p1 $0x1  }
0x15: {  	[smem:$0x3FAF] =	sst s0;
	s0 =	simm.s32 @!p2 $0x0  }
0x16: {  	s3 =	sld [smem:$0x3FDB];
	s0 =	simm.s32 @p2 $0x1  }
0x17: {  	s4 =	simm.s32 $0x1BF5;
	[smem:$0x3FB1] =	sst s0  }
0x18: {  	s0 =	sld [smem:$0x3F94];
	_ =	swait.ge [sflag:s4], $0x0  }
0x19: {  	s7 =	sld [smem:$0x3F95]  }
0x1a: {  	s8 =	sadd.s32 $0xFFFFE003, lr  }
0x1b: {  	s9 =	sadd.s32 $0xFFFFFEF7, lr;
	s5 =	simm.s32 $0xFFFFFFFF;
	p2 =	slt.u32 s8, $0xFFFFF086  }
0x1c: {  	p1 =	slt.u32 s9, $0xF7A;
	s5 =	simm.s32 @!p2 $0x0  }
0x1d: {  	s5 =	simm.s32 @p1 $0x1;
	p0 =	seq.s32 s7, s2  }
0x1e: {  	s7 =	smul.u32 @!p0 $0xF7A, s2;
	p2 =	seq.s32 @!p0 s5, $0x0  }
0x1f: {  	s9 =	smul.u32 $0xF7A, s1;
	s8 =	simm.s32 @!p0 $0x1BF5;
	p2 =	por !p2, p0  }
0x20: {  	[sflag:s8] =	ssyncset.s32 @!p0 $0xFFFFF086;
	s6 =	sadd.s32 @!p0 s3, s7;
	s7 =	simm.s32 @!p0 $0x108  }
0x21: {  	s3 =	sadd.s32 s3, s9;
	s6 =	sadd.s32 @!p0 $0x88, s6;
	s7 =	simm.s32 @p2 $0x1082  }
0x22: {  	[simem:s7], [sflag:s8] =	dma.local @!p0 [hbm:s6], $0xF7A  }
0x23: {  	s9 =	sor.u32 $0xD0000000, s2;
	s6 =	simm.s32 $0x108;
	_ =	swait.ge @!p0 [sflag:s8], $0x0  }
0x24: {  	s3 =	sadd.s32 $0x88, s3;
	s6 =	simm.s32 @!p1 $0x1082;
	[sflag:s4] =	ssyncset.s32 $0xFFFFF086  }
0x25: {  	[simem:s6], [sflag:s4] =	dma.local [hbm:s3], $0xF7A  }
0x26: {  	[smem:$0x3F95] =	sst s1;
	(tag) =	ssettag s2;
	_ =	strace s9  }
0x27: {  	s1 =	sld [smem:$0x3FA5]  }
0x28: {  	s2 =	sld [smem:$0x3FA6]  }
0x29: {  	s4 =	sld [smem:$0x3FA8]  }
0x2a: {  	p0 =	seq.s32 s5, $0x0;
	s5 =	sld [smem:$0x3FA9]  }
0x2b: {  	s6 =	sld [smem:$0x3FAA]  }
0x2c: {  	s7 =	sld [smem:$0x3FAB]  }
0x2d: {  	s3 =	simm.s32 $0x108;
	s8 =	sld [smem:$0x3FAC]  }
0x2e: {  	s3 =	simm.s32 @!p0 $0x1082;
	s9 =	sld [smem:$0x3FAD]  }
0x2f: {  	lr =	sadd.s32 s0, s3;
	s0 =	sld [smem:$0x3FA4]  }
0x30: {  	s3 =	sld [smem:$0x3FA7]  }
0x31: {  	[smem:$0x3FB0] =	sst s10  }
0x32: {  	s10 =	sld [smem:$0x3FAE];
	_ =	sdelay $0x3  }
0x33: {  	p0 =	seq.s32 s10, $0x1;
	s10 =	sld [smem:$0x3FB0];
	_ =	sdelay $0x3  }
0x34: {  	[smem:$0x3FB0] =	sst s10  }
0x35: {  	s10 =	sld [smem:$0x3FAF];
	_ =	sdelay $0x3  }
0x36: {  	p1 =	seq.s32 s10, $0x1;
	s10 =	sld [smem:$0x3FB0];
	_ =	sdelay $0x3  }
0x37: {  	[smem:$0x3FB0] =	sst s10  }
0x38: {  	s10 =	sld [smem:$0x3FB1]  }
0x39: {  	_ = 	snop;
	(pc) =	sbr.ind lr, $3  }
0x3a: {  	_ = 	snop  }
0x3b: {  	_ = 	snop  }
0x3c: {  	p2 =	seq.s32 s10, $0x1;
	s10 =	sld [smem:$0x3FB0]  }
0x3d: {  	_ =	shalt  }
0x3e: {  	_ =	shalt  }
0x3f: {  	_ =	shalt  }
0x40: {  	_ =	shalt  }
0x41: {  	_ =	shalt  }
0x42: {  	_ =	shalt  }
0x43: {  	_ =	shalt  }
0x44: {  	_ =	shalt  }
0x45: {  	_ =	shalt  }
0x46: {  	_ =	shalt  }
0x47: {  	_ =	shalt  }
0x48: {  	_ =	shalt  }
0x49: {  	_ =	shalt  }
0x4a: {  	_ =	shalt  }
0x4b: {  	_ =	shalt  }
0x4c: {  	_ =	shalt  }
0x4d: {  	_ =	shalt  }
0x4e: {  	_ =	shalt  }
0x4f: {  	_ =	shalt  }
0x50: {  	_ =	shalt  }
0x51: {  	_ =	shalt  }
0x52: {  	_ =	shalt  }
0x53: {  	_ =	shalt  }
0x54: {  	_ =	shalt  }
0x55: {  	_ =	shalt  }
0x56: {  	_ =	shalt  }
0x57: {  	_ =	shalt  }
0x58: {  	_ =	shalt  }
0x59: {  	_ =	shalt  }
0x5a: {  	_ =	shalt  }
0x5b: {  	_ =	shalt  }
0x5c: {  	_ =	shalt  }
0x5d: {  	_ =	shalt  }
0x5e: {  	_ =	shalt  }
0x5f: {  	_ =	shalt  }
0x60: {  	_ =	shalt  }
0x61: {  	_ =	shalt  }
0x62: {  	_ =	shalt  }
0x63: {  	_ =	shalt  }
0x64: {  	_ =	shalt  }
0x65: {  	_ =	shalt  }
0x66: {  	_ =	shalt  }
0x67: {  	_ =	shalt  }
0x68: {  	_ =	shalt  }
0x69: {  	_ =	shalt  }
0x6a: {  	_ =	shalt  }
0x6b: {  	_ =	shalt  }
0x6c: {  	_ =	shalt  }
0x6d: {  	_ =	shalt  }
0x6e: {  	_ =	shalt  }
0x6f: {  	_ =	shalt  }
0x70: {  	_ =	shalt  }
0x71: {  	_ =	shalt  }
0x72: {  	_ =	shalt  }
0x73: {  	_ =	shalt  }
0x74: {  	_ =	shalt  }
0x75: {  	_ =	shalt  }
0x76: {  	_ =	shalt  }
0x77: {  	_ =	shalt  }
0x78: {  	_ =	shalt  }
0x79: {  	_ =	shalt  }
0x7a: {  	_ =	shalt  }
0x7b: {  	_ =	shalt  }
0x7c: {  	_ =	shalt  }
0x7d: {  	_ =	shalt  }
0x7e: {  	_ =	shalt  }
0x7f: {  	_ =	shalt  }
0x80: {  	_ =	shalt  }
0x81: {  	_ =	shalt  }
0x82: {  	_ =	shalt  }
0x83: {  	_ =	shalt  }
0x84: {  	_ =	shalt  }
0x85: {  	_ =	shalt  }
0x86: {  	_ =	shalt  }
0x87: {  	_ =	shalt  }
.Lfunc_end0:
.L_simem_size_0:
called_computation_lowered:
.L_overlay_start_0:
0x88: {  	s2 =	sld [smem:$0x3FD9]  }
0x89: {  	s3 =	sld [smem:$0x3FFE];
	_ =	sdelay $0x1  }
0x8a: {  	s1 =	srdreg.scid  }
0x8b: {  	s0 =	sand.u32 $0x1, s1  }
0x8c: {  	s17 =	sshll.u32 s0, $0xA;
	s2 =	sadd.s32 s3, s2  }
0x8d: {  	s2 =	sadd.s32 s2, s17  }
0x8e: {  	[smem:$0x3FBC] =	sst s2  }
0x8f: {  	_ = 	snop  }
0x90: {  	s2 =	sld [smem:$0x3FD0];
	(tm) =	ssettm $0x1  }
0x91: {  	s18 =	sld [smem:$0x3FFB];
	_ =	sdelay $0x3  }
0x92: {  	_ =	strace s18  }
0x93: {  	s3 =	sld [smem:$0x3FFC];
	_ =	sdelay $0x3  }
0x94: {  	_ =	strace s3  }
0x95: {  	s3 =	sld [smem:$0x3FFD];
	_ =	sdelay $0x3  }
0x96: {  	_ =	strace s3  }
0x97: {  	_ =	strace $0x8FFFFFFF  }
0x98: {  	s19 =	sld [smem:$0x3FDB];
	_ =	sdelay $0x1  }
0x99: {  	s4 =	simm.s32 $_scs_section_size  }
0x9a: {  	s5 =	simm.s32 $_size__tile_overlayer_lowered;
	s6 =	simm.s32 $_tile_overlayer_lowered  }
0x9b: {  	s22 =	simm.s32 $0x1BFF;
	s21 =	sshll.u32 s6, $0x1;
	s3 =	sadd.s32 s4, s19  }
0x9c: {  	s7 =	simm.s32 $0x0;
	s20 =	sshll.u32 s5, $0x1;
	s5 =	sadd.s32 s21, s3  }
0x9d: {  	[timem:s7], [sflag:s22] =	dma.local [hbm:s5], s20  }
0x9e: {  	_ =	swait.ge [sflag:s22], s20  }
0x9f: {  	s4 =	ssub.s32 $0x0, s20;
	[sflag:s22] =	ssyncset.done $0x0  }
0xa0: {  	[sflag:s22] =	ssyncadd.s32 s4;
	_ =	sdelay $0x1  }
0xa1: {  	s23 =	simm.s32 $0x1B8B  }
0xa2: {  	_ =	swait.ge [sflag:s23], $0x1  }
0xa3: {  	[sflag:s23] =	ssyncset.done $0x0  }
0xa4: {  	s25 =	simm.s32 $0x1B8E;
	s24 =	sld [smem:$0x3FFE];
	[sflag:s23] =	ssyncadd.s32 $0xFFFFFFFF  }
0xa5: {  	s26 =	simm.s32 $execute0_lowered;
	[smem:$0x3FD2] =	sst s25  }
0xa6: {  	s5 =	sshll.u32 s26, $0x1;
	_ =	strace $0x80000046;
	[dreg:$0x1] =	wrdreg $0xFFFFFFFF  }
0xa7: {  	s28 =	simm.s32 $_size_execute0_lowered;
	s3 =	sadd.s32 s3, s5;
	[dreg:$0x0] =	wrdreg $0x0  }
0xa8: {  	s5 =	sshll.u32 s28, $0x1;
	[dreg:$0x2] =	wrdreg s3  }
0xa9: {  	[dreg:$0x3] =	wrdreg s5  }
0xaa: {  	[dreg:$0x4] =	wrdreg $0xC0  }
0xab: {  	_ =	task [dreg:s7], $0x5FFFF  }
0xac: {  	[dreg:$0x1] =	wrdreg $0xFFFFFFFF  }
0xad: {  	[dreg:$0x0] =	wrdreg $0x60  }
0xae: {  	[dreg:$0x2] =	wrdreg s24  }
0xaf: {  	[dreg:$0x3] =	wrdreg s2  }
0xb0: {  	[dreg:$0x4] =	wrdreg $0x91000  }
0xb1: {  	[dreg:$0x5] =	wrdreg $0x1D5800  }
0xb2: {  	[dreg:$0x6] =	wrdreg $0x9  }
0xb3: {  	_ =	task.clear_ibuf [dreg:s7], $0x7FFFF;
	_ =	strace $0x90000046  }
0xb4: {  	s29 =	simm.s32 $0x9;
	_ =	strace $0x80000048  }
0xb5: {  	_ =	swait.ge [sflag:s29], $0x1  }
0xb6: {  	[sflag:s29] =	ssyncadd.s32 $0xFFFFFFFF  }
0xb7: {  	_ =	strace $0x90000048  }
0xb8: {  	_ =	sfence  }
0xb9: {  	s30 =	sld [smem:$0x0];
	_ =	sdelay $0x2  }
0xba: {  	s31 =	sshll.u32 s1, $0xD;
	s1 =	sshrl.u32 s1, $0x2  }
0xbb: {  	s3 =	sand.u32 $0x4000, s31;
	s1 =	sadd.s32 s1, s30  }
0xbc: {  	s0 =	sor.u32 s3, s0;
	s1 =	sshll.u32 s1, $0x11  }
0xbd: {  	s0 =	sor.u32 s1, s0  }
0xbe: {  	s0 =	sadd.s32 $0x8F2B, s0  }
0xbf: {  	[sflag:s0] =	ssyncadd.remote.s32 $0x1  }
0xc0: {  	_ =	sfence.sel $0xFFFF  }
0xc1: {  	[dreg:$0x0] =	wrdreg $0xFFFFFFFF;
	(pc) =	sbr.abs _section_cstart, $3  }
0xc2: {  	[dreg:$0x1] =	wrdreg $0xFFFFFFFF  }
0xc3: {  	_ =	task.clear_ibuf [dreg:s7], $0x2FFFF;
	_ =	strace $0x9FFFFFFF  }
0xc4: {  	(tm) =	ssettm $0x7FFFFFFF  }
0xc5: {  	_ =	shalt  }
tec
execute0_lowered:
.L_overlay_start_1:
0x0: {  	(tag) =	ssettag $0x1  }
0x1: {  	s0 =	rddreg [dreg:$0x0]  }
0x2: {  	s3 =	rddreg [dreg:$0x2]  }
0x3: {  	s4 =	rddreg [dreg:$0x3];
	s18 =	stileid.u32  }
0x4: {  	s5 =	simm.s32 $0x0;
	s1 =	srdreg.scid;
	s2 =	smul.u32 $0x9C80, s18  }
0x5: {  	s29 =	simm.s32 $0x16D80;
	s31 =	simm.s32 $0x18D80;
	s11 =	smul.u32 $0x2720, s18  }
0x6: {  	s28 =	simm.s32 $0x3;
	s30 =	simm.s32 $0x4;
	s15 =	smul.u32 $0xF, s18  }
0x7: {  	[smem:$0x7FF] =	sst s5;
	s1 =	sand.u32 $0x1, s1;
	s17 =	smul.u32 $0x91, s18  }
0x8: {  	s6 =	sadd.s32 $0x1E00, s0;
	s8 =	sadd.s32 $0x20200, s0;
	s7 =	smul.u32 $0x9C800, s1  }
0x9: {  	s10 =	sadd.s32 $0x15800, s0;
	_ =	strace $0x80000047;
	s12 =	smul.u32 $0x27200, s1  }
0xa: {  	s26 =	ssub.s32 $0x2, s1;
	p0 =	seq.s32 s1, $0x0;
	s9 =	sshrl.u32 s2, $0x3  }
0xb: {  	s13 =	sshrl.u32 s11, $0x3;
	s16 =	sshrl.u32 s26, $0x1;
	s15 =	sadd.s32 $0x910, s15  }
0xc: {  	s7 =	sadd.s32 s2, s7;
	s9 =	sadd.s32 s9, s0;
	s13 =	sadd.s32 s13, s0  }
0xd: {  	s25 =	sadd.s32 s11, s12;
	s12 =	ssub.s32 s26, s16;
	s15 =	smov.u32 @p0 s17  }
0xe: {  	s2 =	sadd.s32 s2, s3;
	s17 =	sshll.u32 s18, $0x6;
	s18 =	smul.u32 $0x4880, s18  }
0xf: {  	s11 =	sadd.s32 s11, s4;
	s7 =	sshrl.u32 s7, $0x3;
	s9 =	sadd.s32 $0x2AC00, s9  }
0x10: {  	[dreg:$0x6] =	wrdreg s11;
	s19 =	sadd.s32 $0x3E600, s13;
	s20 =	sshll.u32 s15, $0x4  }
0x11: {  	s26 =	smax.u32 s12, $0x1;
	s14 =	sadd.s32 s7, s0;
	[dreg:$0x5] =	wrdreg s9  }
0x12: {  	s7 =	sshrl.u32 s25, $0x3;
	s9 =	sor.u32 $0x1C06, s17;
	[dreg:$0x7] =	wrdreg s19  }
0x13: {  	s21 =	sshrl.u32 s18, $0x3;
	s15 =	sadd.s32 s8, s20;
	s11 =	sadd.s32 s10, s20  }
0x14: {  	[dreg:$0xf] =	wrdreg s26;
	s20 =	sshrl.u32 s2, $0x3;
	s26 =	simm.s32 $0x14D80  }
0x15: {  	s2 =	simm.s32 $0x1AD80;
	s0 =	sadd.s32 s7, s0;
	[dreg:$0x8] =	wrdreg s15  }
0x16: {  	s7 =	simm.s32 $0x91;
	s13 =	sadd.s32 $0xF0, s21;
	[dreg:$0x9] =	wrdreg s11  }
0x17: {  	s25 =	sadd.s32 $0x4D400, s14;
	s21 =	simm.s32 $0x6;
	s7 =	simm.s32 @!p0 $0xF  }
0x18: {  	s8 =	sadd.s32 s8, s13;
	s23 =	sadd.s32 s10, s13;
	[dreg:$0xd] =	wrdreg s25  }
0x19: {  	s0 =	sadd.s32 $0x43600, s0;
	p0 =	sne.s32 s1, $0x0;
	[dreg:$0xa] =	wrdreg s8  }
0x1a: {  	s25 =	simm.s32 $0x12D80;
	s22 =	smul.u32 $0xCD, s7;
	[dreg:$0xb] =	wrdreg s23  }
0x1b: {  	s1 =	simm.s32 $0x1;
	[dreg:$0xe] =	wrdreg s0;
	s23 =	simm.s32 $0x2  }
0x1c: {  	s0 =	simm.s32 $0x5;
	s8 =	simm.s32 $0x0;
	s24 =	sshrl.u32 s22, $0xA  }
0x1d: {  	s22 =	simm.s32 $0x1CD80;
	[dreg:$0xc] =	wrdreg s24;
	s24 =	simm.s32 $0x80  }
.LBB2_1:
0x1e: {  	s10 =	rddreg [dreg:$0x5]  }
0x1f: {  	[spmem:s20], [sflag:s9] =	dma.local [hbm:s10], $0x1390  }
0x20: {  	_ =	swait.ge [sflag:s21], $0x1390  }
0x21: {  	[sflag:s21] =	ssyncset.done $0x0;
	s15 =	rddreg [dreg:$0x6]  }
0x22: {  	s11 =	rddreg [dreg:$0x7];
	[sflag:s21] =	ssyncadd.s32 $0xFFFFEC70;
	s10 =	sshrl.u32 s15, $0x3  }
0x23: {  	[spmem:s10], [sflag:s9] =	dma.local [hbm:s11], $0x4E4  }
0x24: {  	_ =	swait.ge [sflag:s21], $0x4E4  }
0x25: {  	[sflag:s21] =	ssyncset.done $0x0  }
0x26: {  	[sflag:s21] =	ssyncadd.s32 $0xFFFFFB1C  }
0x27: {  	s16 =	rddreg [dreg:$0x1]  }
0x28: {  	[tilespmem:s22], [sflag:$0x6] =	stream.linear.gather [hbm4b:s16+s5], $0x800, $0x38;
	[tilespmem:$0x1FCA0] =	vst v63  }
0x29: {  	_ =	swait.ge [sflag:s21], $0x800  }
0x2a: {  	[sflag:s21] =	ssyncset.done $0x0  }
0x2b: {  	s17 =	rddreg [dreg:$0x8];
	[sflag:s21] =	ssyncadd.s32 $0xFFFFF800  }
0x2c: {  	[tilespmem:s5], [sflag:$0x6] =	stream.linear.gather [hbm4b:s17+s5], $0x780, $0x38;
	[tilespmem:$0x1FCA0] =	vst v63  }
0x2d: {  	_ =	swait.ge [sflag:s21], $0x780  }
0x2e: {  	[sflag:s21] =	ssyncset.done $0x0  }
0x2f: {  	s12 =	simm.s32 $0x4880;
	s18 =	rddreg [dreg:$0x9];
	[sflag:s21] =	ssyncadd.s32 $0xFFFFF880  }
0x30: {  	[tilespmem:s12], [sflag:$0x6] =	stream.linear.gather [hbm4b:s18+s5], $0x780, $0x38;
	[tilespmem:$0x1FCA0] =	vst v63  }
0x31: {  	_ =	swait.ge [sflag:s21], $0x780  }
0x32: {  	s11 =	simm.s32 @!p0 $0x0;
	[sflag:s21] =	ssyncset.done $0x0  }
0x33: {  	s12 =	simm.s32 @!p0 $0x780;
	s13 =	rddreg [dreg:$0xa];
	[sflag:s21] =	ssyncadd.s32 $0xFFFFF880  }
0x34: {  	[tilespmem:s12], [sflag:$0x6] =	stream.linear.gather @!p0 [hbm4b:s13+s11], $0x4100, $0x38;
	[tilespmem:$0x1FCA0] =	vst v63  }
0x35: {  	s12 =	simm.s32 @!p0 $0x6  }
0x36: {  	_ =	swait.ge @!p0 [sflag:s12], $0x4100  }
0x37: {  	[sflag:s12] =	ssyncset.done @!p0 $0x0  }
0x38: {  	s13 =	simm.s32 @!p0 $0x5000;
	s14 =	rddreg [dreg:$0xb];
	[sflag:s12] =	ssyncadd.s32 @!p0 $0xFFFFBF00  }
0x39: {  	[tilespmem:s13], [sflag:$0x6] =	stream.linear.gather @!p0 [hbm4b:s14+s11], $0x4100, $0x38;
	[tilespmem:$0x1FCA0] =	vst v63  }
0x3a: {  	_ =	swait.ge @!p0 [sflag:s12], $0x4100  }
0x3b: {  	[sflag:s12] =	ssyncset.done @!p0 $0x0  }
0x3c: {  	[sflag:s12] =	ssyncadd.s32 @!p0 $0xFFFFBF00  }
0x3d: {  	[bflag:$0x0] =	sbarrier.arrive $0xFFFF  }
0x3e: {  	[tilespmem:s25], [sflag:$0x1] =	stream.indirect.gather [hbm4b:s6+s24], $0x40, s5, s24, $0xb8;
	[tilespmem:$0x1FCA0] =	vst v63  }
0x3f: {  	_ = 	snop  }
0x40: {  	[tilespmem:s26], [sflag:$0x2] =	stream.indirect.gather [hbm4b:s6+s24], $0x40, s24, s24, $0xb8;
	[tilespmem:$0x1FCA0] =	vst v63  }
0x41: {  	s19 =	simm.s32 $0x100  }
0x42: {  	[tilespmem:s29], [sflag:$0x3] =	stream.indirect.gather [hbm4b:s6+s24], $0x40, s19, s24, $0xb8;
	[tilespmem:$0x1FCA0] =	vst v63  }
0x43: {  	s12 =	simm.s32 $0x180  }
0x44: {  	[tilespmem:s31], [sflag:$0x4] =	stream.indirect.gather [hbm4b:s6+s24], $0x40, s12, s24, $0xb8;
	[tilespmem:$0x1FCA0] =	vst v63  }
0x45: {  	s13 =	simm.s32 $0x200  }
0x46: {  	[tilespmem:s2], [sflag:$0x5] =	stream.indirect.gather [hbm4b:s6+s24], $0x40, s13, s24, $0xb8;
	[tilespmem:$0x1FCA0] =	vst v63  }
0x47: {  	_ =	swait.ge [sflag:s1], $0x2000  }
0x48: {  	[sflag:s1] =	ssyncset.done $0x0  }
0x49: {  	s14 =	simm.s32 $0x4880;
	[sflag:s1] =	ssyncadd.s32 $0xFFFFE000  }
0x4a: {  	[spmem:s3] =	stream.indirect.scatter.add.f32 [tilespmem:s25], [sflag:$0x6], $0x40, s14, s24, $0xb8;
	[tilespmem:$0x1FCA0] =	vst v63  }
0x4b: {  	_ =	swait.ge [sflag:s21], $0x2000  }
0x4c: {  	[sflag:s21] =	ssyncset.done $0x0  }
0x4d: {  	[sflag:s21] =	ssyncadd.s32 $0xFFFFE000  }
0x4e: {  	[spmem:s4] =	stream.indirect.scatter.add.f32 [tilespmem:s22], [sflag:$0x6], $0x10, s14, s24, $0xb8;
	[tilespmem:$0x1FCA0] =	vst v63  }
0x4f: {  	p1 =	sle.u32 s7, $0x5;
	_ =	swait.ge [sflag:s21], $0x800  }
0x50: {  	s11 =	simm.s32 @!p1 $0x12D80;
	[sflag:s21] =	ssyncset.done $0x0  }
0x51: {  	s12 =	simm.s32 @!p1 $0x280;
	s13 =	simm.s32 @!p1 $0x80;
	[sflag:s21] =	ssyncadd.s32 $0xFFFFF800  }
0x52: {  	[tilespmem:s11], [sflag:$0x1] =	stream.indirect.gather @!p1 [hbm4b:s6+s13], $0x40, s12, s13, $0xb8;
	[tilespmem:$0x1FCA0] =	vst v63  }
0x53: {  	_ =	swait.ge [sflag:s23], $0x2000  }
0x54: {  	[sflag:s23] =	ssyncset.done $0x0  }
0x55: {  	s15 =	simm.s32 $0x4900;
	[sflag:s23] =	ssyncadd.s32 $0xFFFFE000  }
0x56: {  	[spmem:s3] =	stream.indirect.scatter.add.f32 [tilespmem:s26], [sflag:$0x6], $0x40, s15, s24, $0xb8;
	[tilespmem:$0x1FCA0] =	vst v63  }
0x57: {  	_ =	swait.ge [sflag:s21], $0x2000  }
0x58: {  	[sflag:s21] =	ssyncset.done $0x0  }
0x59: {  	[sflag:s21] =	ssyncadd.s32 $0xFFFFE000  }
0x5a: {  	[spmem:s4] =	stream.indirect.scatter.add.f32 [tilespmem:s22], [sflag:$0x6], $0x10, s15, s24, $0xb8;
	[tilespmem:$0x1FCA0] =	vst v63  }
0x5b: {  	p1 =	sle.u32 s7, $0x6;
	_ =	swait.ge [sflag:s21], $0x800  }
0x5c: {  	s11 =	simm.s32 @!p1 $0x14D80;
	[sflag:s21] =	ssyncset.done $0x0  }
0x5d: {  	s12 =	simm.s32 @!p1 $0x300;
	s13 =	simm.s32 @!p1 $0x80;
	[sflag:s21] =	ssyncadd.s32 $0xFFFFF800  }
0x5e: {  	[tilespmem:s11], [sflag:$0x2] =	stream.indirect.gather @!p1 [hbm4b:s6+s13], $0x40, s12, s13, $0xb8;
	[tilespmem:$0x1FCA0] =	vst v63  }
0x5f: {  	_ =	swait.ge [sflag:s28], $0x2000  }
0x60: {  	[sflag:s28] =	ssyncset.done $0x0  }
0x61: {  	s16 =	simm.s32 $0x4980;
	[sflag:s28] =	ssyncadd.s32 $0xFFFFE000  }
0x62: {  	[spmem:s3] =	stream.indirect.scatter.add.f32 [tilespmem:s29], [sflag:$0x6], $0x40, s16, s24, $0xb8;
	[tilespmem:$0x1FCA0] =	vst v63  }
0x63: {  	_ =	swait.ge [sflag:s21], $0x2000  }
0x64: {  	[sflag:s21] =	ssyncset.done $0x0  }
0x65: {  	[sflag:s21] =	ssyncadd.s32 $0xFFFFE000  }
0x66: {  	[spmem:s4] =	stream.indirect.scatter.add.f32 [tilespmem:s22], [sflag:$0x6], $0x10, s16, s24, $0xb8;
	[tilespmem:$0x1FCA0] =	vst v63  }
0x67: {  	p1 =	sle.u32 s7, $0x7;
	_ =	swait.ge [sflag:s21], $0x800  }
0x68: {  	s11 =	simm.s32 @!p1 $0x16D80;
	[sflag:s21] =	ssyncset.done $0x0  }
0x69: {  	s12 =	simm.s32 @!p1 $0x380;
	s13 =	simm.s32 @!p1 $0x80;
	[sflag:s21] =	ssyncadd.s32 $0xFFFFF800  }
0x6a: {  	[tilespmem:s11], [sflag:$0x3] =	stream.indirect.gather @!p1 [hbm4b:s6+s13], $0x40, s12, s13, $0xb8;
	[tilespmem:$0x1FCA0] =	vst v63  }
0x6b: {  	_ =	swait.ge [sflag:s30], $0x2000  }
0x6c: {  	[sflag:s30] =	ssyncset.done $0x0  }
0x6d: {  	s17 =	simm.s32 $0x4A00;
	[sflag:s30] =	ssyncadd.s32 $0xFFFFE000  }
0x6e: {  	[spmem:s3] =	stream.indirect.scatter.add.f32 [tilespmem:s31], [sflag:$0x6], $0x40, s17, s24, $0xb8;
	[tilespmem:$0x1FCA0] =	vst v63  }
0x6f: {  	_ =	swait.ge [sflag:s21], $0x2000  }
0x70: {  	[sflag:s21] =	ssyncset.done $0x0  }
0x71: {  	[sflag:s21] =	ssyncadd.s32 $0xFFFFE000  }
0x72: {  	[spmem:s4] =	stream.indirect.scatter.add.f32 [tilespmem:s22], [sflag:$0x6], $0x10, s17, s24, $0xb8;
	[tilespmem:$0x1FCA0] =	vst v63  }
0x73: {  	p1 =	sle.u32 s7, $0x8;
	_ =	swait.ge [sflag:s21], $0x800  }
0x74: {  	s11 =	simm.s32 @!p1 $0x18D80;
	[sflag:s21] =	ssyncset.done $0x0  }
0x75: {  	s12 =	simm.s32 @!p1 $0x400;
	s13 =	simm.s32 @!p1 $0x80;
	[sflag:s21] =	ssyncadd.s32 $0xFFFFF800  }
0x76: {  	[tilespmem:s11], [sflag:$0x4] =	stream.indirect.gather @!p1 [hbm4b:s6+s13], $0x40, s12, s13, $0xb8;
	[tilespmem:$0x1FCA0] =	vst v63  }
0x77: {  	_ =	swait.ge [sflag:s0], $0x2000  }
0x78: {  	[sflag:s0] =	ssyncset.done $0x0  }
0x79: {  	s18 =	simm.s32 $0x4A80;
	[sflag:s0] =	ssyncadd.s32 $0xFFFFE000  }
0x7a: {  	[spmem:s3] =	stream.indirect.scatter.add.f32 [tilespmem:s2], [sflag:$0x6], $0x40, s18, s24, $0xb8;
	[tilespmem:$0x1FCA0] =	vst v63  }
0x7b: {  	_ =	swait.ge [sflag:s21], $0x2000  }
0x7c: {  	s19 =	rddreg [dreg:$0xc]  }
0x7d: {  	s11 =	sadd.s32 $0xFFFFFFFF, s19  }
0x7e: {  	[sflag:s21] =	ssyncset.done $0x0;
	p1 =	sne.s32 s11, $0x0  }
.Ltmp0:
0x7f: {  	p2 =	sle.u32 s7, $0x9;
	[sflag:s21] =	ssyncadd.s32 $0xFFFFE000;
	(pc) =	sbr.rel @!p1 .LBB2_3-.Ltmp0, $4  }
0x80: {  	[spmem:s4] =	stream.indirect.scatter.add.f32 [tilespmem:s22], [sflag:$0x6], $0x10, s18, s24, $0xb8;
	[tilespmem:$0x1FCA0] =	vst v63  }
0x81: {  	s14 =	simm.s32 @!p2 $0x1AD80;
	_ =	swait.ge [sflag:s21], $0x800  }
0x82: {  	s15 =	simm.s32 @!p2 $0x480;
	s16 =	simm.s32 @!p2 $0x80;
	[sflag:s21] =	ssyncset.done $0x0  }
0x83: {  	s12 =	simm.s32 $0xE;
	s13 =	simm.s32 $0xA00;
	[sflag:s21] =	ssyncadd.s32 $0xFFFFF800  }
.LBB2_2:
0x84: {  	[tilespmem:s14], [sflag:$0x5] =	stream.indirect.gather @!p2 [hbm4b:s6+s16], $0x40, s15, s16, $0xb8;
	[tilespmem:$0x1FCA0] =	vst v63  }
0x85: {  	s11 =	sadd.s32 $0xFFFFFFFF, s11;
	s14 =	smov.u32 s12;
	_ =	swait.ge [sflag:s1], $0x2000  }
0x86: {  	s16 =	sshra.s32 s13, $0x2;
	p1 =	sne.s32 s11, $0x0;
	[sflag:s1] =	ssyncset.done $0x0  }
0x87: {  	s15 =	smov.u32 s13;
	s17 =	sadd.s32 $0x4880, s16;
	[sflag:s1] =	ssyncadd.s32 $0xFFFFE000  }
0x88: {  	[spmem:s3] =	stream.indirect.scatter.add.f32 [tilespmem:s25], [sflag:$0x6], $0x40, s17, s24, $0xb8;
	[tilespmem:$0x1FCA0] =	vst v63  }
0x89: {  	_ =	swait.ge [sflag:s21], $0x2000  }
0x8a: {  	[sflag:s21] =	ssyncset.done $0x0  }
0x8b: {  	s18 =	sadd.s32 $0xFFFFFFFC, s12;
	[sflag:s21] =	ssyncadd.s32 $0xFFFFE000  }
0x8c: {  	[spmem:s4] =	stream.indirect.scatter.add.f32 [tilespmem:s22], [sflag:$0x6], $0x10, s17, s24, $0xb8;
	[tilespmem:$0x1FCA0] =	vst v63  }
0x8d: {  	p2 =	sge.u32 s18, s7;
	_ =	swait.ge [sflag:s21], $0x800  }
0x8e: {  	s18 =	simm.s32 @!p2 $0x12D80;
	s17 =	sshra.s32 @!p2 s13, $0x2;
	[sflag:s21] =	ssyncset.done $0x0  }
0x8f: {  	s19 =	simm.s32 @!p2 $0x80;
	s17 =	sadd.s32 @!p2 $0x280, s17;
	[sflag:s21] =	ssyncadd.s32 $0xFFFFF800  }
0x90: {  	[tilespmem:s18], [sflag:$0x1] =	stream.indirect.gather @!p2 [hbm4b:s6+s19], $0x40, s17, s19, $0xb8;
	[tilespmem:$0x1FCA0] =	vst v63  }
0x91: {  	_ =	swait.ge [sflag:s23], $0x2000  }
0x92: {  	[sflag:s23] =	ssyncset.done $0x0  }
0x93: {  	s17 =	sadd.s32 $0x4900, s16;
	[sflag:s23] =	ssyncadd.s32 $0xFFFFE000  }
0x94: {  	[spmem:s3] =	stream.indirect.scatter.add.f32 [tilespmem:s26], [sflag:$0x6], $0x40, s17, s24, $0xb8;
	[tilespmem:$0x1FCA0] =	vst v63  }
0x95: {  	_ =	swait.ge [sflag:s21], $0x2000  }
0x96: {  	[sflag:s21] =	ssyncset.done $0x0  }
0x97: {  	s18 =	sadd.s32 $0xFFFFFFFD, s12;
	[sflag:s21] =	ssyncadd.s32 $0xFFFFE000  }
0x98: {  	[spmem:s4] =	stream.indirect.scatter.add.f32 [tilespmem:s22], [sflag:$0x6], $0x10, s17, s24, $0xb8;
	[tilespmem:$0x1FCA0] =	vst v63  }
0x99: {  	p2 =	sge.u32 s18, s7;
	_ =	swait.ge [sflag:s21], $0x800  }
0x9a: {  	s18 =	simm.s32 @!p2 $0x14D80;
	s17 =	sshra.s32 @!p2 s13, $0x2;
	[sflag:s21] =	ssyncset.done $0x0  }
0x9b: {  	s19 =	simm.s32 @!p2 $0x80;
	s17 =	sadd.s32 @!p2 $0x300, s17;
	[sflag:s21] =	ssyncadd.s32 $0xFFFFF800  }
0x9c: {  	[tilespmem:s18], [sflag:$0x2] =	stream.indirect.gather @!p2 [hbm4b:s6+s19], $0x40, s17, s19, $0xb8;
	[tilespmem:$0x1FCA0] =	vst v63  }
0x9d: {  	_ =	swait.ge [sflag:s28], $0x2000  }
0x9e: {  	[sflag:s28] =	ssyncset.done $0x0  }
0x9f: {  	s17 =	sadd.s32 $0x4980, s16;
	[sflag:s28] =	ssyncadd.s32 $0xFFFFE000  }
0xa0: {  	[spmem:s3] =	stream.indirect.scatter.add.f32 [tilespmem:s29], [sflag:$0x6], $0x40, s17, s24, $0xb8;
	[tilespmem:$0x1FCA0] =	vst v63  }
0xa1: {  	_ =	swait.ge [sflag:s21], $0x2000  }
0xa2: {  	[sflag:s21] =	ssyncset.done $0x0  }
0xa3: {  	s18 =	sadd.s32 $0xFFFFFFFE, s12;
	[sflag:s21] =	ssyncadd.s32 $0xFFFFE000  }
0xa4: {  	[spmem:s4] =	stream.indirect.scatter.add.f32 [tilespmem:s22], [sflag:$0x6], $0x10, s17, s24, $0xb8;
	[tilespmem:$0x1FCA0] =	vst v63  }
0xa5: {  	p2 =	sge.u32 s18, s7;
	_ =	swait.ge [sflag:s21], $0x800  }
0xa6: {  	s18 =	simm.s32 @!p2 $0x16D80;
	s17 =	sshra.s32 @!p2 s13, $0x2;
	[sflag:s21] =	ssyncset.done $0x0  }
0xa7: {  	s19 =	simm.s32 @!p2 $0x80;
	s17 =	sadd.s32 @!p2 $0x380, s17;
	[sflag:s21] =	ssyncadd.s32 $0xFFFFF800  }
0xa8: {  	[tilespmem:s18], [sflag:$0x3] =	stream.indirect.gather @!p2 [hbm4b:s6+s19], $0x40, s17, s19, $0xb8;
	[tilespmem:$0x1FCA0] =	vst v63  }
0xa9: {  	_ =	swait.ge [sflag:s30], $0x2000  }
0xaa: {  	[sflag:s30] =	ssyncset.done $0x0  }
0xab: {  	s17 =	sadd.s32 $0x4A00, s16;
	[sflag:s30] =	ssyncadd.s32 $0xFFFFE000  }
0xac: {  	[spmem:s3] =	stream.indirect.scatter.add.f32 [tilespmem:s31], [sflag:$0x6], $0x40, s17, s24, $0xb8;
	[tilespmem:$0x1FCA0] =	vst v63  }
0xad: {  	_ =	swait.ge [sflag:s21], $0x2000  }
0xae: {  	[sflag:s21] =	ssyncset.done $0x0  }
0xaf: {  	s18 =	sadd.s32 $0xFFFFFFFF, s12;
	[sflag:s21] =	ssyncadd.s32 $0xFFFFE000  }
0xb0: {  	[spmem:s4] =	stream.indirect.scatter.add.f32 [tilespmem:s22], [sflag:$0x6], $0x10, s17, s24, $0xb8;
	[tilespmem:$0x1FCA0] =	vst v63  }
0xb1: {  	p2 =	sge.u32 s18, s7;
	_ =	swait.ge [sflag:s21], $0x800  }
0xb2: {  	s18 =	simm.s32 @!p2 $0x18D80;
	s17 =	sshra.s32 @!p2 s13, $0x2;
	[sflag:s21] =	ssyncset.done $0x0  }
0xb3: {  	s19 =	simm.s32 @!p2 $0x80;
	s17 =	sadd.s32 @!p2 $0x400, s17;
	[sflag:s21] =	ssyncadd.s32 $0xFFFFF800  }
0xb4: {  	[tilespmem:s18], [sflag:$0x4] =	stream.indirect.gather @!p2 [hbm4b:s6+s19], $0x40, s17, s19, $0xb8;
	[tilespmem:$0x1FCA0] =	vst v63  }
0xb5: {  	_ =	swait.ge [sflag:s0], $0x2000  }
0xb6: {  	[sflag:s0] =	ssyncset.done $0x0  }
0xb7: {  	s16 =	sadd.s32 $0x4A80, s16;
	[sflag:s0] =	ssyncadd.s32 $0xFFFFE000  }
0xb8: {  	[spmem:s3] =	stream.indirect.scatter.add.f32 [tilespmem:s2], [sflag:$0x6], $0x40, s16, s24, $0xb8;
	[tilespmem:$0x1FCA0] =	vst v63  }
0xb9: {  	_ =	swait.ge [sflag:s21], $0x2000  }
0xba: {  	[sflag:s21] =	ssyncset.done $0x0  }
.Ltmp1:
0xbb: {  	s12 =	sadd.s32 $0x5, s12;
	[sflag:s21] =	ssyncadd.s32 $0xFFFFE000;
	(pc) =	sbr.rel @p1 .LBB2_2-.Ltmp1, $4  }
0xbc: {  	[spmem:s4] =	stream.indirect.scatter.add.f32 [tilespmem:s22], [sflag:$0x6], $0x10, s16, s24, $0xb8;
	[tilespmem:$0x1FCA0] =	vst v63  }
0xbd: {  	s13 =	sadd.s32 $0xA00, s13;
	p2 =	sge.u32 s14, s7;
	_ =	swait.ge [sflag:s21], $0x800  }
0xbe: {  	s15 =	sshra.s32 @!p2 s15, $0x2;
	s14 =	simm.s32 @!p2 $0x1AD80;
	[sflag:s21] =	ssyncset.done $0x0  }
0xbf: {  	s15 =	sadd.s32 @!p2 $0x480, s15;
	s16 =	simm.s32 @!p2 $0x80;
	[sflag:s21] =	ssyncadd.s32 $0xFFFFF800  }
.LBB2_3:
0xc0: {  	[tilespmem:s14], [sflag:$0x5] =	stream.indirect.gather @!p2 [hbm4b:s6+s16], $0x40, s15, s16, $0xb8;
	[tilespmem:$0x1FCA0] =	vst v63  }
0xc1: {  	[bflag:$0x0] =	sbarrier.arrive $0xFFFF  }
0xc2: {  	s11 =	rddreg [dreg:$0xd]  }
0xc3: {  	[hbm:s11], [sflag:s9] =	dma.local [spmem:s20], $0x1390  }
0xc4: {  	_ =	swait.ge [sflag:s21], $0x1390  }
0xc5: {  	[sflag:s21] =	ssyncset.done $0x0  }
0xc6: {  	s18 =	rddreg [dreg:$0xe];
	[sflag:s21] =	ssyncadd.s32 $0xFFFFEC70  }
0xc7: {  	[hbm:s18], [sflag:s9] =	dma.local [spmem:s10], $0x4E4  }
0xc8: {  	_ =	swait.ge [sflag:s21], $0x4E4  }
0xc9: {  	s8 =	sadd.s32 $0x1, s8;
	s19 =	rddreg [dreg:$0xf]  }
0xca: {  	p1 =	sne.s32 s8, s19  }
.Ltmp2:
0xcb: {  	_ = 	snop;
	(pc) =	sbr.rel @p1 .LBB2_1-.Ltmp2, $3  }
0xcc: {  	_ =	sdelay $0x1  }
0xcd: {  	[sflag:s21] =	ssyncset.done $0x0  }
0xce: {  	[sflag:s21] =	ssyncadd.s32 $0xFFFFFB1C  }
0xcf: {  	_ =	sfence.sel $0x180000  }
0xd0: {  	[bflag:$0x0] =	sbarrier.arrive $0xFFFF  }
0xd1: {  	_ =	strace $0x90000047  }
0xd2: {  	s0 =	stileid.u32;
	[bflag:$0x2] =	sbarrier.arrive $0xFFFF  }
0xd3: {  	p0 =	sne.s32 s0, $0x0;
	s0 =	rddreg [dreg:$0x4]  }
0xd4: {  	s0 =	sadd.s32 @!p0 $0x100000, s0  }
0xd5: {  	[sflag:s0] =	ssyncadd.tile.s32 @!p0 $0x1;
	_ =	shalt  }
.Lfunc_end2:
_tile_overlayer_lowered:
.L_overlay_start_2:
0xd6: {  	(tag) =	ssettag $0x2  }
0xd7: {  	s0 =	rddreg [dreg:$0x0];
	s2 =	stileid.u32  }
0xd8: {  	s1 =	rddreg [dreg:$0x1];
	p0 =	sne.s32 s2, $0x0  }
0xd9: {  	s3 =	rddreg [dreg:$0x2];
	[bflag:$0x3] =	sbarrier.arrive $0xFFFF;
	s2 =	simm.s32 @!p0 $0x1C06  }
0xda: {  	[timem:s3], [sflag:s2] =	dma.local @!p0 [hbm:s0], s1  }
0xdb: {  	s0 =	simm.s32 @!p0 $0x6  }
0xdc: {  	_ =	swait.ge @!p0 [sflag:s0], s1  }
0xdd: {  	s1 =	ssub.s32 @!p0 $0x0, s1;
	[sflag:s0] =	ssyncset.done @!p0 $0x0  }
0xde: {  	[sflag:s0] =	ssyncadd.s32 @!p0 s1  }
0xdf: {  	[bflag:$0x3] =	sbarrier.arrive $0xFFFF  }
0xe0: {  	_ =	shalt  }

</sc_bundles>
